<compile_context>
chip_gen: v7x
topology: tpu7x:2x2x1
jax: 0.10.2.dev20260603
libtpu: 0.0.44.dev20260713+nightly
codegen_flags: <defaults>
</compile_context>

<pallas_src>
import jax
import jax.numpy as jnp
from jax import lax
from jax.experimental import pallas as pl
from jax.experimental.pallas import tpu as pltpu
from jax.experimental.pallas import tpu_sc as plsc

K_FRAC = 0.1

NC, NS, L = 2, 16, 16
NW = NC * NS

ROWS = 16384
D = 2048
ROWS_SC = 6144
ROWS_PER_W = ROWS_SC // NW
GROUPS = ROWS_PER_W // L

IMIN = -2**31


def _sc_body(x_hbm, o_hbm, xb0, xb1, hist, isem0, isem1, osem0, osem1):
    k = max(1, int(D * K_FRAC))
    wid = lax.axis_index("s") * NC + lax.axis_index("c")
    lane = lax.iota(jnp.int32, L)
    ones = jnp.ones((L,), jnp.int32)
    zeros = jnp.zeros((L,), jnp.int32)
    kv = jnp.full((L,), k, jnp.int32)
    row0 = wid * ROWS_PER_W

    bufs = (xb0, xb1)
    isems = (isem0, isem1)
    osems = (osem0, osem1)

    def start_in(g, b):
        return pltpu.async_copy(
            x_hbm.at[pl.ds((row0 + g * L), L), :], bufs[b], isems[b])

    def start_out(g, b):
        return pltpu.async_copy(
            bufs[b], o_hbm.at[pl.ds((row0 + g * L), L), :], osems[b])

    @plsc.parallel_loop(0, 256, unroll=8)
    def _z(i):
        hist[pl.ds(i * L, L)] = zeros

    def select(kcur):
        @plsc.parallel_loop(0, 256, unroll=8, carry=(zeros, zeros, zeros))
        def res(i, carry):
            acc, chosen, cntgt = carry
            d = 255 - i
            h = hist[pl.ds(d * L, L)]
            hist[pl.ds(d * L, L)] = zeros
            acc2 = acc + h
            newly = (acc < kcur) & (acc2 >= kcur)
            dv = jnp.full((L,), d, jnp.int32)
            chosen = jnp.where(newly, dv, chosen)
            cntgt = jnp.where(newly, acc, cntgt)
            return acc2, chosen, cntgt
        acc, chosen, cntgt = res
        return chosen, kcur - cntgt

    def compute(g, b, mid):
        xbuf = bufs[b]

        @plsc.parallel_loop(0, D, unroll=8)
        def _p1(j):
            col = (j + lane) & (D - 1)
            bits = plsc.bitcast(
                plsc.load_gather(xbuf, [lane, col]), jnp.int32)
            u = bits ^ (lax.shift_right_arithmetic(bits, 31) | IMIN)
            plsc.store_scatter(xbuf, [lane, col],
                               plsc.bitcast(u, jnp.float32))
            addr = (lax.shift_right_logical(u, 20) & 0xFF0) | lane
            plsc.addupdate_scatter(hist, [addr], ones)

        mid()

        d1, k2 = select(kv)

        @plsc.parallel_loop(0, D, unroll=8)
        def _p2(j):
            col = (j + lane) & (D - 1)
            u = plsc.bitcast(plsc.load_gather(xbuf, [lane, col]), jnp.int32)
            match = lax.shift_right_logical(u, 24) == d1
            addr = (lax.shift_right_logical(u, 12) & 0xFF0) | lane
            plsc.addupdate_scatter(hist, [addr], ones, mask=match)

        d2, _ = select(k2)

        t_u = ((d1 << 8) | d2) << 16
        tbits = t_u ^ (~lax.shift_right_arithmetic(t_u, 31) | IMIN)
        t = plsc.bitcast(tbits, jnp.float32)

        @plsc.parallel_loop(0, D, unroll=8)
        def _ap(j):
            col = (j + lane) & (D - 1)
            u = plsc.bitcast(plsc.load_gather(xbuf, [lane, col]), jnp.int32)
            xb = u ^ (~lax.shift_right_arithmetic(u, 31) | IMIN)
            v = plsc.bitcast(xb, jnp.float32)
            y = v / (1.0 + jnp.exp(t - v))
            plsc.store_scatter(xbuf, [lane, col], y)

    def wait_in(g, b):
        pltpu.make_async_copy(
            x_hbm.at[pl.ds((row0 + g * L), L), :], bufs[b],
            isems[b]).wait()

    def wait_out(g, b):
        pltpu.make_async_copy(
            bufs[b], o_hbm.at[pl.ds((row0 + g * L), L), :],
            osems[b]).wait()

    start_in(0, 0)
    start_in(1, 1)

    def pair(h, c):
        wait_in(2 * h, 0)

        def mid0():
            @pl.when(h > 0)
            def _():
                wait_out(2 * h - 1, 1)
                start_in(2 * h + 1, 1)

        compute(2 * h, 0, mid0)
        start_out(2 * h, 0)

        def mid1():
            @pl.when(h + 1 < GROUPS // 2)
            def _():
                wait_out(2 * h, 0)
                start_in(2 * h + 2, 0)

        wait_in(2 * h + 1, 1)
        compute(2 * h + 1, 1, mid1)
        start_out(2 * h + 1, 1)

        @pl.when(h + 1 >= GROUPS // 2)
        def _():
            wait_out(2 * h, 0)
        return c

    lax.fori_loop(0, GROUPS // 2, pair, 0)
    wait_out(GROUPS - 1, 1)


def _tc_body(x_ref, o_ref):
    x = x_ref[...]
    rows, d = x.shape
    k = max(1, int(d * K_FRAC))
    u = pltpu.bitcast(x, jnp.uint32)
    neg = (u >> 31) == 1
    u = jnp.where(neg, ~u, u | jnp.uint32(0x80000000))
    prefix = jnp.zeros((rows, 1), jnp.uint32)
    for bit in range(31, 15, -1):
        cand = prefix | jnp.uint32(1 << bit)
        cnt = jnp.sum((u >= cand).astype(jnp.int32), axis=1, keepdims=True)
        prefix = jnp.where(cnt >= k, cand, prefix)
    tneg = (prefix >> 31) == 0
    tbits = jnp.where(tneg, ~prefix, prefix & jnp.uint32(0x7FFFFFFF))
    t = pltpu.bitcast(tbits, jnp.float32)
    o_ref[...] = x * (1.0 / (1.0 + jnp.exp(t - x)))


def _tc_call(xf):
    rows_blk = 512
    rows = ROWS - ROWS_SC
    off = ROWS_SC // rows_blk
    return pl.pallas_call(
        _tc_body,
        grid=(rows // rows_blk,),
        in_specs=[pl.BlockSpec((rows_blk, D), lambda i: (i + off, 0))],
        out_specs=pl.BlockSpec((rows_blk, D), lambda i: (i + off, 0)),
        out_shape=jax.ShapeDtypeStruct((ROWS, D), jnp.float32),
    )(xf)


def kernel(x):
    b, s, d = x.shape
    xf = x.reshape(b * s, d)
    mesh = plsc.VectorSubcoreMesh(
        core_axis_name="c", subcore_axis_name="s",
        num_cores=NC, num_subcores=NS)
    fn = pl.kernel(
        _sc_body,
        out_type=jax.ShapeDtypeStruct((ROWS_SC, D), jnp.float32),
        mesh=mesh,
        compiler_params=pltpu.CompilerParams(needs_layout_passes=False),
        scratch_types=[
            pltpu.VMEM((L, D), jnp.float32),
            pltpu.VMEM((L, D), jnp.float32),
            pltpu.VMEM((256 * L,), jnp.int32),
            pltpu.SemaphoreType.DMA,
            pltpu.SemaphoreType.DMA,
            pltpu.SemaphoreType.DMA,
            pltpu.SemaphoreType.DMA,
        ],
    )
    sc_out = fn(xf)
    tc_out = _tc_call(xf)
    out = lax.dynamic_update_slice(tc_out, sc_out, (0, 0))
    return out.reshape(b, s, d)

# --- scband reference (transcript-rebuilt; emitter-appended) ---
"""Pipeline reference for scband-sparse-activation-25494925869761 (READ-ONLY COPY).

The authoritative reference and input builder live on the scoring server;
editing this copy changes nothing except your own understanding.
"""

import jax, jax.numpy as jnp
import numpy as np

K_RATIO = 0.1
TEMPERATURE = 1.0

def setup_inputs(seed: int = 0) -> dict:
    key = jax.random.key(seed)
    x = jax.random.normal(key, (4, 4096, 2048), dtype=jnp.float32)
    return {"x": x}

def reference(x):
    # training-mode branch (nn.Module default is training=True):
    # soft k-winner-take-all mask via sigmoid around the k-th largest value
    d = x.shape[-1]
    k = max(1, int(d * K_RATIO))
    topk_vals, _ = jax.lax.top_k(x, k)
    threshold = topk_vals[..., -1:]
    mask = jax.nn.sigmoid((x - threshold) / TEMPERATURE)
    return x * mask

if __name__ == "__main__":
    import jax
    _d = setup_inputs()
    print(jax.jit(kernel)(*tuple(_d.values())))

</pallas_src>

<mosaic_0001>
#map = affine_map<(d0, d1) -> (0, 0)>
module attributes {stable_mosaic.version = 14 : i64} {
  func.func @_sc_body(%arg0: i32, %arg1: i32, %arg2: memref<16384x2048xf32, #tpu.memory_space<hbm>>, %arg3: memref<6144x2048xf32, #tpu.memory_space<hbm>>, %arg4: memref<16x2048xf32, #tpu.memory_space<vmem>>, %arg5: memref<16x2048xf32, #tpu.memory_space<vmem>>, %arg6: memref<4096xi32, #tpu.memory_space<vmem>>, %arg7: memref<!tpu.dma_semaphore, #tpu.memory_space<semaphore_mem>>, %arg8: memref<!tpu.dma_semaphore, #tpu.memory_space<semaphore_mem>>, %arg9: memref<!tpu.dma_semaphore, #tpu.memory_space<semaphore_mem>>, %arg10: memref<!tpu.dma_semaphore, #tpu.memory_space<semaphore_mem>>) attributes {dimension_semantics = [#tpu.dimension_semantics<core_parallel>, #tpu.dimension_semantics<subcore_parallel>], iteration_bounds = array<i64: 2, 16>, scalar_prefetch = 0 : i64, scratch_operands = 7 : i64, tpu.core_type = #tpu.core_type<sc_vector_subcore>, window_params = [{transform_indices = #map}, {transform_indices = #map}]} {
    %mul3A = arith.constant 2 : i32
    %mul3A_0 = arith.muli %arg1, %mul3A : i32
    %add3A = arith.addi %mul3A_0, %arg0 : i32
    %iota3A = tpu.iota {dimensions = array<i32: 0>} : vector<16xi32>
    %broadcast_in_dim3A = arith.constant 1 : i32
    %broadcast_in_dim3A_1 = vector.broadcast %broadcast_in_dim3A : i32 to vector<16xi32>
    %broadcast_in_dim3A_2 = arith.constant 0 : i32
    %broadcast_in_dim3A_3 = vector.broadcast %broadcast_in_dim3A_2 : i32 to vector<16xi32>
    %broadcast_in_dim3A_4 = arith.constant 204 : i32
    %broadcast_in_dim3A_5 = vector.broadcast %broadcast_in_dim3A_4 : i32 to vector<16xi32>
    %mul3A_6 = arith.constant 192 : i32
    %mul3A_7 = arith.muli %add3A, %mul3A_6 : i32
    %parallel_loop3A = arith.constant 0 : i32
    %parallel_loop3A_8 = arith.constant 256 : i32
    %parallel_loop3A_9 = arith.constant 1 : i32
    scf.for %parallel_loop3A_31 = %parallel_loop3A to %parallel_loop3A_8 step %parallel_loop3A_9  : i32 {
      %parallel_loop3A_32 = arith.constant 16 : i32
      %parallel_loop3A_33 = arith.muli %parallel_loop3A_31, %parallel_loop3A_32 : i32
      %parallel_loop3A_34 = arith.index_cast %parallel_loop3A_33 : i32 to index
      %parallel_loop3A_35 = tpu.vector_load %arg6[%parallel_loop3A_34] {strides = array<i32>} : memref<4096xi32, #tpu.memory_space<vmem>>, vector<16xi32>,
      tpu.vector_store %arg6[%parallel_loop3A_34], %broadcast_in_dim3A_3 {strides = array<i32>} : memref<4096xi32, #tpu.memory_space<vmem>>, vector<16xi32>,
    } {sc.loop_unroll_factor = 8 : i64, sc.parallel_access}
    %add3A_10 = arith.constant 0 : i32
    %add3A_11 = arith.addi %mul3A_7, %add3A_10 : i32
    %dma_start3A = arith.constant 0 : i32
    %dma_start3A_12 = tpu.memref_slice %arg2[%add3A_11, %dma_start3A] : memref<16384x2048xf32, #tpu.memory_space<hbm>> -> memref<16x2048xf32, #tpu.memory_space<hbm>>
    %dma_start3A_13 = arith.constant 0 : i32
    %dma_start3A_14 = tpu.memref_slice %arg2[%add3A_11, %dma_start3A_13] : memref<16384x2048xf32, #tpu.memory_space<hbm>> -> memref<16x2048xf32, #tpu.memory_space<hbm>>
    tpu.enqueue_dma source(%dma_start3A_14 : memref<16x2048xf32, #tpu.memory_space<hbm>>) target(%arg4 : memref<16x2048xf32, #tpu.memory_space<vmem>>) target_semaphore(%arg7 : memref<!tpu.dma_semaphore, #tpu.memory_space<semaphore_mem>>)
    %add3A_15 = arith.constant 16 : i32
    %add3A_16 = arith.addi %mul3A_7, %add3A_15 : i32
    %dma_start3A_17 = arith.constant 0 : i32
    %dma_start3A_18 = tpu.memref_slice %arg2[%add3A_16, %dma_start3A_17] : memref<16384x2048xf32, #tpu.memory_space<hbm>> -> memref<16x2048xf32, #tpu.memory_space<hbm>>
    %dma_start3A_19 = arith.constant 0 : i32
    %dma_start3A_20 = tpu.memref_slice %arg2[%add3A_16, %dma_start3A_19] : memref<16384x2048xf32, #tpu.memory_space<hbm>> -> memref<16x2048xf32, #tpu.memory_space<hbm>>
    tpu.enqueue_dma source(%dma_start3A_20 : memref<16x2048xf32, #tpu.memory_space<hbm>>) target(%arg5 : memref<16x2048xf32, #tpu.memory_space<vmem>>) target_semaphore(%arg8 : memref<!tpu.dma_semaphore, #tpu.memory_space<semaphore_mem>>)
    %scan3A = arith.constant 0 : i32
    %scan3A_21 = arith.constant 0 : i32
    %scan3A_22 = arith.constant 6 : i32
    %scan3A_23 = arith.addi %scan3A_21, %scan3A_22 : i32
    %scan3A_24 = arith.constant 1 : i32
    scf.for %scan3A_31 = %scan3A_21 to %scan3A_23 step %scan3A_24  : i32 {
      %mul3A_32 = arith.constant 2 : i32
      %mul3A_33 = arith.muli %mul3A_32, %scan3A_31 : i32
      %mul3A_34 = arith.constant 16 : i32
      %mul3A_35 = arith.muli %mul3A_33, %mul3A_34 : i32
      %add3A_36 = arith.addi %mul3A_7, %mul3A_35 : i32
      %dma_wait3A_37 = arith.constant 0 : i32
      %dma_wait3A_38 = tpu.memref_slice %arg2[%add3A_36, %dma_wait3A_37] : memref<16384x2048xf32, #tpu.memory_space<hbm>> -> memref<16x2048xf32, #tpu.memory_space<hbm>>
      %dma_wait3A_39 = arith.constant 0 : i32
      %dma_wait3A_40 = tpu.memref_slice %arg2[%add3A_36, %dma_wait3A_39] : memref<16384x2048xf32, #tpu.memory_space<hbm>> -> memref<16x2048xf32, #tpu.memory_space<hbm>>
      tpu.wait_dma2 semaphore(%arg7 : memref<!tpu.dma_semaphore, #tpu.memory_space<semaphore_mem>>) src(%dma_wait3A_40 : memref<16x2048xf32, #tpu.memory_space<hbm>>) dst(%arg4 : memref<16x2048xf32, #tpu.memory_space<vmem>>)
      %mul3A_41 = arith.constant 2 : i32
      %mul3A_42 = arith.muli %mul3A_41, %scan3A_31 : i32
      %parallel_loop3A_43 = arith.constant 0 : i32
      %parallel_loop3A_44 = arith.constant 2048 : i32
      %parallel_loop3A_45 = arith.constant 1 : i32
      scf.for %parallel_loop3A_157 = %parallel_loop3A_43 to %parallel_loop3A_44 step %parallel_loop3A_45  : i32 {
        %parallel_loop3A_158 = vector.broadcast %parallel_loop3A_157 : i32 to vector<16xi32>
        %parallel_loop3A_159 = arith.addi %parallel_loop3A_158, %iota3A : vector<16xi32>
        %parallel_loop3A_160 = arith.constant 2047 : i32
        %parallel_loop3A_161 = vector.broadcast %parallel_loop3A_160 : i32 to vector<16xi32>
        %parallel_loop3A_162 = arith.andi %parallel_loop3A_159, %parallel_loop3A_161 : vector<16xi32>
        %parallel_loop3A_163 = tpu.vector_load_idx %arg4[%iota3A, %parallel_loop3A_162] : memref<16x2048xf32, #tpu.memory_space<vmem>>[vector<16xi32>, vector<16xi32>], vector<16xf32>,
        %parallel_loop3A_164 = vector.bitcast %parallel_loop3A_163 : vector<16xf32> to vector<16xi32>
        %parallel_loop3A_165 = arith.constant 31 : i32
        %parallel_loop3A_166 = vector.broadcast %parallel_loop3A_165 : i32 to vector<16xi32>
        %parallel_loop3A_167 = arith.shrsi %parallel_loop3A_164, %parallel_loop3A_166 : vector<16xi32>
        %parallel_loop3A_168 = arith.constant -2147483648 : i32
        %parallel_loop3A_169 = vector.broadcast %parallel_loop3A_168 : i32 to vector<16xi32>
        %parallel_loop3A_170 = arith.ori %parallel_loop3A_167, %parallel_loop3A_169 : vector<16xi32>
        %parallel_loop3A_171 = arith.xori %parallel_loop3A_164, %parallel_loop3A_170 : vector<16xi32>
        %parallel_loop3A_172 = vector.bitcast %parallel_loop3A_171 : vector<16xi32> to vector<16xf32>
        tpu.vector_store_idx %arg4[%iota3A, %parallel_loop3A_162], %parallel_loop3A_172 : memref<16x2048xf32, #tpu.memory_space<vmem>>[vector<16xi32>, vector<16xi32>], vector<16xf32>,
        %parallel_loop3A_173 = arith.constant 20 : i32
        %parallel_loop3A_174 = vector.broadcast %parallel_loop3A_173 : i32 to vector<16xi32>
        %parallel_loop3A_175 = arith.shrui %parallel_loop3A_171, %parallel_loop3A_174 : vector<16xi32>
        %parallel_loop3A_176 = arith.constant 4080 : i32
        %parallel_loop3A_177 = vector.broadcast %parallel_loop3A_176 : i32 to vector<16xi32>
        %parallel_loop3A_178 = arith.andi %parallel_loop3A_175, %parallel_loop3A_177 : vector<16xi32>
        %parallel_loop3A_179 = arith.ori %parallel_loop3A_178, %iota3A : vector<16xi32>
        tpu.vector_store_idx %arg6[%parallel_loop3A_179], %broadcast_in_dim3A_1 {add = true} : memref<4096xi32, #tpu.memory_space<vmem>>[vector<16xi32>], vector<16xi32>,
      } {sc.loop_unroll_factor = 8 : i64, sc.parallel_access}
      %gt3A = arith.constant 0 : i32
      %gt3A_46 = arith.cmpi sgt, %scan3A_31, %gt3A : i32
      %convert_element_type3A = arith.extui %gt3A_46 : i1 to i32
      %cond3A = arith.constant 0 : i32
      %cond3A_47 = arith.cmpi ne, %convert_element_type3A, %cond3A : i32
      scf.if %cond3A_47 {
        %mul3A_157 = arith.constant 2 : i32
        %mul3A_158 = arith.muli %mul3A_157, %scan3A_31 : i32
        %sub3A_159 = arith.constant 1 : i32
        %sub3A_160 = arith.subi %mul3A_158, %sub3A_159 : i32
        %mul3A_161 = arith.constant 16 : i32
        %mul3A_162 = arith.muli %sub3A_160, %mul3A_161 : i32
        %add3A_163 = arith.addi %mul3A_7, %mul3A_162 : i32
        %dma_wait3A_164 = arith.constant 0 : i32
        %dma_wait3A_165 = tpu.memref_slice %arg3[%add3A_163, %dma_wait3A_164] : memref<6144x2048xf32, #tpu.memory_space<hbm>> -> memref<16x2048xf32, #tpu.memory_space<hbm>>
        %dma_wait3A_166 = arith.constant 0 : i32
        %dma_wait3A_167 = tpu.memref_slice %arg3[%add3A_163, %dma_wait3A_166] : memref<6144x2048xf32, #tpu.memory_space<hbm>> -> memref<16x2048xf32, #tpu.memory_space<hbm>>
        tpu.wait_dma2 semaphore(%arg10 : memref<!tpu.dma_semaphore, #tpu.memory_space<semaphore_mem>>) src(%arg5 : memref<16x2048xf32, #tpu.memory_space<vmem>>) dst(%dma_wait3A_167 : memref<16x2048xf32, #tpu.memory_space<hbm>>)
        %mul3A_168 = arith.constant 2 : i32
        %mul3A_169 = arith.muli %mul3A_168, %scan3A_31 : i32
        %add3A_170 = arith.constant 1 : i32
        %add3A_171 = arith.addi %mul3A_169, %add3A_170 : i32
        %mul3A_172 = arith.constant 16 : i32
        %mul3A_173 = arith.muli %add3A_171, %mul3A_172 : i32
        %add3A_174 = arith.addi %mul3A_7, %mul3A_173 : i32
        %dma_start3A_175 = arith.constant 0 : i32
        %dma_start3A_176 = tpu.memref_slice %arg2[%add3A_174, %dma_start3A_175] : memref<16384x2048xf32, #tpu.memory_space<hbm>> -> memref<16x2048xf32, #tpu.memory_space<hbm>>
        %dma_start3A_177 = arith.constant 0 : i32
        %dma_start3A_178 = tpu.memref_slice %arg2[%add3A_174, %dma_start3A_177] : memref<16384x2048xf32, #tpu.memory_space<hbm>> -> memref<16x2048xf32, #tpu.memory_space<hbm>>
        tpu.enqueue_dma source(%dma_start3A_178 : memref<16x2048xf32, #tpu.memory_space<hbm>>) target(%arg5 : memref<16x2048xf32, #tpu.memory_space<vmem>>) target_semaphore(%arg8 : memref<!tpu.dma_semaphore, #tpu.memory_space<semaphore_mem>>)
      } else {
      }
      %parallel_loop3A_48 = arith.constant 0 : i32
      %parallel_loop3A_49 = arith.constant 256 : i32
      %parallel_loop3A_50 = arith.constant 1 : i32
      %parallel_loop3A_51:3 = scf.for %parallel_loop3A_157 = %parallel_loop3A_48 to %parallel_loop3A_49 step %parallel_loop3A_50 iter_args(%parallel_loop3A_158 = %broadcast_in_dim3A_3, %parallel_loop3A_159 = %broadcast_in_dim3A_3, %parallel_loop3A_160 = %broadcast_in_dim3A_3) -> (vector<16xi32>, vector<16xi32>, vector<16xi32>)  : i32 {
        %parallel_loop3A_161 = arith.constant 255 : i32
        %parallel_loop3A_162 = arith.subi %parallel_loop3A_161, %parallel_loop3A_157 : i32
        %parallel_loop3A_163 = arith.constant 16 : i32
        %parallel_loop3A_164 = arith.muli %parallel_loop3A_162, %parallel_loop3A_163 : i32
        %parallel_loop3A_165 = arith.index_cast %parallel_loop3A_164 : i32 to index
        %parallel_loop3A_166 = tpu.vector_load %arg6[%parallel_loop3A_165] {strides = array<i32>} : memref<4096xi32, #tpu.memory_space<vmem>>, vector<16xi32>,
        %parallel_loop3A_167 = arith.constant 16 : i32
        %parallel_loop3A_168 = arith.muli %parallel_loop3A_162, %parallel_loop3A_167 : i32
        %parallel_loop3A_169 = arith.index_cast %parallel_loop3A_168 : i32 to index
        %parallel_loop3A_170 = tpu.vector_load %arg6[%parallel_loop3A_169] {strides = array<i32>} : memref<4096xi32, #tpu.memory_space<vmem>>, vector<16xi32>,
        tpu.vector_store %arg6[%parallel_loop3A_169], %broadcast_in_dim3A_3 {strides = array<i32>} : memref<4096xi32, #tpu.memory_space<vmem>>, vector<16xi32>,
        %parallel_loop3A_171 = arith.addi %parallel_loop3A_158, %parallel_loop3A_166 : vector<16xi32>
        %parallel_loop3A_172 = arith.cmpi slt, %parallel_loop3A_158, %broadcast_in_dim3A_5 : vector<16xi32>
        %parallel_loop3A_173 = arith.cmpi sge, %parallel_loop3A_171, %broadcast_in_dim3A_5 : vector<16xi32>
        %parallel_loop3A_174 = arith.andi %parallel_loop3A_172, %parallel_loop3A_173 : vector<16xi1>
        %parallel_loop3A_175 = vector.broadcast %parallel_loop3A_162 : i32 to vector<16xi32>
        %parallel_loop3A_176 = arith.select %parallel_loop3A_174, %parallel_loop3A_175, %parallel_loop3A_159 : vector<16xi1>, vector<16xi32>
        %parallel_loop3A_177 = arith.select %parallel_loop3A_174, %parallel_loop3A_158, %parallel_loop3A_160 : vector<16xi1>, vector<16xi32>
        scf.yield %parallel_loop3A_171, %parallel_loop3A_176, %parallel_loop3A_177 : vector<16xi32>, vector<16xi32>, vector<16xi32>
      } {sc.loop_unroll_factor = 8 : i64, sc.parallel_access}
      %sub3A = arith.subi %broadcast_in_dim3A_5, %parallel_loop3A_51#2 : vector<16xi32>
      %parallel_loop3A_52 = arith.constant 0 : i32
      %parallel_loop3A_53 = arith.constant 2048 : i32
      %parallel_loop3A_54 = arith.constant 1 : i32
      scf.for %parallel_loop3A_157 = %parallel_loop3A_52 to %parallel_loop3A_53 step %parallel_loop3A_54  : i32 {
        %parallel_loop3A_158 = vector.broadcast %parallel_loop3A_157 : i32 to vector<16xi32>
        %parallel_loop3A_159 = arith.addi %parallel_loop3A_158, %iota3A : vector<16xi32>
        %parallel_loop3A_160 = arith.constant 2047 : i32
        %parallel_loop3A_161 = vector.broadcast %parallel_loop3A_160 : i32 to vector<16xi32>
        %parallel_loop3A_162 = arith.andi %parallel_loop3A_159, %parallel_loop3A_161 : vector<16xi32>
        %parallel_loop3A_163 = tpu.vector_load_idx %arg4[%iota3A, %parallel_loop3A_162] : memref<16x2048xf32, #tpu.memory_space<vmem>>[vector<16xi32>, vector<16xi32>], vector<16xf32>,
        %parallel_loop3A_164 = vector.bitcast %parallel_loop3A_163 : vector<16xf32> to vector<16xi32>
        %parallel_loop3A_165 = arith.constant 24 : i32
        %parallel_loop3A_166 = vector.broadcast %parallel_loop3A_165 : i32 to vector<16xi32>
        %parallel_loop3A_167 = arith.shrui %parallel_loop3A_164, %parallel_loop3A_166 : vector<16xi32>
        %parallel_loop3A_168 = arith.cmpi eq, %parallel_loop3A_167, %parallel_loop3A_51#1 : vector<16xi32>
        %parallel_loop3A_169 = arith.constant 12 : i32
        %parallel_loop3A_170 = vector.broadcast %parallel_loop3A_169 : i32 to vector<16xi32>
        %parallel_loop3A_171 = arith.shrui %parallel_loop3A_164, %parallel_loop3A_170 : vector<16xi32>
        %parallel_loop3A_172 = arith.constant 4080 : i32
        %parallel_loop3A_173 = vector.broadcast %parallel_loop3A_172 : i32 to vector<16xi32>
        %parallel_loop3A_174 = arith.andi %parallel_loop3A_171, %parallel_loop3A_173 : vector<16xi32>
        %parallel_loop3A_175 = arith.ori %parallel_loop3A_174, %iota3A : vector<16xi32>
        tpu.vector_store_idx %arg6[%parallel_loop3A_175], %broadcast_in_dim3A_1 masked %parallel_loop3A_168 {add = true} : memref<4096xi32, #tpu.memory_space<vmem>>[vector<16xi32>], vector<16xi32>, vector<16xi1>
      } {sc.loop_unroll_factor = 8 : i64, sc.parallel_access}
      %parallel_loop3A_55 = arith.constant 0 : i32
      %parallel_loop3A_56 = arith.constant 256 : i32
      %parallel_loop3A_57 = arith.constant 1 : i32
      %parallel_loop3A_58:3 = scf.for %parallel_loop3A_157 = %parallel_loop3A_55 to %parallel_loop3A_56 step %parallel_loop3A_57 iter_args(%parallel_loop3A_158 = %broadcast_in_dim3A_3, %parallel_loop3A_159 = %broadcast_in_dim3A_3, %parallel_loop3A_160 = %broadcast_in_dim3A_3) -> (vector<16xi32>, vector<16xi32>, vector<16xi32>)  : i32 {
        %parallel_loop3A_161 = arith.constant 255 : i32
        %parallel_loop3A_162 = arith.subi %parallel_loop3A_161, %parallel_loop3A_157 : i32
        %parallel_loop3A_163 = arith.constant 16 : i32
        %parallel_loop3A_164 = arith.muli %parallel_loop3A_162, %parallel_loop3A_163 : i32
        %parallel_loop3A_165 = arith.index_cast %parallel_loop3A_164 : i32 to index
        %parallel_loop3A_166 = tpu.vector_load %arg6[%parallel_loop3A_165] {strides = array<i32>} : memref<4096xi32, #tpu.memory_space<vmem>>, vector<16xi32>,
        %parallel_loop3A_167 = arith.constant 16 : i32
        %parallel_loop3A_168 = arith.muli %parallel_loop3A_162, %parallel_loop3A_167 : i32
        %parallel_loop3A_169 = arith.index_cast %parallel_loop3A_168 : i32 to index
        %parallel_loop3A_170 = tpu.vector_load %arg6[%parallel_loop3A_169] {strides = array<i32>} : memref<4096xi32, #tpu.memory_space<vmem>>, vector<16xi32>,
        tpu.vector_store %arg6[%parallel_loop3A_169], %broadcast_in_dim3A_3 {strides = array<i32>} : memref<4096xi32, #tpu.memory_space<vmem>>, vector<16xi32>,
        %parallel_loop3A_171 = arith.addi %parallel_loop3A_158, %parallel_loop3A_166 : vector<16xi32>
        %parallel_loop3A_172 = arith.cmpi slt, %parallel_loop3A_158, %sub3A : vector<16xi32>
        %parallel_loop3A_173 = arith.cmpi sge, %parallel_loop3A_171, %sub3A : vector<16xi32>
        %parallel_loop3A_174 = arith.andi %parallel_loop3A_172, %parallel_loop3A_173 : vector<16xi1>
        %parallel_loop3A_175 = vector.broadcast %parallel_loop3A_162 : i32 to vector<16xi32>
        %parallel_loop3A_176 = arith.select %parallel_loop3A_174, %parallel_loop3A_175, %parallel_loop3A_159 : vector<16xi1>, vector<16xi32>
        %parallel_loop3A_177 = arith.select %parallel_loop3A_174, %parallel_loop3A_158, %parallel_loop3A_160 : vector<16xi1>, vector<16xi32>
        scf.yield %parallel_loop3A_171, %parallel_loop3A_176, %parallel_loop3A_177 : vector<16xi32>, vector<16xi32>, vector<16xi32>
      } {sc.loop_unroll_factor = 8 : i64, sc.parallel_access}
      %sub3A_59 = arith.subi %sub3A, %parallel_loop3A_58#2 : vector<16xi32>
      %shift_left3A = arith.constant 8 : i32
      %shift_left3A_60 = vector.broadcast %shift_left3A : i32 to vector<16xi32>
      %shift_left3A_61 = arith.shli %parallel_loop3A_51#1, %shift_left3A_60 : vector<16xi32>
      %or3A = arith.ori %shift_left3A_61, %parallel_loop3A_58#1 : vector<16xi32>
      %shift_left3A_62 = arith.constant 16 : i32
      %shift_left3A_63 = vector.broadcast %shift_left3A_62 : i32 to vector<16xi32>
      %shift_left3A_64 = arith.shli %or3A, %shift_left3A_63 : vector<16xi32>
      %shift_right_arithmetic3A = arith.constant 31 : i32
      %shift_right_arithmetic3A_65 = vector.broadcast %shift_right_arithmetic3A : i32 to vector<16xi32>
      %shift_right_arithmetic3A_66 = arith.shrsi %shift_left3A_64, %shift_right_arithmetic3A_65 : vector<16xi32>
      %not3A = arith.constant dense<-1> : vector<16xi32>
      %not3A_67 = arith.xori %shift_right_arithmetic3A_66, %not3A : vector<16xi32>
      %or3A_68 = arith.constant -2147483648 : i32
      %or3A_69 = vector.broadcast %or3A_68 : i32 to vector<16xi32>
      %or3A_70 = arith.ori %not3A_67, %or3A_69 : vector<16xi32>
      %xor3A = arith.xori %shift_left3A_64, %or3A_70 : vector<16xi32>
      %bitcast3A = vector.bitcast %xor3A : vector<16xi32> to vector<16xf32>
      %parallel_loop3A_71 = arith.constant 0 : i32
      %parallel_loop3A_72 = arith.constant 2048 : i32
      %parallel_loop3A_73 = arith.constant 1 : i32
      scf.for %parallel_loop3A_157 = %parallel_loop3A_71 to %parallel_loop3A_72 step %parallel_loop3A_73  : i32 {
        %parallel_loop3A_158 = vector.broadcast %parallel_loop3A_157 : i32 to vector<16xi32>
        %parallel_loop3A_159 = arith.addi %parallel_loop3A_158, %iota3A : vector<16xi32>
        %parallel_loop3A_160 = arith.constant 2047 : i32
        %parallel_loop3A_161 = vector.broadcast %parallel_loop3A_160 : i32 to vector<16xi32>
        %parallel_loop3A_162 = arith.andi %parallel_loop3A_159, %parallel_loop3A_161 : vector<16xi32>
        %parallel_loop3A_163 = tpu.vector_load_idx %arg4[%iota3A, %parallel_loop3A_162] : memref<16x2048xf32, #tpu.memory_space<vmem>>[vector<16xi32>, vector<16xi32>], vector<16xf32>,
        %parallel_loop3A_164 = vector.bitcast %parallel_loop3A_163 : vector<16xf32> to vector<16xi32>
        %parallel_loop3A_165 = arith.constant 31 : i32
        %parallel_loop3A_166 = vector.broadcast %parallel_loop3A_165 : i32 to vector<16xi32>
        %parallel_loop3A_167 = arith.shrsi %parallel_loop3A_164, %parallel_loop3A_166 : vector<16xi32>
        %parallel_loop3A_168 = arith.constant dense<-1> : vector<16xi32>
        %parallel_loop3A_169 = arith.xori %parallel_loop3A_167, %parallel_loop3A_168 : vector<16xi32>
        %parallel_loop3A_170 = arith.constant -2147483648 : i32
        %parallel_loop3A_171 = vector.broadcast %parallel_loop3A_170 : i32 to vector<16xi32>
        %parallel_loop3A_172 = arith.ori %parallel_loop3A_169, %parallel_loop3A_171 : vector<16xi32>
        %parallel_loop3A_173 = arith.xori %parallel_loop3A_164, %parallel_loop3A_172 : vector<16xi32>
        %parallel_loop3A_174 = vector.bitcast %parallel_loop3A_173 : vector<16xi32> to vector<16xf32>
        %parallel_loop3A_175 = arith.subf %bitcast3A, %parallel_loop3A_174 : vector<16xf32>
        %parallel_loop3A_176 = math.exp %parallel_loop3A_175 : vector<16xf32>
        %parallel_loop3A_177 = arith.constant 1.000000e+00 : f32
        %parallel_loop3A_178 = vector.broadcast %parallel_loop3A_177 : f32 to vector<16xf32>
        %parallel_loop3A_179 = arith.addf %parallel_loop3A_178, %parallel_loop3A_176 : vector<16xf32>
        %parallel_loop3A_180 = arith.divf %parallel_loop3A_174, %parallel_loop3A_179 : vector<16xf32>
        tpu.vector_store_idx %arg4[%iota3A, %parallel_loop3A_162], %parallel_loop3A_180 : memref<16x2048xf32, #tpu.memory_space<vmem>>[vector<16xi32>, vector<16xi32>], vector<16xf32>,
      } {sc.loop_unroll_factor = 8 : i64, sc.parallel_access}
      %mul3A_74 = arith.constant 2 : i32
      %mul3A_75 = arith.muli %mul3A_74, %scan3A_31 : i32
      %mul3A_76 = arith.constant 16 : i32
      %mul3A_77 = arith.muli %mul3A_75, %mul3A_76 : i32
      %add3A_78 = arith.addi %mul3A_7, %mul3A_77 : i32
      %dma_start3A_79 = arith.constant 0 : i32
      %dma_start3A_80 = tpu.memref_slice %arg3[%add3A_78, %dma_start3A_79] : memref<6144x2048xf32, #tpu.memory_space<hbm>> -> memref<16x2048xf32, #tpu.memory_space<hbm>>
      %dma_start3A_81 = arith.constant 0 : i32
      %dma_start3A_82 = tpu.memref_slice %arg3[%add3A_78, %dma_start3A_81] : memref<6144x2048xf32, #tpu.memory_space<hbm>> -> memref<16x2048xf32, #tpu.memory_space<hbm>>
      tpu.enqueue_dma source(%arg4 : memref<16x2048xf32, #tpu.memory_space<vmem>>) target(%dma_start3A_82 : memref<16x2048xf32, #tpu.memory_space<hbm>>) target_semaphore(%arg9 : memref<!tpu.dma_semaphore, #tpu.memory_space<semaphore_mem>>)
      %mul3A_83 = arith.constant 2 : i32
      %mul3A_84 = arith.muli %mul3A_83, %scan3A_31 : i32
      %add3A_85 = arith.constant 1 : i32
      %add3A_86 = arith.addi %mul3A_84, %add3A_85 : i32
      %mul3A_87 = arith.constant 16 : i32
      %mul3A_88 = arith.muli %add3A_86, %mul3A_87 : i32
      %add3A_89 = arith.addi %mul3A_7, %mul3A_88 : i32
      %dma_wait3A_90 = arith.constant 0 : i32
      %dma_wait3A_91 = tpu.memref_slice %arg2[%add3A_89, %dma_wait3A_90] : memref<16384x2048xf32, #tpu.memory_space<hbm>> -> memref<16x2048xf32, #tpu.memory_space<hbm>>
      %dma_wait3A_92 = arith.constant 0 : i32
      %dma_wait3A_93 = tpu.memref_slice %arg2[%add3A_89, %dma_wait3A_92] : memref<16384x2048xf32, #tpu.memory_space<hbm>> -> memref<16x2048xf32, #tpu.memory_space<hbm>>
      tpu.wait_dma2 semaphore(%arg8 : memref<!tpu.dma_semaphore, #tpu.memory_space<semaphore_mem>>) src(%dma_wait3A_93 : memref<16x2048xf32, #tpu.memory_space<hbm>>) dst(%arg5 : memref<16x2048xf32, #tpu.memory_space<vmem>>)
      %mul3A_94 = arith.constant 2 : i32
      %mul3A_95 = arith.muli %mul3A_94, %scan3A_31 : i32
      %add3A_96 = arith.constant 1 : i32
      %add3A_97 = arith.addi %mul3A_95, %add3A_96 : i32
      %parallel_loop3A_98 = arith.constant 0 : i32
      %parallel_loop3A_99 = arith.constant 2048 : i32
      %parallel_loop3A_100 = arith.constant 1 : i32
      scf.for %parallel_loop3A_157 = %parallel_loop3A_98 to %parallel_loop3A_99 step %parallel_loop3A_100  : i32 {
        %parallel_loop3A_158 = vector.broadcast %parallel_loop3A_157 : i32 to vector<16xi32>
        %parallel_loop3A_159 = arith.addi %parallel_loop3A_158, %iota3A : vector<16xi32>
        %parallel_loop3A_160 = arith.constant 2047 : i32
        %parallel_loop3A_161 = vector.broadcast %parallel_loop3A_160 : i32 to vector<16xi32>
        %parallel_loop3A_162 = arith.andi %parallel_loop3A_159, %parallel_loop3A_161 : vector<16xi32>
        %parallel_loop3A_163 = tpu.vector_load_idx %arg5[%iota3A, %parallel_loop3A_162] : memref<16x2048xf32, #tpu.memory_space<vmem>>[vector<16xi32>, vector<16xi32>], vector<16xf32>,
        %parallel_loop3A_164 = vector.bitcast %parallel_loop3A_163 : vector<16xf32> to vector<16xi32>
        %parallel_loop3A_165 = arith.constant 31 : i32
        %parallel_loop3A_166 = vector.broadcast %parallel_loop3A_165 : i32 to vector<16xi32>
        %parallel_loop3A_167 = arith.shrsi %parallel_loop3A_164, %parallel_loop3A_166 : vector<16xi32>
        %parallel_loop3A_168 = arith.constant -2147483648 : i32
        %parallel_loop3A_169 = vector.broadcast %parallel_loop3A_168 : i32 to vector<16xi32>
        %parallel_loop3A_170 = arith.ori %parallel_loop3A_167, %parallel_loop3A_169 : vector<16xi32>
        %parallel_loop3A_171 = arith.xori %parallel_loop3A_164, %parallel_loop3A_170 : vector<16xi32>
        %parallel_loop3A_172 = vector.bitcast %parallel_loop3A_171 : vector<16xi32> to vector<16xf32>
        tpu.vector_store_idx %arg5[%iota3A, %parallel_loop3A_162], %parallel_loop3A_172 : memref<16x2048xf32, #tpu.memory_space<vmem>>[vector<16xi32>, vector<16xi32>], vector<16xf32>,
        %parallel_loop3A_173 = arith.constant 20 : i32
        %parallel_loop3A_174 = vector.broadcast %parallel_loop3A_173 : i32 to vector<16xi32>
        %parallel_loop3A_175 = arith.shrui %parallel_loop3A_171, %parallel_loop3A_174 : vector<16xi32>
        %parallel_loop3A_176 = arith.constant 4080 : i32
        %parallel_loop3A_177 = vector.broadcast %parallel_loop3A_176 : i32 to vector<16xi32>
        %parallel_loop3A_178 = arith.andi %parallel_loop3A_175, %parallel_loop3A_177 : vector<16xi32>
        %parallel_loop3A_179 = arith.ori %parallel_loop3A_178, %iota3A : vector<16xi32>
        tpu.vector_store_idx %arg6[%parallel_loop3A_179], %broadcast_in_dim3A_1 {add = true} : memref<4096xi32, #tpu.memory_space<vmem>>[vector<16xi32>], vector<16xi32>,
      } {sc.loop_unroll_factor = 8 : i64, sc.parallel_access}
      %add3A_101 = arith.constant 1 : i32
      %add3A_102 = arith.addi %scan3A_31, %add3A_101 : i32
      %lt3A = arith.constant 6 : i32
      %lt3A_103 = arith.cmpi slt, %add3A_102, %lt3A : i32
      %convert_element_type3A_104 = arith.extui %lt3A_103 : i1 to i32
      %cond3A_105 = arith.constant 0 : i32
      %cond3A_106 = arith.cmpi ne, %convert_element_type3A_104, %cond3A_105 : i32
      scf.if %cond3A_106 {
        %mul3A_157 = arith.constant 2 : i32
        %mul3A_158 = arith.muli %mul3A_157, %scan3A_31 : i32
        %mul3A_159 = arith.constant 16 : i32
        %mul3A_160 = arith.muli %mul3A_158, %mul3A_159 : i32
        %add3A_161 = arith.addi %mul3A_7, %mul3A_160 : i32
        %dma_wait3A_162 = arith.constant 0 : i32
        %dma_wait3A_163 = tpu.memref_slice %arg3[%add3A_161, %dma_wait3A_162] : memref<6144x2048xf32, #tpu.memory_space<hbm>> -> memref<16x2048xf32, #tpu.memory_space<hbm>>
        %dma_wait3A_164 = arith.constant 0 : i32
        %dma_wait3A_165 = tpu.memref_slice %arg3[%add3A_161, %dma_wait3A_164] : memref<6144x2048xf32, #tpu.memory_space<hbm>> -> memref<16x2048xf32, #tpu.memory_space<hbm>>
        tpu.wait_dma2 semaphore(%arg9 : memref<!tpu.dma_semaphore, #tpu.memory_space<semaphore_mem>>) src(%arg4 : memref<16x2048xf32, #tpu.memory_space<vmem>>) dst(%dma_wait3A_165 : memref<16x2048xf32, #tpu.memory_space<hbm>>)
        %mul3A_166 = arith.constant 2 : i32
        %mul3A_167 = arith.muli %mul3A_166, %scan3A_31 : i32
        %add3A_168 = arith.constant 2 : i32
        %add3A_169 = arith.addi %mul3A_167, %add3A_168 : i32
        %mul3A_170 = arith.constant 16 : i32
        %mul3A_171 = arith.muli %add3A_169, %mul3A_170 : i32
        %add3A_172 = arith.addi %mul3A_7, %mul3A_171 : i32
        %dma_start3A_173 = arith.constant 0 : i32
        %dma_start3A_174 = tpu.memref_slice %arg2[%add3A_172, %dma_start3A_173] : memref<16384x2048xf32, #tpu.memory_space<hbm>> -> memref<16x2048xf32, #tpu.memory_space<hbm>>
        %dma_start3A_175 = arith.constant 0 : i32
        %dma_start3A_176 = tpu.memref_slice %arg2[%add3A_172, %dma_start3A_175] : memref<16384x2048xf32, #tpu.memory_space<hbm>> -> memref<16x2048xf32, #tpu.memory_space<hbm>>
        tpu.enqueue_dma source(%dma_start3A_176 : memref<16x2048xf32, #tpu.memory_space<hbm>>) target(%arg4 : memref<16x2048xf32, #tpu.memory_space<vmem>>) target_semaphore(%arg7 : memref<!tpu.dma_semaphore, #tpu.memory_space<semaphore_mem>>)
      } else {
      }
      %parallel_loop3A_107 = arith.constant 0 : i32
      %parallel_loop3A_108 = arith.constant 256 : i32
      %parallel_loop3A_109 = arith.constant 1 : i32
      %parallel_loop3A_110:3 = scf.for %parallel_loop3A_157 = %parallel_loop3A_107 to %parallel_loop3A_108 step %parallel_loop3A_109 iter_args(%parallel_loop3A_158 = %broadcast_in_dim3A_3, %parallel_loop3A_159 = %broadcast_in_dim3A_3, %parallel_loop3A_160 = %broadcast_in_dim3A_3) -> (vector<16xi32>, vector<16xi32>, vector<16xi32>)  : i32 {
        %parallel_loop3A_161 = arith.constant 255 : i32
        %parallel_loop3A_162 = arith.subi %parallel_loop3A_161, %parallel_loop3A_157 : i32
        %parallel_loop3A_163 = arith.constant 16 : i32
        %parallel_loop3A_164 = arith.muli %parallel_loop3A_162, %parallel_loop3A_163 : i32
        %parallel_loop3A_165 = arith.index_cast %parallel_loop3A_164 : i32 to index
        %parallel_loop3A_166 = tpu.vector_load %arg6[%parallel_loop3A_165] {strides = array<i32>} : memref<4096xi32, #tpu.memory_space<vmem>>, vector<16xi32>,
        %parallel_loop3A_167 = arith.constant 16 : i32
        %parallel_loop3A_168 = arith.muli %parallel_loop3A_162, %parallel_loop3A_167 : i32
        %parallel_loop3A_169 = arith.index_cast %parallel_loop3A_168 : i32 to index
        %parallel_loop3A_170 = tpu.vector_load %arg6[%parallel_loop3A_169] {strides = array<i32>} : memref<4096xi32, #tpu.memory_space<vmem>>, vector<16xi32>,
        tpu.vector_store %arg6[%parallel_loop3A_169], %broadcast_in_dim3A_3 {strides = array<i32>} : memref<4096xi32, #tpu.memory_space<vmem>>, vector<16xi32>,
        %parallel_loop3A_171 = arith.addi %parallel_loop3A_158, %parallel_loop3A_166 : vector<16xi32>
        %parallel_loop3A_172 = arith.cmpi slt, %parallel_loop3A_158, %broadcast_in_dim3A_5 : vector<16xi32>
        %parallel_loop3A_173 = arith.cmpi sge, %parallel_loop3A_171, %broadcast_in_dim3A_5 : vector<16xi32>
        %parallel_loop3A_174 = arith.andi %parallel_loop3A_172, %parallel_loop3A_173 : vector<16xi1>
        %parallel_loop3A_175 = vector.broadcast %parallel_loop3A_162 : i32 to vector<16xi32>
        %parallel_loop3A_176 = arith.select %parallel_loop3A_174, %parallel_loop3A_175, %parallel_loop3A_159 : vector<16xi1>, vector<16xi32>
        %parallel_loop3A_177 = arith.select %parallel_loop3A_174, %parallel_loop3A_158, %parallel_loop3A_160 : vector<16xi1>, vector<16xi32>
        scf.yield %parallel_loop3A_171, %parallel_loop3A_176, %parallel_loop3A_177 : vector<16xi32>, vector<16xi32>, vector<16xi32>
      } {sc.loop_unroll_factor = 8 : i64, sc.parallel_access}
      %sub3A_111 = arith.subi %broadcast_in_dim3A_5, %parallel_loop3A_110#2 : vector<16xi32>
      %parallel_loop3A_112 = arith.constant 0 : i32
      %parallel_loop3A_113 = arith.constant 2048 : i32
      %parallel_loop3A_114 = arith.constant 1 : i32
      scf.for %parallel_loop3A_157 = %parallel_loop3A_112 to %parallel_loop3A_113 step %parallel_loop3A_114  : i32 {
        %parallel_loop3A_158 = vector.broadcast %parallel_loop3A_157 : i32 to vector<16xi32>
        %parallel_loop3A_159 = arith.addi %parallel_loop3A_158, %iota3A : vector<16xi32>
        %parallel_loop3A_160 = arith.constant 2047 : i32
        %parallel_loop3A_161 = vector.broadcast %parallel_loop3A_160 : i32 to vector<16xi32>
        %parallel_loop3A_162 = arith.andi %parallel_loop3A_159, %parallel_loop3A_161 : vector<16xi32>
        %parallel_loop3A_163 = tpu.vector_load_idx %arg5[%iota3A, %parallel_loop3A_162] : memref<16x2048xf32, #tpu.memory_space<vmem>>[vector<16xi32>, vector<16xi32>], vector<16xf32>,
        %parallel_loop3A_164 = vector.bitcast %parallel_loop3A_163 : vector<16xf32> to vector<16xi32>
        %parallel_loop3A_165 = arith.constant 24 : i32
        %parallel_loop3A_166 = vector.broadcast %parallel_loop3A_165 : i32 to vector<16xi32>
        %parallel_loop3A_167 = arith.shrui %parallel_loop3A_164, %parallel_loop3A_166 : vector<16xi32>
        %parallel_loop3A_168 = arith.cmpi eq, %parallel_loop3A_167, %parallel_loop3A_110#1 : vector<16xi32>
        %parallel_loop3A_169 = arith.constant 12 : i32
        %parallel_loop3A_170 = vector.broadcast %parallel_loop3A_169 : i32 to vector<16xi32>
        %parallel_loop3A_171 = arith.shrui %parallel_loop3A_164, %parallel_loop3A_170 : vector<16xi32>
        %parallel_loop3A_172 = arith.constant 4080 : i32
        %parallel_loop3A_173 = vector.broadcast %parallel_loop3A_172 : i32 to vector<16xi32>
        %parallel_loop3A_174 = arith.andi %parallel_loop3A_171, %parallel_loop3A_173 : vector<16xi32>
        %parallel_loop3A_175 = arith.ori %parallel_loop3A_174, %iota3A : vector<16xi32>
        tpu.vector_store_idx %arg6[%parallel_loop3A_175], %broadcast_in_dim3A_1 masked %parallel_loop3A_168 {add = true} : memref<4096xi32, #tpu.memory_space<vmem>>[vector<16xi32>], vector<16xi32>, vector<16xi1>
      } {sc.loop_unroll_factor = 8 : i64, sc.parallel_access}
      %parallel_loop3A_115 = arith.constant 0 : i32
      %parallel_loop3A_116 = arith.constant 256 : i32
      %parallel_loop3A_117 = arith.constant 1 : i32
      %parallel_loop3A_118:3 = scf.for %parallel_loop3A_157 = %parallel_loop3A_115 to %parallel_loop3A_116 step %parallel_loop3A_117 iter_args(%parallel_loop3A_158 = %broadcast_in_dim3A_3, %parallel_loop3A_159 = %broadcast_in_dim3A_3, %parallel_loop3A_160 = %broadcast_in_dim3A_3) -> (vector<16xi32>, vector<16xi32>, vector<16xi32>)  : i32 {
        %parallel_loop3A_161 = arith.constant 255 : i32
        %parallel_loop3A_162 = arith.subi %parallel_loop3A_161, %parallel_loop3A_157 : i32
        %parallel_loop3A_163 = arith.constant 16 : i32
        %parallel_loop3A_164 = arith.muli %parallel_loop3A_162, %parallel_loop3A_163 : i32
        %parallel_loop3A_165 = arith.index_cast %parallel_loop3A_164 : i32 to index
        %parallel_loop3A_166 = tpu.vector_load %arg6[%parallel_loop3A_165] {strides = array<i32>} : memref<4096xi32, #tpu.memory_space<vmem>>, vector<16xi32>,
        %parallel_loop3A_167 = arith.constant 16 : i32
        %parallel_loop3A_168 = arith.muli %parallel_loop3A_162, %parallel_loop3A_167 : i32
        %parallel_loop3A_169 = arith.index_cast %parallel_loop3A_168 : i32 to index
        %parallel_loop3A_170 = tpu.vector_load %arg6[%parallel_loop3A_169] {strides = array<i32>} : memref<4096xi32, #tpu.memory_space<vmem>>, vector<16xi32>,
        tpu.vector_store %arg6[%parallel_loop3A_169], %broadcast_in_dim3A_3 {strides = array<i32>} : memref<4096xi32, #tpu.memory_space<vmem>>, vector<16xi32>,
        %parallel_loop3A_171 = arith.addi %parallel_loop3A_158, %parallel_loop3A_166 : vector<16xi32>
        %parallel_loop3A_172 = arith.cmpi slt, %parallel_loop3A_158, %sub3A_111 : vector<16xi32>
        %parallel_loop3A_173 = arith.cmpi sge, %parallel_loop3A_171, %sub3A_111 : vector<16xi32>
        %parallel_loop3A_174 = arith.andi %parallel_loop3A_172, %parallel_loop3A_173 : vector<16xi1>
        %parallel_loop3A_175 = vector.broadcast %parallel_loop3A_162 : i32 to vector<16xi32>
        %parallel_loop3A_176 = arith.select %parallel_loop3A_174, %parallel_loop3A_175, %parallel_loop3A_159 : vector<16xi1>, vector<16xi32>
        %parallel_loop3A_177 = arith.select %parallel_loop3A_174, %parallel_loop3A_158, %parallel_loop3A_160 : vector<16xi1>, vector<16xi32>
        scf.yield %parallel_loop3A_171, %parallel_loop3A_176, %parallel_loop3A_177 : vector<16xi32>, vector<16xi32>, vector<16xi32>
      } {sc.loop_unroll_factor = 8 : i64, sc.parallel_access}
      %sub3A_119 = arith.subi %sub3A_111, %parallel_loop3A_118#2 : vector<16xi32>
      %shift_left3A_120 = arith.constant 8 : i32
      %shift_left3A_121 = vector.broadcast %shift_left3A_120 : i32 to vector<16xi32>
      %shift_left3A_122 = arith.shli %parallel_loop3A_110#1, %shift_left3A_121 : vector<16xi32>
      %or3A_123 = arith.ori %shift_left3A_122, %parallel_loop3A_118#1 : vector<16xi32>
      %shift_left3A_124 = arith.constant 16 : i32
      %shift_left3A_125 = vector.broadcast %shift_left3A_124 : i32 to vector<16xi32>
      %shift_left3A_126 = arith.shli %or3A_123, %shift_left3A_125 : vector<16xi32>
      %shift_right_arithmetic3A_127 = arith.constant 31 : i32
      %shift_right_arithmetic3A_128 = vector.broadcast %shift_right_arithmetic3A_127 : i32 to vector<16xi32>
      %shift_right_arithmetic3A_129 = arith.shrsi %shift_left3A_126, %shift_right_arithmetic3A_128 : vector<16xi32>
      %not3A_130 = arith.constant dense<-1> : vector<16xi32>
      %not3A_131 = arith.xori %shift_right_arithmetic3A_129, %not3A_130 : vector<16xi32>
      %or3A_132 = arith.constant -2147483648 : i32
      %or3A_133 = vector.broadcast %or3A_132 : i32 to vector<16xi32>
      %or3A_134 = arith.ori %not3A_131, %or3A_133 : vector<16xi32>
      %xor3A_135 = arith.xori %shift_left3A_126, %or3A_134 : vector<16xi32>
      %bitcast3A_136 = vector.bitcast %xor3A_135 : vector<16xi32> to vector<16xf32>
      %parallel_loop3A_137 = arith.constant 0 : i32
      %parallel_loop3A_138 = arith.constant 2048 : i32
      %parallel_loop3A_139 = arith.constant 1 : i32
      scf.for %parallel_loop3A_157 = %parallel_loop3A_137 to %parallel_loop3A_138 step %parallel_loop3A_139  : i32 {
        %parallel_loop3A_158 = vector.broadcast %parallel_loop3A_157 : i32 to vector<16xi32>
        %parallel_loop3A_159 = arith.addi %parallel_loop3A_158, %iota3A : vector<16xi32>
        %parallel_loop3A_160 = arith.constant 2047 : i32
        %parallel_loop3A_161 = vector.broadcast %parallel_loop3A_160 : i32 to vector<16xi32>
        %parallel_loop3A_162 = arith.andi %parallel_loop3A_159, %parallel_loop3A_161 : vector<16xi32>
        %parallel_loop3A_163 = tpu.vector_load_idx %arg5[%iota3A, %parallel_loop3A_162] : memref<16x2048xf32, #tpu.memory_space<vmem>>[vector<16xi32>, vector<16xi32>], vector<16xf32>,
        %parallel_loop3A_164 = vector.bitcast %parallel_loop3A_163 : vector<16xf32> to vector<16xi32>
        %parallel_loop3A_165 = arith.constant 31 : i32
        %parallel_loop3A_166 = vector.broadcast %parallel_loop3A_165 : i32 to vector<16xi32>
        %parallel_loop3A_167 = arith.shrsi %parallel_loop3A_164, %parallel_loop3A_166 : vector<16xi32>
        %parallel_loop3A_168 = arith.constant dense<-1> : vector<16xi32>
        %parallel_loop3A_169 = arith.xori %parallel_loop3A_167, %parallel_loop3A_168 : vector<16xi32>
        %parallel_loop3A_170 = arith.constant -2147483648 : i32
        %parallel_loop3A_171 = vector.broadcast %parallel_loop3A_170 : i32 to vector<16xi32>
        %parallel_loop3A_172 = arith.ori %parallel_loop3A_169, %parallel_loop3A_171 : vector<16xi32>
        %parallel_loop3A_173 = arith.xori %parallel_loop3A_164, %parallel_loop3A_172 : vector<16xi32>
        %parallel_loop3A_174 = vector.bitcast %parallel_loop3A_173 : vector<16xi32> to vector<16xf32>
        %parallel_loop3A_175 = arith.subf %bitcast3A_136, %parallel_loop3A_174 : vector<16xf32>
        %parallel_loop3A_176 = math.exp %parallel_loop3A_175 : vector<16xf32>
        %parallel_loop3A_177 = arith.constant 1.000000e+00 : f32
        %parallel_loop3A_178 = vector.broadcast %parallel_loop3A_177 : f32 to vector<16xf32>
        %parallel_loop3A_179 = arith.addf %parallel_loop3A_178, %parallel_loop3A_176 : vector<16xf32>
        %parallel_loop3A_180 = arith.divf %parallel_loop3A_174, %parallel_loop3A_179 : vector<16xf32>
        tpu.vector_store_idx %arg5[%iota3A, %parallel_loop3A_162], %parallel_loop3A_180 : memref<16x2048xf32, #tpu.memory_space<vmem>>[vector<16xi32>, vector<16xi32>], vector<16xf32>,
      } {sc.loop_unroll_factor = 8 : i64, sc.parallel_access}
      %mul3A_140 = arith.constant 2 : i32
      %mul3A_141 = arith.muli %mul3A_140, %scan3A_31 : i32
      %add3A_142 = arith.constant 1 : i32
      %add3A_143 = arith.addi %mul3A_141, %add3A_142 : i32
      %mul3A_144 = arith.constant 16 : i32
      %mul3A_145 = arith.muli %add3A_143, %mul3A_144 : i32
      %add3A_146 = arith.addi %mul3A_7, %mul3A_145 : i32
      %dma_start3A_147 = arith.constant 0 : i32
      %dma_start3A_148 = tpu.memref_slice %arg3[%add3A_146, %dma_start3A_147] : memref<6144x2048xf32, #tpu.memory_space<hbm>> -> memref<16x2048xf32, #tpu.memory_space<hbm>>
      %dma_start3A_149 = arith.constant 0 : i32
      %dma_start3A_150 = tpu.memref_slice %arg3[%add3A_146, %dma_start3A_149] : memref<6144x2048xf32, #tpu.memory_space<hbm>> -> memref<16x2048xf32, #tpu.memory_space<hbm>>
      tpu.enqueue_dma source(%arg5 : memref<16x2048xf32, #tpu.memory_space<vmem>>) target(%dma_start3A_150 : memref<16x2048xf32, #tpu.memory_space<hbm>>) target_semaphore(%arg10 : memref<!tpu.dma_semaphore, #tpu.memory_space<semaphore_mem>>)
      %add3A_151 = arith.constant 1 : i32
      %add3A_152 = arith.addi %scan3A_31, %add3A_151 : i32
      %ge3A = arith.constant 6 : i32
      %ge3A_153 = arith.cmpi sge, %add3A_152, %ge3A : i32
      %convert_element_type3A_154 = arith.extui %ge3A_153 : i1 to i32
      %cond3A_155 = arith.constant 0 : i32
      %cond3A_156 = arith.cmpi ne, %convert_element_type3A_154, %cond3A_155 : i32
      scf.if %cond3A_156 {
        %mul3A_157 = arith.constant 2 : i32
        %mul3A_158 = arith.muli %mul3A_157, %scan3A_31 : i32
        %mul3A_159 = arith.constant 16 : i32
        %mul3A_160 = arith.muli %mul3A_158, %mul3A_159 : i32
        %add3A_161 = arith.addi %mul3A_7, %mul3A_160 : i32
        %dma_wait3A_162 = arith.constant 0 : i32
        %dma_wait3A_163 = tpu.memref_slice %arg3[%add3A_161, %dma_wait3A_162] : memref<6144x2048xf32, #tpu.memory_space<hbm>> -> memref<16x2048xf32, #tpu.memory_space<hbm>>
        %dma_wait3A_164 = arith.constant 0 : i32
        %dma_wait3A_165 = tpu.memref_slice %arg3[%add3A_161, %dma_wait3A_164] : memref<6144x2048xf32, #tpu.memory_space<hbm>> -> memref<16x2048xf32, #tpu.memory_space<hbm>>
        tpu.wait_dma2 semaphore(%arg9 : memref<!tpu.dma_semaphore, #tpu.memory_space<semaphore_mem>>) src(%arg4 : memref<16x2048xf32, #tpu.memory_space<vmem>>) dst(%dma_wait3A_165 : memref<16x2048xf32, #tpu.memory_space<hbm>>)
      } else {
      }
    }
    %scan3A_25 = arith.constant 6 : i32
    %add3A_26 = arith.constant 176 : i32
    %add3A_27 = arith.addi %mul3A_7, %add3A_26 : i32
    %dma_wait3A = arith.constant 0 : i32
    %dma_wait3A_28 = tpu.memref_slice %arg3[%add3A_27, %dma_wait3A] : memref<6144x2048xf32, #tpu.memory_space<hbm>> -> memref<16x2048xf32, #tpu.memory_space<hbm>>
    %dma_wait3A_29 = arith.constant 0 : i32
    %dma_wait3A_30 = tpu.memref_slice %arg3[%add3A_27, %dma_wait3A_29] : memref<6144x2048xf32, #tpu.memory_space<hbm>> -> memref<16x2048xf32, #tpu.memory_space<hbm>>
    tpu.wait_dma2 semaphore(%arg10 : memref<!tpu.dma_semaphore, #tpu.memory_space<semaphore_mem>>) src(%arg5 : memref<16x2048xf32, #tpu.memory_space<vmem>>) dst(%dma_wait3A_30 : memref<16x2048xf32, #tpu.memory_space<hbm>>)
    return
  }
}

module attributes {stable_mosaic.version = 14 : i64} {
  func.func @_tc_body(%arg0: i32, %arg1: memref<512x2048xf32, #tpu.memory_space<vmem>>, %arg2: memref<512x2048xf32, #tpu.memory_space<vmem>>) attributes {dimension_semantics = [#tpu.dimension_semantics<arbitrary>], iteration_bounds = array<i64: 20>, scalar_prefetch = 0 : i64, scratch_operands = 0 : i64, tpu.core_type = #tpu.core_type<tc>, window_params = [{transform_indices = @transform_0, window_bounds = array<i64: 512, 2048>}, {transform_indices = @transform_1, window_bounds = array<i64: 512, 2048>}]} {
    %get3A = arith.constant 0 : index
    %get3A_0 = arith.constant 0 : index
    %get3A_1 = vector.load %arg1[%get3A, %get3A_0] : memref<512x2048xf32, #tpu.memory_space<vmem>>, vector<512x2048xf32>
    %bitcast3A = tpu.bitcast %get3A_1 : vector<512x2048xf32> -> vector<512x2048xi32>
    %shift_right_logical3A = arith.constant 31 : i32
    %shift_right_logical3A_2 = vector.broadcast %shift_right_logical3A : i32 to vector<512x2048xi32>
    %shift_right_logical3A_3 = arith.shrui %bitcast3A, %shift_right_logical3A_2 : vector<512x2048xi32>
    %eq3A = arith.constant 1 : i32
    %eq3A_4 = vector.broadcast %eq3A : i32 to vector<512x2048xi32>
    %eq3A_5 = arith.cmpi eq, %shift_right_logical3A_3, %eq3A_4 : vector<512x2048xi32>
    %not3A = arith.constant dense<-1> : vector<512x2048xi32>
    %not3A_6 = arith.xori %bitcast3A, %not3A : vector<512x2048xi32>
    %or3A = arith.constant -2147483648 : i32
    %or3A_7 = vector.broadcast %or3A : i32 to vector<512x2048xi32>
    %or3A_8 = arith.ori %bitcast3A, %or3A_7 : vector<512x2048xi32>
    %select_n3A = arith.select %eq3A_5, %not3A_6, %or3A_8 : vector<512x2048xi1>, vector<512x2048xi32>
    %broadcast_in_dim3A = arith.constant 0 : i32
    %broadcast_in_dim3A_9 = vector.broadcast %broadcast_in_dim3A : i32 to vector<512x1xi32>
    %or3A_10 = arith.constant -2147483648 : i32
    %or3A_11 = vector.broadcast %or3A_10 : i32 to vector<512x1xi32>
    %or3A_12 = arith.ori %broadcast_in_dim3A_9, %or3A_11 : vector<512x1xi32>
    %ge3A = vector.broadcast %or3A_12 : vector<512x1xi32> to vector<512x2048xi32>
    %ge3A_13 = arith.cmpi uge, %select_n3A, %ge3A : vector<512x2048xi32>
    %convert_element_type3A = arith.extui %ge3A_13 : vector<512x2048xi1> to vector<512x2048xi32>
    %reduce_sum3A = arith.constant dense<0> : vector<512xi32>
    %reduce_sum3A_14 = vector.multi_reduction <add>, %convert_element_type3A, %reduce_sum3A [1] : vector<512x2048xi32> to vector<512xi32>
    %broadcast_in_dim3A_15 = vector.shape_cast %reduce_sum3A_14 : vector<512xi32> to vector<512x1xi32>
    %ge3A_16 = arith.constant 204 : i32
    %ge3A_17 = vector.broadcast %ge3A_16 : i32 to vector<512x1xi32>
    %ge3A_18 = arith.cmpi sge, %broadcast_in_dim3A_15, %ge3A_17 : vector<512x1xi32>
    %select_n3A_19 = arith.select %ge3A_18, %or3A_12, %broadcast_in_dim3A_9 : vector<512x1xi1>, vector<512x1xi32>
    %or3A_20 = arith.constant 1073741824 : i32
    %or3A_21 = vector.broadcast %or3A_20 : i32 to vector<512x1xi32>
    %or3A_22 = arith.ori %select_n3A_19, %or3A_21 : vector<512x1xi32>
    %ge3A_23 = vector.broadcast %or3A_22 : vector<512x1xi32> to vector<512x2048xi32>
    %ge3A_24 = arith.cmpi uge, %select_n3A, %ge3A_23 : vector<512x2048xi32>
    %convert_element_type3A_25 = arith.extui %ge3A_24 : vector<512x2048xi1> to vector<512x2048xi32>
    %reduce_sum3A_26 = arith.constant dense<0> : vector<512xi32>
    %reduce_sum3A_27 = vector.multi_reduction <add>, %convert_element_type3A_25, %reduce_sum3A_26 [1] : vector<512x2048xi32> to vector<512xi32>
    %broadcast_in_dim3A_28 = vector.shape_cast %reduce_sum3A_27 : vector<512xi32> to vector<512x1xi32>
    %ge3A_29 = arith.constant 204 : i32
    %ge3A_30 = vector.broadcast %ge3A_29 : i32 to vector<512x1xi32>
    %ge3A_31 = arith.cmpi sge, %broadcast_in_dim3A_28, %ge3A_30 : vector<512x1xi32>
    %select_n3A_32 = arith.select %ge3A_31, %or3A_22, %select_n3A_19 : vector<512x1xi1>, vector<512x1xi32>
    %or3A_33 = arith.constant 536870912 : i32
    %or3A_34 = vector.broadcast %or3A_33 : i32 to vector<512x1xi32>
    %or3A_35 = arith.ori %select_n3A_32, %or3A_34 : vector<512x1xi32>
    %ge3A_36 = vector.broadcast %or3A_35 : vector<512x1xi32> to vector<512x2048xi32>
    %ge3A_37 = arith.cmpi uge, %select_n3A, %ge3A_36 : vector<512x2048xi32>
    %convert_element_type3A_38 = arith.extui %ge3A_37 : vector<512x2048xi1> to vector<512x2048xi32>
    %reduce_sum3A_39 = arith.constant dense<0> : vector<512xi32>
    %reduce_sum3A_40 = vector.multi_reduction <add>, %convert_element_type3A_38, %reduce_sum3A_39 [1] : vector<512x2048xi32> to vector<512xi32>
    %broadcast_in_dim3A_41 = vector.shape_cast %reduce_sum3A_40 : vector<512xi32> to vector<512x1xi32>
    %ge3A_42 = arith.constant 204 : i32
    %ge3A_43 = vector.broadcast %ge3A_42 : i32 to vector<512x1xi32>
    %ge3A_44 = arith.cmpi sge, %broadcast_in_dim3A_41, %ge3A_43 : vector<512x1xi32>
    %select_n3A_45 = arith.select %ge3A_44, %or3A_35, %select_n3A_32 : vector<512x1xi1>, vector<512x1xi32>
    %or3A_46 = arith.constant 268435456 : i32
    %or3A_47 = vector.broadcast %or3A_46 : i32 to vector<512x1xi32>
    %or3A_48 = arith.ori %select_n3A_45, %or3A_47 : vector<512x1xi32>
    %ge3A_49 = vector.broadcast %or3A_48 : vector<512x1xi32> to vector<512x2048xi32>
    %ge3A_50 = arith.cmpi uge, %select_n3A, %ge3A_49 : vector<512x2048xi32>
    %convert_element_type3A_51 = arith.extui %ge3A_50 : vector<512x2048xi1> to vector<512x2048xi32>
    %reduce_sum3A_52 = arith.constant dense<0> : vector<512xi32>
    %reduce_sum3A_53 = vector.multi_reduction <add>, %convert_element_type3A_51, %reduce_sum3A_52 [1] : vector<512x2048xi32> to vector<512xi32>
    %broadcast_in_dim3A_54 = vector.shape_cast %reduce_sum3A_53 : vector<512xi32> to vector<512x1xi32>
    %ge3A_55 = arith.constant 204 : i32
    %ge3A_56 = vector.broadcast %ge3A_55 : i32 to vector<512x1xi32>
    %ge3A_57 = arith.cmpi sge, %broadcast_in_dim3A_54, %ge3A_56 : vector<512x1xi32>
    %select_n3A_58 = arith.select %ge3A_57, %or3A_48, %select_n3A_45 : vector<512x1xi1>, vector<512x1xi32>
    %or3A_59 = arith.constant 134217728 : i32
    %or3A_60 = vector.broadcast %or3A_59 : i32 to vector<512x1xi32>
    %or3A_61 = arith.ori %select_n3A_58, %or3A_60 : vector<512x1xi32>
    %ge3A_62 = vector.broadcast %or3A_61 : vector<512x1xi32> to vector<512x2048xi32>
    %ge3A_63 = arith.cmpi uge, %select_n3A, %ge3A_62 : vector<512x2048xi32>
    %convert_element_type3A_64 = arith.extui %ge3A_63 : vector<512x2048xi1> to vector<512x2048xi32>
    %reduce_sum3A_65 = arith.constant dense<0> : vector<512xi32>
    %reduce_sum3A_66 = vector.multi_reduction <add>, %convert_element_type3A_64, %reduce_sum3A_65 [1] : vector<512x2048xi32> to vector<512xi32>
    %broadcast_in_dim3A_67 = vector.shape_cast %reduce_sum3A_66 : vector<512xi32> to vector<512x1xi32>
    %ge3A_68 = arith.constant 204 : i32
    %ge3A_69 = vector.broadcast %ge3A_68 : i32 to vector<512x1xi32>
    %ge3A_70 = arith.cmpi sge, %broadcast_in_dim3A_67, %ge3A_69 : vector<512x1xi32>
    %select_n3A_71 = arith.select %ge3A_70, %or3A_61, %select_n3A_58 : vector<512x1xi1>, vector<512x1xi32>
    %or3A_72 = arith.constant 67108864 : i32
    %or3A_73 = vector.broadcast %or3A_72 : i32 to vector<512x1xi32>
    %or3A_74 = arith.ori %select_n3A_71, %or3A_73 : vector<512x1xi32>
    %ge3A_75 = vector.broadcast %or3A_74 : vector<512x1xi32> to vector<512x2048xi32>
    %ge3A_76 = arith.cmpi uge, %select_n3A, %ge3A_75 : vector<512x2048xi32>
    %convert_element_type3A_77 = arith.extui %ge3A_76 : vector<512x2048xi1> to vector<512x2048xi32>
    %reduce_sum3A_78 = arith.constant dense<0> : vector<512xi32>
    %reduce_sum3A_79 = vector.multi_reduction <add>, %convert_element_type3A_77, %reduce_sum3A_78 [1] : vector<512x2048xi32> to vector<512xi32>
    %broadcast_in_dim3A_80 = vector.shape_cast %reduce_sum3A_79 : vector<512xi32> to vector<512x1xi32>
    %ge3A_81 = arith.constant 204 : i32
    %ge3A_82 = vector.broadcast %ge3A_81 : i32 to vector<512x1xi32>
    %ge3A_83 = arith.cmpi sge, %broadcast_in_dim3A_80, %ge3A_82 : vector<512x1xi32>
    %select_n3A_84 = arith.select %ge3A_83, %or3A_74, %select_n3A_71 : vector<512x1xi1>, vector<512x1xi32>
    %or3A_85 = arith.constant 33554432 : i32
    %or3A_86 = vector.broadcast %or3A_85 : i32 to vector<512x1xi32>
    %or3A_87 = arith.ori %select_n3A_84, %or3A_86 : vector<512x1xi32>
    %ge3A_88 = vector.broadcast %or3A_87 : vector<512x1xi32> to vector<512x2048xi32>
    %ge3A_89 = arith.cmpi uge, %select_n3A, %ge3A_88 : vector<512x2048xi32>
    %convert_element_type3A_90 = arith.extui %ge3A_89 : vector<512x2048xi1> to vector<512x2048xi32>
    %reduce_sum3A_91 = arith.constant dense<0> : vector<512xi32>
    %reduce_sum3A_92 = vector.multi_reduction <add>, %convert_element_type3A_90, %reduce_sum3A_91 [1] : vector<512x2048xi32> to vector<512xi32>
    %broadcast_in_dim3A_93 = vector.shape_cast %reduce_sum3A_92 : vector<512xi32> to vector<512x1xi32>
    %ge3A_94 = arith.constant 204 : i32
    %ge3A_95 = vector.broadcast %ge3A_94 : i32 to vector<512x1xi32>
    %ge3A_96 = arith.cmpi sge, %broadcast_in_dim3A_93, %ge3A_95 : vector<512x1xi32>
    %select_n3A_97 = arith.select %ge3A_96, %or3A_87, %select_n3A_84 : vector<512x1xi1>, vector<512x1xi32>
    %or3A_98 = arith.constant 16777216 : i32
    %or3A_99 = vector.broadcast %or3A_98 : i32 to vector<512x1xi32>
    %or3A_100 = arith.ori %select_n3A_97, %or3A_99 : vector<512x1xi32>
    %ge3A_101 = vector.broadcast %or3A_100 : vector<512x1xi32> to vector<512x2048xi32>
    %ge3A_102 = arith.cmpi uge, %select_n3A, %ge3A_101 : vector<512x2048xi32>
    %convert_element_type3A_103 = arith.extui %ge3A_102 : vector<512x2048xi1> to vector<512x2048xi32>
    %reduce_sum3A_104 = arith.constant dense<0> : vector<512xi32>
    %reduce_sum3A_105 = vector.multi_reduction <add>, %convert_element_type3A_103, %reduce_sum3A_104 [1] : vector<512x2048xi32> to vector<512xi32>
    %broadcast_in_dim3A_106 = vector.shape_cast %reduce_sum3A_105 : vector<512xi32> to vector<512x1xi32>
    %ge3A_107 = arith.constant 204 : i32
    %ge3A_108 = vector.broadcast %ge3A_107 : i32 to vector<512x1xi32>
    %ge3A_109 = arith.cmpi sge, %broadcast_in_dim3A_106, %ge3A_108 : vector<512x1xi32>
    %select_n3A_110 = arith.select %ge3A_109, %or3A_100, %select_n3A_97 : vector<512x1xi1>, vector<512x1xi32>
    %or3A_111 = arith.constant 8388608 : i32
    %or3A_112 = vector.broadcast %or3A_111 : i32 to vector<512x1xi32>
    %or3A_113 = arith.ori %select_n3A_110, %or3A_112 : vector<512x1xi32>
    %ge3A_114 = vector.broadcast %or3A_113 : vector<512x1xi32> to vector<512x2048xi32>
    %ge3A_115 = arith.cmpi uge, %select_n3A, %ge3A_114 : vector<512x2048xi32>
    %convert_element_type3A_116 = arith.extui %ge3A_115 : vector<512x2048xi1> to vector<512x2048xi32>
    %reduce_sum3A_117 = arith.constant dense<0> : vector<512xi32>
    %reduce_sum3A_118 = vector.multi_reduction <add>, %convert_element_type3A_116, %reduce_sum3A_117 [1] : vector<512x2048xi32> to vector<512xi32>
    %broadcast_in_dim3A_119 = vector.shape_cast %reduce_sum3A_118 : vector<512xi32> to vector<512x1xi32>
    %ge3A_120 = arith.constant 204 : i32
    %ge3A_121 = vector.broadcast %ge3A_120 : i32 to vector<512x1xi32>
    %ge3A_122 = arith.cmpi sge, %broadcast_in_dim3A_119, %ge3A_121 : vector<512x1xi32>
    %select_n3A_123 = arith.select %ge3A_122, %or3A_113, %select_n3A_110 : vector<512x1xi1>, vector<512x1xi32>
    %or3A_124 = arith.constant 4194304 : i32
    %or3A_125 = vector.broadcast %or3A_124 : i32 to vector<512x1xi32>
    %or3A_126 = arith.ori %select_n3A_123, %or3A_125 : vector<512x1xi32>
    %ge3A_127 = vector.broadcast %or3A_126 : vector<512x1xi32> to vector<512x2048xi32>
    %ge3A_128 = arith.cmpi uge, %select_n3A, %ge3A_127 : vector<512x2048xi32>
    %convert_element_type3A_129 = arith.extui %ge3A_128 : vector<512x2048xi1> to vector<512x2048xi32>
    %reduce_sum3A_130 = arith.constant dense<0> : vector<512xi32>
    %reduce_sum3A_131 = vector.multi_reduction <add>, %convert_element_type3A_129, %reduce_sum3A_130 [1] : vector<512x2048xi32> to vector<512xi32>
    %broadcast_in_dim3A_132 = vector.shape_cast %reduce_sum3A_131 : vector<512xi32> to vector<512x1xi32>
    %ge3A_133 = arith.constant 204 : i32
    %ge3A_134 = vector.broadcast %ge3A_133 : i32 to vector<512x1xi32>
    %ge3A_135 = arith.cmpi sge, %broadcast_in_dim3A_132, %ge3A_134 : vector<512x1xi32>
    %select_n3A_136 = arith.select %ge3A_135, %or3A_126, %select_n3A_123 : vector<512x1xi1>, vector<512x1xi32>
    %or3A_137 = arith.constant 2097152 : i32
    %or3A_138 = vector.broadcast %or3A_137 : i32 to vector<512x1xi32>
    %or3A_139 = arith.ori %select_n3A_136, %or3A_138 : vector<512x1xi32>
    %ge3A_140 = vector.broadcast %or3A_139 : vector<512x1xi32> to vector<512x2048xi32>
    %ge3A_141 = arith.cmpi uge, %select_n3A, %ge3A_140 : vector<512x2048xi32>
    %convert_element_type3A_142 = arith.extui %ge3A_141 : vector<512x2048xi1> to vector<512x2048xi32>
    %reduce_sum3A_143 = arith.constant dense<0> : vector<512xi32>
    %reduce_sum3A_144 = vector.multi_reduction <add>, %convert_element_type3A_142, %reduce_sum3A_143 [1] : vector<512x2048xi32> to vector<512xi32>
    %broadcast_in_dim3A_145 = vector.shape_cast %reduce_sum3A_144 : vector<512xi32> to vector<512x1xi32>
    %ge3A_146 = arith.constant 204 : i32
    %ge3A_147 = vector.broadcast %ge3A_146 : i32 to vector<512x1xi32>
    %ge3A_148 = arith.cmpi sge, %broadcast_in_dim3A_145, %ge3A_147 : vector<512x1xi32>
    %select_n3A_149 = arith.select %ge3A_148, %or3A_139, %select_n3A_136 : vector<512x1xi1>, vector<512x1xi32>
    %or3A_150 = arith.constant 1048576 : i32
    %or3A_151 = vector.broadcast %or3A_150 : i32 to vector<512x1xi32>
    %or3A_152 = arith.ori %select_n3A_149, %or3A_151 : vector<512x1xi32>
    %ge3A_153 = vector.broadcast %or3A_152 : vector<512x1xi32> to vector<512x2048xi32>
    %ge3A_154 = arith.cmpi uge, %select_n3A, %ge3A_153 : vector<512x2048xi32>
    %convert_element_type3A_155 = arith.extui %ge3A_154 : vector<512x2048xi1> to vector<512x2048xi32>
    %reduce_sum3A_156 = arith.constant dense<0> : vector<512xi32>
    %reduce_sum3A_157 = vector.multi_reduction <add>, %convert_element_type3A_155, %reduce_sum3A_156 [1] : vector<512x2048xi32> to vector<512xi32>
    %broadcast_in_dim3A_158 = vector.shape_cast %reduce_sum3A_157 : vector<512xi32> to vector<512x1xi32>
    %ge3A_159 = arith.constant 204 : i32
    %ge3A_160 = vector.broadcast %ge3A_159 : i32 to vector<512x1xi32>
    %ge3A_161 = arith.cmpi sge, %broadcast_in_dim3A_158, %ge3A_160 : vector<512x1xi32>
    %select_n3A_162 = arith.select %ge3A_161, %or3A_152, %select_n3A_149 : vector<512x1xi1>, vector<512x1xi32>
    %or3A_163 = arith.constant 524288 : i32
    %or3A_164 = vector.broadcast %or3A_163 : i32 to vector<512x1xi32>
    %or3A_165 = arith.ori %select_n3A_162, %or3A_164 : vector<512x1xi32>
    %ge3A_166 = vector.broadcast %or3A_165 : vector<512x1xi32> to vector<512x2048xi32>
    %ge3A_167 = arith.cmpi uge, %select_n3A, %ge3A_166 : vector<512x2048xi32>
    %convert_element_type3A_168 = arith.extui %ge3A_167 : vector<512x2048xi1> to vector<512x2048xi32>
    %reduce_sum3A_169 = arith.constant dense<0> : vector<512xi32>
    %reduce_sum3A_170 = vector.multi_reduction <add>, %convert_element_type3A_168, %reduce_sum3A_169 [1] : vector<512x2048xi32> to vector<512xi32>
    %broadcast_in_dim3A_171 = vector.shape_cast %reduce_sum3A_170 : vector<512xi32> to vector<512x1xi32>
    %ge3A_172 = arith.constant 204 : i32
    %ge3A_173 = vector.broadcast %ge3A_172 : i32 to vector<512x1xi32>
    %ge3A_174 = arith.cmpi sge, %broadcast_in_dim3A_171, %ge3A_173 : vector<512x1xi32>
    %select_n3A_175 = arith.select %ge3A_174, %or3A_165, %select_n3A_162 : vector<512x1xi1>, vector<512x1xi32>
    %or3A_176 = arith.constant 262144 : i32
    %or3A_177 = vector.broadcast %or3A_176 : i32 to vector<512x1xi32>
    %or3A_178 = arith.ori %select_n3A_175, %or3A_177 : vector<512x1xi32>
    %ge3A_179 = vector.broadcast %or3A_178 : vector<512x1xi32> to vector<512x2048xi32>
    %ge3A_180 = arith.cmpi uge, %select_n3A, %ge3A_179 : vector<512x2048xi32>
    %convert_element_type3A_181 = arith.extui %ge3A_180 : vector<512x2048xi1> to vector<512x2048xi32>
    %reduce_sum3A_182 = arith.constant dense<0> : vector<512xi32>
    %reduce_sum3A_183 = vector.multi_reduction <add>, %convert_element_type3A_181, %reduce_sum3A_182 [1] : vector<512x2048xi32> to vector<512xi32>
    %broadcast_in_dim3A_184 = vector.shape_cast %reduce_sum3A_183 : vector<512xi32> to vector<512x1xi32>
    %ge3A_185 = arith.constant 204 : i32
    %ge3A_186 = vector.broadcast %ge3A_185 : i32 to vector<512x1xi32>
    %ge3A_187 = arith.cmpi sge, %broadcast_in_dim3A_184, %ge3A_186 : vector<512x1xi32>
    %select_n3A_188 = arith.select %ge3A_187, %or3A_178, %select_n3A_175 : vector<512x1xi1>, vector<512x1xi32>
    %or3A_189 = arith.constant 131072 : i32
    %or3A_190 = vector.broadcast %or3A_189 : i32 to vector<512x1xi32>
    %or3A_191 = arith.ori %select_n3A_188, %or3A_190 : vector<512x1xi32>
    %ge3A_192 = vector.broadcast %or3A_191 : vector<512x1xi32> to vector<512x2048xi32>
    %ge3A_193 = arith.cmpi uge, %select_n3A, %ge3A_192 : vector<512x2048xi32>
    %convert_element_type3A_194 = arith.extui %ge3A_193 : vector<512x2048xi1> to vector<512x2048xi32>
    %reduce_sum3A_195 = arith.constant dense<0> : vector<512xi32>
    %reduce_sum3A_196 = vector.multi_reduction <add>, %convert_element_type3A_194, %reduce_sum3A_195 [1] : vector<512x2048xi32> to vector<512xi32>
    %broadcast_in_dim3A_197 = vector.shape_cast %reduce_sum3A_196 : vector<512xi32> to vector<512x1xi32>
    %ge3A_198 = arith.constant 204 : i32
    %ge3A_199 = vector.broadcast %ge3A_198 : i32 to vector<512x1xi32>
    %ge3A_200 = arith.cmpi sge, %broadcast_in_dim3A_197, %ge3A_199 : vector<512x1xi32>
    %select_n3A_201 = arith.select %ge3A_200, %or3A_191, %select_n3A_188 : vector<512x1xi1>, vector<512x1xi32>
    %or3A_202 = arith.constant 65536 : i32
    %or3A_203 = vector.broadcast %or3A_202 : i32 to vector<512x1xi32>
    %or3A_204 = arith.ori %select_n3A_201, %or3A_203 : vector<512x1xi32>
    %ge3A_205 = vector.broadcast %or3A_204 : vector<512x1xi32> to vector<512x2048xi32>
    %ge3A_206 = arith.cmpi uge, %select_n3A, %ge3A_205 : vector<512x2048xi32>
    %convert_element_type3A_207 = arith.extui %ge3A_206 : vector<512x2048xi1> to vector<512x2048xi32>
    %reduce_sum3A_208 = arith.constant dense<0> : vector<512xi32>
    %reduce_sum3A_209 = vector.multi_reduction <add>, %convert_element_type3A_207, %reduce_sum3A_208 [1] : vector<512x2048xi32> to vector<512xi32>
    %broadcast_in_dim3A_210 = vector.shape_cast %reduce_sum3A_209 : vector<512xi32> to vector<512x1xi32>
    %ge3A_211 = arith.constant 204 : i32
    %ge3A_212 = vector.broadcast %ge3A_211 : i32 to vector<512x1xi32>
    %ge3A_213 = arith.cmpi sge, %broadcast_in_dim3A_210, %ge3A_212 : vector<512x1xi32>
    %select_n3A_214 = arith.select %ge3A_213, %or3A_204, %select_n3A_201 : vector<512x1xi1>, vector<512x1xi32>
    %shift_right_logical3A_215 = arith.constant 31 : i32
    %shift_right_logical3A_216 = vector.broadcast %shift_right_logical3A_215 : i32 to vector<512x1xi32>
    %shift_right_logical3A_217 = arith.shrui %select_n3A_214, %shift_right_logical3A_216 : vector<512x1xi32>
    %eq3A_218 = arith.constant 0 : i32
    %eq3A_219 = vector.broadcast %eq3A_218 : i32 to vector<512x1xi32>
    %eq3A_220 = arith.cmpi eq, %shift_right_logical3A_217, %eq3A_219 : vector<512x1xi32>
    %not3A_221 = arith.constant dense<-1> : vector<512x1xi32>
    %not3A_222 = arith.xori %select_n3A_214, %not3A_221 : vector<512x1xi32>
    %and3A = arith.constant 2147483647 : i32
    %and3A_223 = vector.broadcast %and3A : i32 to vector<512x1xi32>
    %and3A_224 = arith.andi %select_n3A_214, %and3A_223 : vector<512x1xi32>
    %select_n3A_225 = arith.select %eq3A_220, %not3A_222, %and3A_224 : vector<512x1xi1>, vector<512x1xi32>
    %bitcast3A_226 = tpu.bitcast %select_n3A_225 : vector<512x1xi32> -> vector<512x1xf32>
    %sub3A = vector.broadcast %bitcast3A_226 : vector<512x1xf32> to vector<512x2048xf32>
    %sub3A_227 = arith.subf %sub3A, %get3A_1 : vector<512x2048xf32>
    %exp3A = math.exp %sub3A_227 : vector<512x2048xf32>
    %add3A = arith.constant 1.000000e+00 : f32
    %add3A_228 = vector.broadcast %add3A : f32 to vector<512x2048xf32>
    %add3A_229 = arith.addf %add3A_228, %exp3A : vector<512x2048xf32>
    %div3A = arith.constant 1.000000e+00 : f32
    %div3A_230 = vector.broadcast %div3A : f32 to vector<512x2048xf32>
    %div3A_231 = arith.divf %div3A_230, %add3A_229 : vector<512x2048xf32>
    %mul3A = arith.mulf %get3A_1, %div3A_231 : vector<512x2048xf32>
    %swap3A = arith.constant 0 : index
    %swap3A_232 = arith.constant 0 : index
    %swap3A_233 = vector.load %arg2[%swap3A, %swap3A_232] : memref<512x2048xf32, #tpu.memory_space<vmem>>, vector<512x2048xf32>
    tpu.vector_store %arg2[%swap3A, %swap3A_232], %mul3A {strides = array<i32>} : memref<512x2048xf32, #tpu.memory_space<vmem>>, vector<512x2048xf32>,
    return
  }
  func.func @transform_0(%arg0: i32) -> (i32, i32) {
    %add3A = arith.constant 12 : i32
    %add3A_0 = arith.addi %arg0, %add3A : i32
    %c0_i32 = arith.constant 0 : i32
    %c0_i32_1 = arith.constant 0 : i32
    return %add3A_0, %c0_i32 : i32, i32
  }
  func.func @transform_1(%arg0: i32) -> (i32, i32) {
    %add3A = arith.constant 12 : i32
    %add3A_0 = arith.addi %arg0, %add3A : i32
    %c0_i32 = arith.constant 0 : i32
    %c0_i32_1 = arith.constant 0 : i32
    return %add3A_0, %c0_i32 : i32, i32
  }
}

</mosaic_0001>

<sc_bundles>
// kernel: kernel.4.cloned.1.call-start
scs
__scs_entry_jumppad:
0x0: {  	(pc) =	sbr.rel $0x88, $3  }
0x1: {  	(tag) =	ssettag $0x0;
	lr =	simm.s32 $0x1  }
0x2: {  	[smem:$0x3FA0] =	sst lr;
	_ =	strace $0xD0000000  }
0x3: {  	_ = 	snop  }
0x4: {  	_ = 	snop  }
0x5: {  	_ = 	snop  }
0x6: {  	_ = 	snop  }
0x7: {  	_ = 	snop  }
__scs_overlays_trampoline_lowered:
0x8: {  	[smem:$0x3FAF] =	sst s0  }
0x9: {  	[smem:$0x3FB0] =	sst s1  }
0xa: {  	[smem:$0x3FB1] =	sst s2  }
0xb: {  	[smem:$0x3FB2] =	sst s3  }
0xc: {  	[smem:$0x3FB3] =	sst s4  }
0xd: {  	[smem:$0x3FB4] =	sst s5  }
0xe: {  	[smem:$0x3FB5] =	sst s6  }
0xf: {  	[smem:$0x3FB6] =	sst s7  }
0x10: {  	[smem:$0x3FB7] =	sst s8  }
0x11: {  	[smem:$0x3FB8] =	sst s9;
	s0 =	simm.s32 @!p0 $0x0  }
0x12: {  	s1 =	sld [smem:$0x3F9E];
	s0 =	simm.s32 @p0 $0x1  }
0x13: {  	[smem:$0x3FB9] =	sst s0;
	s0 =	simm.s32 @!p1 $0x0  }
0x14: {  	s2 =	sld [smem:$0x3F9D];
	s0 =	simm.s32 @p1 $0x1  }
0x15: {  	[smem:$0x3FBA] =	sst s0;
	s0 =	simm.s32 @!p2 $0x0  }
0x16: {  	s3 =	sld [smem:$0x3FDB];
	s0 =	simm.s32 @p2 $0x1  }
0x17: {  	s4 =	simm.s32 $0x1BF5;
	[smem:$0x3FBC] =	sst s0  }
0x18: {  	s0 =	sld [smem:$0x3F9F];
	_ =	swait.ge [sflag:s4], $0x0  }
0x19: {  	s7 =	sld [smem:$0x3FA0]  }
0x1a: {  	s8 =	sadd.s32 $0xFFFFE003, lr  }
0x1b: {  	s9 =	sadd.s32 $0xFFFFFEF7, lr;
	s5 =	simm.s32 $0xFFFFFFFF;
	p2 =	slt.u32 s8, $0xFFFFF086  }
0x1c: {  	p1 =	slt.u32 s9, $0xF7A;
	s5 =	simm.s32 @!p2 $0x0  }
0x1d: {  	s5 =	simm.s32 @p1 $0x1;
	p0 =	seq.s32 s7, s2  }
0x1e: {  	s7 =	smul.u32 @!p0 $0xF7A, s2;
	p2 =	seq.s32 @!p0 s5, $0x0  }
0x1f: {  	s9 =	smul.u32 $0xF7A, s1;
	s8 =	simm.s32 @!p0 $0x1BF5;
	p2 =	por !p2, p0  }
0x20: {  	[sflag:s8] =	ssyncset.s32 @!p0 $0xFFFFF086;
	s6 =	sadd.s32 @!p0 s3, s7;
	s7 =	simm.s32 @!p0 $0x108  }
0x21: {  	s3 =	sadd.s32 s3, s9;
	s6 =	sadd.s32 @!p0 $0x88, s6;
	s7 =	simm.s32 @p2 $0x1082  }
0x22: {  	[simem:s7], [sflag:s8] =	dma.local @!p0 [hbm:s6], $0xF7A  }
0x23: {  	s9 =	sor.u32 $0xD0000000, s2;
	s6 =	simm.s32 $0x108;
	_ =	swait.ge @!p0 [sflag:s8], $0x0  }
0x24: {  	s3 =	sadd.s32 $0x88, s3;
	s6 =	simm.s32 @!p1 $0x1082;
	[sflag:s4] =	ssyncset.s32 $0xFFFFF086  }
0x25: {  	[simem:s6], [sflag:s4] =	dma.local [hbm:s3], $0xF7A  }
0x26: {  	[smem:$0x3FA0] =	sst s1;
	(tag) =	ssettag s2;
	_ =	strace s9  }
0x27: {  	s1 =	sld [smem:$0x3FB0]  }
0x28: {  	s2 =	sld [smem:$0x3FB1]  }
0x29: {  	s4 =	sld [smem:$0x3FB3]  }
0x2a: {  	p0 =	seq.s32 s5, $0x0;
	s5 =	sld [smem:$0x3FB4]  }
0x2b: {  	s6 =	sld [smem:$0x3FB5]  }
0x2c: {  	s7 =	sld [smem:$0x3FB6]  }
0x2d: {  	s3 =	simm.s32 $0x108;
	s8 =	sld [smem:$0x3FB7]  }
0x2e: {  	s3 =	simm.s32 @!p0 $0x1082;
	s9 =	sld [smem:$0x3FB8]  }
0x2f: {  	lr =	sadd.s32 s0, s3;
	s0 =	sld [smem:$0x3FAF]  }
0x30: {  	s3 =	sld [smem:$0x3FB2]  }
0x31: {  	[smem:$0x3FBB] =	sst s10  }
0x32: {  	s10 =	sld [smem:$0x3FB9];
	_ =	sdelay $0x3  }
0x33: {  	p0 =	seq.s32 s10, $0x1;
	s10 =	sld [smem:$0x3FBB];
	_ =	sdelay $0x3  }
0x34: {  	[smem:$0x3FBB] =	sst s10  }
0x35: {  	s10 =	sld [smem:$0x3FBA];
	_ =	sdelay $0x3  }
0x36: {  	p1 =	seq.s32 s10, $0x1;
	s10 =	sld [smem:$0x3FBB];
	_ =	sdelay $0x3  }
0x37: {  	[smem:$0x3FBB] =	sst s10  }
0x38: {  	s10 =	sld [smem:$0x3FBC]  }
0x39: {  	_ = 	snop;
	(pc) =	sbr.ind lr, $3  }
0x3a: {  	_ = 	snop  }
0x3b: {  	_ = 	snop  }
0x3c: {  	p2 =	seq.s32 s10, $0x1;
	s10 =	sld [smem:$0x3FBB]  }
0x3d: {  	_ =	shalt  }
0x3e: {  	_ =	shalt  }
0x3f: {  	_ =	shalt  }
0x40: {  	_ =	shalt  }
0x41: {  	_ =	shalt  }
0x42: {  	_ =	shalt  }
0x43: {  	_ =	shalt  }
0x44: {  	_ =	shalt  }
0x45: {  	_ =	shalt  }
0x46: {  	_ =	shalt  }
0x47: {  	_ =	shalt  }
0x48: {  	_ =	shalt  }
0x49: {  	_ =	shalt  }
0x4a: {  	_ =	shalt  }
0x4b: {  	_ =	shalt  }
0x4c: {  	_ =	shalt  }
0x4d: {  	_ =	shalt  }
0x4e: {  	_ =	shalt  }
0x4f: {  	_ =	shalt  }
0x50: {  	_ =	shalt  }
0x51: {  	_ =	shalt  }
0x52: {  	_ =	shalt  }
0x53: {  	_ =	shalt  }
0x54: {  	_ =	shalt  }
0x55: {  	_ =	shalt  }
0x56: {  	_ =	shalt  }
0x57: {  	_ =	shalt  }
0x58: {  	_ =	shalt  }
0x59: {  	_ =	shalt  }
0x5a: {  	_ =	shalt  }
0x5b: {  	_ =	shalt  }
0x5c: {  	_ =	shalt  }
0x5d: {  	_ =	shalt  }
0x5e: {  	_ =	shalt  }
0x5f: {  	_ =	shalt  }
0x60: {  	_ =	shalt  }
0x61: {  	_ =	shalt  }
0x62: {  	_ =	shalt  }
0x63: {  	_ =	shalt  }
0x64: {  	_ =	shalt  }
0x65: {  	_ =	shalt  }
0x66: {  	_ =	shalt  }
0x67: {  	_ =	shalt  }
0x68: {  	_ =	shalt  }
0x69: {  	_ =	shalt  }
0x6a: {  	_ =	shalt  }
0x6b: {  	_ =	shalt  }
0x6c: {  	_ =	shalt  }
0x6d: {  	_ =	shalt  }
0x6e: {  	_ =	shalt  }
0x6f: {  	_ =	shalt  }
0x70: {  	_ =	shalt  }
0x71: {  	_ =	shalt  }
0x72: {  	_ =	shalt  }
0x73: {  	_ =	shalt  }
0x74: {  	_ =	shalt  }
0x75: {  	_ =	shalt  }
0x76: {  	_ =	shalt  }
0x77: {  	_ =	shalt  }
0x78: {  	_ =	shalt  }
0x79: {  	_ =	shalt  }
0x7a: {  	_ =	shalt  }
0x7b: {  	_ =	shalt  }
0x7c: {  	_ =	shalt  }
0x7d: {  	_ =	shalt  }
0x7e: {  	_ =	shalt  }
0x7f: {  	_ =	shalt  }
0x80: {  	_ =	shalt  }
0x81: {  	_ =	shalt  }
0x82: {  	_ =	shalt  }
0x83: {  	_ =	shalt  }
0x84: {  	_ =	shalt  }
0x85: {  	_ =	shalt  }
0x86: {  	_ =	shalt  }
0x87: {  	_ =	shalt  }
.Lfunc_end0:
.L_simem_size_0:
called_computation_lowered:
.L_overlay_start_0:
0x88: {  	s2 =	sld [smem:$0x3FD9]  }
0x89: {  	s3 =	sld [smem:$0x3FFE];
	_ =	sdelay $0x1  }
0x8a: {  	s1 =	srdreg.scid  }
0x8b: {  	s0 =	sand.u32 $0x1, s1  }
0x8c: {  	s17 =	sshll.u32 s0, $0xA;
	s2 =	sadd.s32 s3, s2  }
0x8d: {  	s2 =	sadd.s32 s2, s17  }
0x8e: {  	[smem:$0x3FC7] =	sst s2  }
0x8f: {  	_ = 	snop  }
0x90: {  	s2 =	sld [smem:$0x3FC9];
	(tm) =	ssettm $0x1  }
0x91: {  	s18 =	sld [smem:$0x3FFB];
	_ =	sdelay $0x3  }
0x92: {  	_ =	strace s18  }
0x93: {  	s3 =	sld [smem:$0x3FFC];
	_ =	sdelay $0x3  }
0x94: {  	_ =	strace s3  }
0x95: {  	s3 =	sld [smem:$0x3FFD];
	_ =	sdelay $0x3  }
0x96: {  	_ =	strace s3  }
0x97: {  	_ =	strace $0x8FFFFFFF  }
0x98: {  	s19 =	sld [smem:$0x3FDB];
	_ =	sdelay $0x1  }
0x99: {  	s4 =	simm.s32 $_scs_section_size  }
0x9a: {  	s5 =	simm.s32 $_size__tile_overlayer_lowered;
	s6 =	simm.s32 $_tile_overlayer_lowered  }
0x9b: {  	s22 =	simm.s32 $0x1BFF;
	s21 =	sshll.u32 s6, $0x1;
	s3 =	sadd.s32 s4, s19  }
0x9c: {  	s7 =	simm.s32 $0x0;
	s20 =	sshll.u32 s5, $0x1;
	s5 =	sadd.s32 s21, s3  }
0x9d: {  	[timem:s7], [sflag:s22] =	dma.local [hbm:s5], s20  }
0x9e: {  	_ =	swait.ge [sflag:s22], s20  }
0x9f: {  	s4 =	ssub.s32 $0x0, s20;
	[sflag:s22] =	ssyncset.done $0x0  }
0xa0: {  	[sflag:s22] =	ssyncadd.s32 s4;
	_ =	sdelay $0x1  }
0xa1: {  	s23 =	simm.s32 $0x1B8B  }
0xa2: {  	_ =	swait.ge [sflag:s23], $0x1  }
0xa3: {  	[sflag:s23] =	ssyncset.done $0x0  }
0xa4: {  	s25 =	simm.s32 $0x1B8E;
	s24 =	sld [smem:$0x3FFE];
	[sflag:s23] =	ssyncadd.s32 $0xFFFFFFFF  }
0xa5: {  	s26 =	simm.s32 $execute0_lowered;
	[smem:$0x3FD2] =	sst s25  }
0xa6: {  	s5 =	sshll.u32 s26, $0x1;
	_ =	strace $0x80000046;
	[dreg:$0x1] =	wrdreg $0xFFFFFFFF  }
0xa7: {  	s28 =	simm.s32 $_size_execute0_lowered;
	s3 =	sadd.s32 s3, s5;
	[dreg:$0x0] =	wrdreg $0x0  }
0xa8: {  	s5 =	sshll.u32 s28, $0x1;
	[dreg:$0x2] =	wrdreg s3  }
0xa9: {  	[dreg:$0x3] =	wrdreg s5  }
0xaa: {  	[dreg:$0x4] =	wrdreg $0xC0  }
0xab: {  	_ =	task [dreg:s7], $0x5FFFF  }
0xac: {  	[dreg:$0x1] =	wrdreg $0xFFFFFFFF  }
0xad: {  	[dreg:$0x0] =	wrdreg $0x60  }
0xae: {  	[dreg:$0x2] =	wrdreg s2  }
0xaf: {  	[dreg:$0x3] =	wrdreg s24  }
0xb0: {  	[dreg:$0x4] =	wrdreg $0x9  }
0xb1: {  	_ =	task.clear_ibuf [dreg:s7], $0x5FFFF;
	_ =	strace $0x90000046  }
0xb2: {  	s29 =	simm.s32 $0x9;
	_ =	strace $0x80000048  }
0xb3: {  	_ =	swait.ge [sflag:s29], $0x1  }
0xb4: {  	[sflag:s29] =	ssyncadd.s32 $0xFFFFFFFF  }
0xb5: {  	_ =	strace $0x90000048  }
0xb6: {  	_ =	sfence  }
0xb7: {  	s30 =	sld [smem:$0x0];
	_ =	sdelay $0x2  }
0xb8: {  	s31 =	sshll.u32 s1, $0xD;
	s1 =	sshrl.u32 s1, $0x2  }
0xb9: {  	s3 =	sand.u32 $0x4000, s31;
	s1 =	sadd.s32 s1, s30  }
0xba: {  	s0 =	sor.u32 s3, s0;
	s1 =	sshll.u32 s1, $0x11  }
0xbb: {  	s0 =	sor.u32 s1, s0  }
0xbc: {  	s0 =	sadd.s32 $0x8F2B, s0  }
0xbd: {  	[sflag:s0] =	ssyncadd.remote.s32 $0x1  }
0xbe: {  	_ =	sfence.sel $0xFFFF  }
0xbf: {  	[dreg:$0x0] =	wrdreg $0xFFFFFFFF;
	(pc) =	sbr.abs _section_cstart, $3  }
0xc0: {  	[dreg:$0x1] =	wrdreg $0xFFFFFFFF  }
0xc1: {  	_ =	task.clear_ibuf [dreg:s7], $0x2FFFF;
	_ =	strace $0x9FFFFFFF  }
0xc2: {  	(tm) =	ssettm $0x7FFFFFFF  }
0xc3: {  	_ =	shalt  }
tec
execute0_lowered:
.L_overlay_start_1:
0x0: {  	(tag) =	ssettag $0x1  }
0x1: {  	v0 =	vimm.s32 $0x4380;
	vm0 =	vcmask $0x300  }
0x2: {  	vm14 =	vcmask $0x704;
	v0 =	vsel vm0, $0x0, v0  }
0x3: {  	vm15 =	vcmask $0xB08;
	v0 =	vsel vm14, $0x80, v0  }
0x4: {  	vm4 =	vcmask $0xF0C;
	v0 =	vsel vm15, $0x100, v0  }
0x5: {  	vm5 =	vcmask $0x1310;
	v0 =	vsel vm4, $0x180, v0  }
0x6: {  	s1 =	rddreg [dreg:$0x0];
	vm6 =	vcmask $0x1714;
	s2 =	srdreg.scid;
	v0 =	vsel vm5, $0x200, v0  }
0x7: {  	s0 =	stileid.u32;
	vm7 =	vcmask $0x1B18;
	s4 =	rddreg [dreg:$0x1];
	v0 =	vsel vm6, $0x280, v0  }
0x8: {  	vm8 =	vcmask $0x1F1C;
	s3 =	simm.s32 $0x0;
	s11 =	simm.s32 $0x8000;
	s12 =	simm.s32 $0x1;
	v0 =	vsel vm7, $0x300, v0  }
0x9: {  	vm9 =	vcmask $0x2320;
	s13 =	simm.s32 $0x10000;
	s5 =	sand.u32 $0x1, s2;
	s6 =	sshll.u32 s0, $0x1;
	v0 =	vsel vm8, $0x380, v0  }
0xa: {  	vm10 =	vcmask $0x2724;
	s14 =	simm.s32 $0x2;
	s15 =	simm.s32 $0x3;
	s7 =	sor.u32 s5, s6;
	v0 =	vsel vm9, $0x4000, v0  }
0xb: {  	vm11 =	vcmask $0x2B28;
	s16 =	simm.s32 $0x4;
	s2 =	rddreg [dreg:$0x2];
	s6 =	smul.u32 $0xC000, s7;
	v0 =	vsel vm10, $0x4080, v0  }
.Ltmp0:
0xc: {  	vm12 =	vcmask $0x2F2C;
	s17 =	simm.s32 $0x0;
	[smem:$0x7FF] =	sst s3;
	v0 =	vsel vm11, $0x4100, v0;
	(pc) =	sbr.rel .LBB2_1-.Ltmp0, $4  }
0xd: {  	vm13 =	vcmask $0x3330;
	s4 =	sadd.s32 $0x400, s4;
	s5 =	ssub.s32 $0x2, s5;
	s9 =	smul.u32 $0xC0, s7;
	v1 =	vsel vm12, $0x4180, v0  }
0xe: {  	v3 =	vimm.s32 $0x1;
	_ =	strace $0x80000047;
	vm14 =	vcmask $0x3734;
	s8 =	sshrl.u32 s5, $0x1;
	s7 =	smul.u32 $0x60000, s7;
	v2 =	vsel vm13, $0x4200, v1  }
0xf: {  	v4 =	vimm.s32 $0x80000000;
	vm15 =	vcmask $0x3B38;
	s10 =	ssub.s32 s5, s8;
	s5 =	sadd.s32 s1, s6;
	s8 =	sor.u32 $0x10, s9;
	v2 =	vsel vm14, $0x4280, v2  }
0x10: {  	s9 =	sor.u32 $0x20, s9;
	s10 =	smax.u32 s10, $0x1;
	s6 =	sadd.s32 $0x1000, s5;
	v0 =	vimm.s32 $0x0;
	v1 =	vlaneseq.u32;
	v2 =	vsel vm15, $0x4300, v2  }
.LBB2_25:
0x11: {  	_ =	swait.ge [sflag:s15], $0x8000  }
0x12: {  	[sflag:s15] =	ssyncset.done $0x0  }
0x13: {  	[sflag:s15] =	ssyncadd.s32 $0xFFFF8000  }
.LBB2_27:
0x14: {  	s17 =	sadd.s32 $0x1, s17  }
0x15: {  	p0 =	sne.s32 s17, s10  }
.Ltmp1:
0x16: {  	_ = 	snop;
	(pc) =	sbr.rel @!p0 .LBB2_28-.Ltmp1, $4  }
0x17: {  	_ = 	snop  }
0x18: {  	_ =	swait.ge [sflag:s16], $0x8000  }
0x19: {  	[sflag:s16] =	ssyncset.done $0x0  }
0x1a: {  	[sflag:s16] =	ssyncadd.s32 $0xFFFF8000  }
.LBB2_1:
0x1b: {  	s18 =	simm.s32 $0x10040  }
0x1c: {  	[tilespmem:s18+$0xFFFFFFC0] =	vst v0  }
0x1d: {  	[tilespmem:s18+$0x30] =	vst v0  }
0x1e: {  	[tilespmem:s18+$0x20] =	vst v0  }
0x1f: {  	[tilespmem:s18+$0x10] =	vst v0  }
0x20: {  	[tilespmem:s18+$0x0] =	vst v0  }
0x21: {  	[tilespmem:s18+$0xFFFFFFF0] =	vst v0  }
0x22: {  	s19 =	simm.s32 $0x0;
	[tilespmem:s18+$0xFFFFFFE0] =	vst v0  }
.LBB2_2:
0x23: {  	s19 =	sadd.s32 $0x8, s19;
	[tilespmem:s18+$0xFFFFFFD0] =	vst v0;
	s18 =	sadd.s32 $0x80, s18  }
0x24: {  	[tilespmem:s18+$0xFFFFFFC0] =	vst v0;
	p0 =	slt.u32 s19, $0xF8  }
0x25: {  	[tilespmem:s18+$0x30] =	vst v0  }
.Ltmp2:
0x26: {  	[tilespmem:s18+$0x20] =	vst v0;
	(pc) =	sbr.rel @p0 .LBB2_2-.Ltmp2, $4  }
0x27: {  	[tilespmem:s18+$0x10] =	vst v0  }
0x28: {  	[tilespmem:s18+$0x0] =	vst v0  }
0x29: {  	[tilespmem:s18+$0xFFFFFFF0] =	vst v0  }
0x2a: {  	[tilespmem:s18+$0xFFFFFFE0] =	vst v0  }
0x2b: {  	[tilespmem:s18+$0xFFFFFFD0] =	vst v0;
	s18 =	simm.s32 $0x0  }
0x2c: {  	[tilespmem:s18], [sflag:$0x1] =	stream.linear.gather [hbm4b:s5+s18], $0x8000, $0x38;
	[tilespmem:$0x11000] =	vst v63  }
0x2d: {  	s19 =	simm.s32 $0x0  }
0x2e: {  	[tilespmem:s11], [sflag:$0x2] =	stream.linear.gather [hbm4b:s6+s18], $0x8000, $0x38;
	[tilespmem:$0x11000] =	vst v63  }
.LBB2_4:
0x2f: {  	s20 =	simm.s32 $0x7  }
0x30: {  	s21 =	simm.s32 $0x2;
	s30 =	simm.s32 $0x4;
	v7 =	vadd.s32 s18, v1;
	v5 =	vadd.s32 s20, v1  }
0x31: {  	s31 =	simm.s32 $0x5;
	s22 =	simm.s32 $0x3;
	v8 =	vadd.s32 s21, v1;
	v9 =	vadd.s32 s30, v1;
	v10 =	vshll.u32 v7, $0x3  }
0x32: {  	s25 =	simm.s32 $0xC;
	s26 =	simm.s32 $0xD;
	s28 =	simm.s32 $0xF;
	v11 =	vadd.s32 s31, v1;
	v7 =	vand.u32 $0x7F, v7;
	v17 =	vadd.s32 s22, v1  }
0x33: {  	v21 =	vadd.s32 s25, v1;
	v22 =	vadd.s32 s26, v1;
	v26 =	vadd.s32 s28, v1  }
0x34: {  	v6 =	vshll.u32 v5, $0x3;
	v5 =	vand.u32 $0x7F, v5;
	v10 =	vand.u32 $0x3C00, v10  }
0x35: {  	v12 =	vshll.u32 v11, $0x3;
	v11 =	vand.u32 $0x7F, v11;
	v25 =	vshll.u32 v22, $0x3  }
0x36: {  	v28 =	vand.u32 $0x7F, v26;
	v26 =	vshll.u32 v26, $0x3;
	v22 =	vand.u32 $0x7F, v22  }
0x37: {  	v55 =	vshll.u32 v21, $0x3;
	v21 =	vand.u32 $0x7F, v21;
	v6 =	vand.u32 $0x3C00, v6  }
0x38: {  	v7 =	vor.u32 v10, v7;
	v10 =	vshll.u32 v9, $0x3;
	v9 =	vand.u32 $0x7F, v9  }
0x39: {  	s29 =	simm.s32 $0x1;
	v12 =	vand.u32 $0x3C00, v12;
	v26 =	vand.u32 $0x3C00, v26;
	v5 =	vor.u32 v6, v5  }
0x3a: {  	v6 =	vadd.s32 s29, v1;
	v10 =	vand.u32 $0x3C00, v10;
	v5 =	vor.u32 v2, v5  }
0x3b: {  	v9 =	vor.u32 v10, v9;
	v10 =	vshll.u32 v6, $0x3;
	v6 =	vand.u32 $0x7F, v6  }
0x3c: {  	s21 =	simm.s32 $0x6;
	v14 =	vor.u32 v2, v9;
	v9 =	vor.u32 v12, v11;
	v10 =	vand.u32 $0x3C00, v10  }
0x3d: {  	_ =	swait.ge [sflag:s12], $0x8000;
	v11 =	vadd.s32 s21, v1;
	v9 =	vor.u32 v2, v9;
	v6 =	vor.u32 v10, v6  }
0x3e: {  	[sflag:s12] =	ssyncset.done $0x0;
	v25 =	vand.u32 $0x3C00, v25;
	v15 =	vshll.u32 v11, $0x3;
	v6 =	vor.u32 v2, v6  }
0x3f: {  	[sflag:s12] =	ssyncadd.s32 $0xFFFF8000;
	v7 =	vor.u32 v2, v7;
	v11 =	vand.u32 $0x7F, v11;
	v15 =	vand.u32 $0x3C00, v15  }
0x40: {  	v12 =	vshll.u32 v8, $0x3;
	v8 =	vand.u32 $0x7F, v8;
	v11 =	vor.u32 v15, v11;
	v13 =	vld.idx.msk [tilespmem:v5+s3+$0x0], $0xffff  }
0x41: {  	v12 =	vand.u32 $0x3C00, v12;
	v15 =	vshll.u32 v17, $0x3;
	v11 =	vor.u32 v2, v11  }
0x42: {  	s29 =	simm.s32 $0x8;
	v8 =	vor.u32 v12, v8;
	v17 =	vand.u32 $0x7F, v17;
	v12 =	vand.u32 $0x3C00, v15;
	v19 =	vld.idx.msk [tilespmem:v9+s3+$0x0], $0xffff  }
0x43: {  	v26 =	vor.u32 v26, v28;
	v51 =	vadd.s32 s29, v1;
	v12 =	vor.u32 v12, v17;
	v24 =	vld.idx.msk [tilespmem:v6+s3+$0x0], $0xffff  }
0x44: {  	v26 =	vor.u32 v2, v26;
	v31 =	vshll.u32 v51, $0x3;
	v10 =	vld.idx.msk [tilespmem:v7+s3+$0x0], $0xffff;
	v17 =	vor.u32 v2, v12  }
0x45: {  	v28 =	vand.u32 $0x7F, v51;
	v31 =	vand.u32 $0x3C00, v31;
	v16 =	vshra.s32 v13, $0x1F  }
0x46: {  	v28 =	vor.u32 v31, v28;
	v8 =	vor.u32 v2, v8;
	v29 =	vld.idx.msk [tilespmem:v11+s3+$0x0], $0xffff;
	v16 =	vor.u32 $0x80000000, v16  }
0x47: {  	s30 =	simm.s32 $0xE;
	v28 =	vor.u32 v2, v28;
	v13 =	vxor.u32 v13, v16;
	v20 =	vshra.s32 v19, $0x1F  }
0x48: {  	v16 =	vld.idx.msk [tilespmem:v14+s3+$0x0], $0xffff;
	v18 =	vshrl.u32 v13, $0x14;
	v32 =	vshra.s32 v24, $0x1F;
	[tilespmem:v5+s3+$0x0] =	vst.idx.msk $0xffff, v13;
	v13 =	vadd.s32 s30, v1  }
0x49: {  	v53 =	vld.idx.msk [tilespmem:v17+s3+$0x0], $0xffff;
	v15 =	vand.u32 $0xFF0, v18;
	v18 =	vshra.s32 v10, $0x1F;
	v52 =	vor.u32 $0x80000000, v32  }
0x4a: {  	v58 =	vshll.u32 v13, $0x3;
	v13 =	vand.u32 $0x7F, v13;
	v15 =	vor.u32 v1, v15  }
0x4b: {  	v18 =	vor.u32 $0x80000000, v18;
	v24 =	vxor.u32 v24, v52;
	v54 =	vshra.s32 v29, $0x1F  }
0x4c: {  	v10 =	vxor.u32 v10, v18;
	v18 =	vor.u32 $0x80000000, v20;
	v31 =	vor.u32 $0x80000000, v54  }
0x4d: {  	v12 =	vshra.s32 v16, $0x1F;
	v20 =	vshrl.u32 v10, $0x14;
	v18 =	vxor.u32 v19, v18  }
0x4e: {  	v29 =	vxor.u32 v29, v31;
	v31 =	vand.u32 $0x3C00, v55;
	[tilespmem:v7+s3+$0x0] =	vst.idx.msk $0xffff, v10;
	v10 =	vshra.s32 v53, $0x1F  }
0x4f: {  	s24 =	simm.s32 $0xA;
	v7 =	vor.u32 v25, v22;
	v12 =	vor.u32 $0x80000000, v12;
	v19 =	vand.u32 $0xFF0, v20  }
0x50: {  	v20 =	vadd.s32 s24, v1;
	v27 =	vshrl.u32 v18, $0x14;
	v21 =	vor.u32 v31, v21  }
0x51: {  	s23 =	simm.s32 $0x9;
	[tilespmem:v9+s3+$0x0] =	vst.idx.msk $0xffff, v18;
	v18 =	vshrl.u32 v24, $0x14;
	v7 =	vor.u32 v2, v7;
	v61 =	vshrl.u32 v29, $0x14  }
0x52: {  	v10 =	vor.u32 $0x80000000, v10;
	v12 =	vxor.u32 v16, v12;
	v16 =	vadd.s32 s23, v1  }
0x53: {  	v5 =	vld.idx.msk [tilespmem:v8+s3+$0x0], $0xffff;
	v19 =	vor.u32 v1, v19;
	v27 =	vand.u32 $0xFF0, v27;
	v56 =	vshll.u32 v20, $0x3  }
0x54: {  	v20 =	vand.u32 $0x7F, v20;
	v9 =	vor.u32 v2, v21;
	v18 =	vand.u32 $0xFF0, v18  }
0x55: {  	v57 =	vld.idx.msk [tilespmem:v26+s3+$0x0], $0xffff;
	[tilespmem:v6+s3+$0x0] =	vst.idx.msk $0xffff, v24;
	v63 =	vxor.u32 v53, v10;
	v23 =	vshrl.u32 v12, $0x14;
	v30 =	vshll.u32 v16, $0x3  }
0x56: {  	v27 =	vor.u32 v1, v27;
	v16 =	vand.u32 $0x7F, v16;
	[tilespmem:v15+s13+$0x0] =	vst.idx.add.s32.msk $0xffff, v3;
	v15 =	vand.u32 $0x3C00, v58  }
0x57: {  	v59 =	vand.u32 $0x3C00, v56;
	[tilespmem:v14+s3+$0x0] =	vst.idx.msk $0xffff, v12;
	v14 =	vld.idx.msk [tilespmem:v28+s3+$0x0], $0xffff;
	v18 =	vor.u32 v1, v18;
	v23 =	vand.u32 $0xFF0, v23  }
0x58: {  	[tilespmem:v11+s3+$0x0] =	vst.idx.msk $0xffff, v29;
	v30 =	vand.u32 $0x3C00, v30;
	v13 =	vor.u32 v15, v13;
	v15 =	vshra.s32 v5, $0x1F  }
0x59: {  	v23 =	vor.u32 v1, v23;
	v16 =	vor.u32 v30, v16;
	v15 =	vor.u32 $0x80000000, v15;
	v11 =	vld.idx.msk [tilespmem:v7+s3+$0x0], $0xffff  }
0x5a: {  	s31 =	simm.s32 $0xB;
	v15 =	vxor.u32 v5, v15;
	[tilespmem:v19+s13+$0x0] =	vst.idx.add.s32.msk $0xffff, v3;
	v19 =	vor.u32 v59, v20;
	v20 =	vshra.s32 v57, $0x1F  }
0x5b: {  	[tilespmem:v8+s3+$0x0] =	vst.idx.msk $0xffff, v15;
	v8 =	vor.u32 v2, v13;
	v12 =	vor.u32 $0x80000000, v20;
	v20 =	vadd.s32 s31, v1  }
0x5c: {  	v10 =	vshra.s32 v14, $0x1F;
	[tilespmem:v18+s13+$0x0] =	vst.idx.add.s32.msk $0xffff, v3;
	v18 =	vshrl.u32 v63, $0x14;
	v60 =	vxor.u32 v57, v12  }
0x5d: {  	v6 =	vshll.u32 v20, $0x3;
	v20 =	vand.u32 $0x7F, v20;
	v62 =	vshrl.u32 v60, $0x14  }
0x5e: {  	[tilespmem:v17+s3+$0x0] =	vst.idx.msk $0xffff, v63;
	v12 =	vld.idx.msk [tilespmem:v9+s3+$0x0], $0xffff;
	v18 =	vand.u32 $0xFF0, v18;
	v6 =	vand.u32 $0x3C00, v6;
	v5 =	vand.u32 $0xFF0, v62  }
0x5f: {  	[tilespmem:v23+s13+$0x0] =	vst.idx.add.s32.msk $0xffff, v3;
	v6 =	vor.u32 v6, v20;
	v17 =	vshra.s32 v11, $0x1F;
	v23 =	vor.u32 v1, v5  }
0x60: {  	v5 =	vor.u32 v2, v19;
	v19 =	vshrl.u32 v15, $0x14;
	v15 =	vor.u32 $0x80000000, v10  }
0x61: {  	[tilespmem:v27+s13+$0x0] =	vst.idx.add.s32.msk $0xffff, v3;
	v10 =	vor.u32 v2, v16;
	v6 =	vor.u32 v2, v6;
	v16 =	vand.u32 $0xFF0, v61  }
0x62: {  	[tilespmem:v26+s3+$0x0] =	vst.idx.msk $0xffff, v60;
	v20 =	vor.u32 $0x80000000, v17;
	v13 =	vand.u32 $0xFF0, v19;
	v14 =	vxor.u32 v14, v15  }
0x63: {  	v19 =	vshra.s32 v12, $0x1F;
	[tilespmem:v28+s3+$0x0] =	vst.idx.msk $0xffff, v14;
	v17 =	vshrl.u32 v14, $0x14;
	v14 =	vxor.u32 v11, v20;
	v11 =	vld.idx.msk [tilespmem:v8+s3+$0x0], $0xffff  }
0x64: {  	s20 =	simm.s32 $0x10;
	v15 =	vor.u32 v1, v18;
	v13 =	vor.u32 v1, v13;
	v18 =	vor.u32 $0x80000000, v19;
	[tilespmem:v23+s13+$0x0] =	vst.idx.add.s32.msk $0xffff, v3  }
.LBB2_5:
0x65: {  	s22 =	sadd.s32 $0x1, s20  }
0x66: {  	s23 =	sadd.s32 $0x2, s20;
	s21 =	sadd.s32 $0x3, s20;
	v17 =	vand.u32 $0xFF0, v17;
	v12 =	vxor.u32 v12, v18;
	v16 =	vor.u32 v1, v16;
	s24 =	smov.u32 s20  }
0x67: {  	s25 =	sadd.s32 $0x6, s20;
	v18 =	vadd.s32 s22, v1;
	v19 =	vadd.s32 s23, v1;
	s22 =	sadd.s32 $0x4, s20;
	s23 =	sadd.s32 $0x5, s20;
	v17 =	vor.u32 v1, v17;
	[tilespmem:v9+s3+$0x0] =	vst.idx.msk $0xffff, v12  }
0x68: {  	p0 =	slt.u32 s20, $0x7F8;
	s20 =	sadd.s32 $0x8, s20;
	v12 =	vshrl.u32 v12, $0x14;
	v9 =	vadd.s32 s22, v1;
	v20 =	vadd.s32 s23, v1;
	s22 =	sadd.s32 $0x7, s24;
	v21 =	vld.idx.msk [tilespmem:v10+s3+$0x0], $0xffff  }
0x69: {  	v24 =	vshrl.u32 v14, $0x14;
	v22 =	vshll.u32 v20, $0x3;
	v23 =	vadd.s32 s22, v1;
	[tilespmem:v15+s13+$0x0] =	vst.idx.add.s32.msk $0xffff, v3  }
0x6a: {  	v24 =	vand.u32 $0xFF0, v24;
	v15 =	vand.u32 $0x7F, v23;
	v23 =	vshll.u32 v23, $0x3;
	[tilespmem:v13+s13+$0x0] =	vst.idx.add.s32.msk $0xffff, v3  }
0x6b: {  	v24 =	vor.u32 v1, v24;
	v13 =	vshll.u32 v18, $0x3;
	v23 =	vand.u32 $0x3C00, v23;
	[tilespmem:v16+s13+$0x0] =	vst.idx.add.s32.msk $0xffff, v3  }
0x6c: {  	v12 =	vand.u32 $0xFF0, v12;
	v16 =	vand.u32 $0x7F, v20;
	v15 =	vor.u32 v23, v15;
	[tilespmem:v17+s13+$0x0] =	vst.idx.add.s32.msk $0xffff, v3  }
0x6d: {  	v12 =	vor.u32 v1, v12;
	v17 =	vadd.s32 s24, v1;
	v15 =	vor.u32 v2, v15;
	v20 =	vld.idx.msk [tilespmem:v6+s3+$0x0], $0xffff  }
0x6e: {  	v22 =	vand.u32 $0x3C00, v22;
	v26 =	vshra.s32 v11, $0x1F;
	v23 =	vshll.u32 v17, $0x3;
	v25 =	vld.idx.msk [tilespmem:v5+s3+$0x0], $0xffff  }
0x6f: {  	v13 =	vand.u32 $0x3C00, v13;
	v23 =	vand.u32 $0x3C00, v23;
	[tilespmem:v7+s3+$0x0] =	vst.idx.msk $0xffff, v14;
	v7 =	vor.u32 $0x80000000, v26  }
0x70: {  	v14 =	vand.u32 $0x7F, v17;
	v17 =	vand.u32 $0x7F, v18;
	v18 =	vshra.s32 v21, $0x1F;
	[tilespmem:v24+s13+$0x0] =	vst.idx.add.s32.msk $0xffff, v3  }
0x71: {  	v14 =	vor.u32 v23, v14;
	v23 =	vshll.u32 v9, $0x3;
	v18 =	vor.u32 $0x80000000, v18  }
0x72: {  	v24 =	vadd.s32 s25, v1;
	v14 =	vor.u32 v2, v14;
	v18 =	vxor.u32 v21, v18;
	[tilespmem:v12+s13+$0x0] =	vst.idx.add.s32.msk $0xffff, v3  }
0x73: {  	v21 =	vand.u32 $0x3C00, v23;
	v12 =	vshll.u32 v19, $0x3;
	v23 =	vld.idx.msk [tilespmem:v15+s3+$0x0], $0xffff;
	[tilespmem:v10+s3+$0x0] =	vst.idx.msk $0xffff, v18;
	v10 =	vshra.s32 v20, $0x1F  }
0x74: {  	v9 =	vand.u32 $0x7F, v9;
	v11 =	vxor.u32 v11, v7;
	v26 =	vshll.u32 v24, $0x3  }
0x75: {  	v13 =	vor.u32 v13, v17;
	v7 =	vor.u32 v21, v9;
	v17 =	vshrl.u32 v18, $0x14;
	[tilespmem:v8+s3+$0x0] =	vst.idx.msk $0xffff, v11  }
0x76: {  	v9 =	vor.u32 v2, v7;
	v18 =	vand.u32 $0x3C00, v26;
	v8 =	vand.u32 $0x7F, v19  }
0x77: {  	v12 =	vand.u32 $0x3C00, v12;
	v7 =	vor.u32 v22, v16;
	v16 =	vshra.s32 v25, $0x1F;
	v19 =	vld.idx.msk [tilespmem:v14+s3+$0x0], $0xffff  }
0x78: {  	v21 =	vand.u32 $0x7F, v24;
	v17 =	vand.u32 $0xFF0, v17;
	v7 =	vor.u32 v2, v7  }
0x79: {  	v18 =	vor.u32 v18, v21;
	v17 =	vor.u32 v1, v17;
	v21 =	vshra.s32 v23, $0x1F  }
0x7a: {  	v16 =	vor.u32 $0x80000000, v16;
	v8 =	vor.u32 v12, v8;
	v12 =	vor.u32 $0x80000000, v21  }
0x7b: {  	v11 =	vshrl.u32 v11, $0x14;
	v21 =	vadd.s32 s21, v1;
	v22 =	vxor.u32 v23, v12  }
0x7c: {  	v16 =	vxor.u32 v25, v16;
	v23 =	vshll.u32 v21, $0x3;
	v12 =	vld.idx.msk [tilespmem:v9+s3+$0x0], $0xffff;
	[tilespmem:v15+s3+$0x0] =	vst.idx.msk $0xffff, v22;
	v15 =	vshrl.u32 v22, $0x14  }
0x7d: {  	v22 =	vand.u32 $0x3C00, v23;
	v23 =	vld.idx.msk [tilespmem:v7+s3+$0x0], $0xffff;
	v15 =	vand.u32 $0xFF0, v15;
	[tilespmem:v5+s3+$0x0] =	vst.idx.msk $0xffff, v16;
	v5 =	vor.u32 $0x80000000, v10  }
0x7e: {  	v21 =	vand.u32 $0x7F, v21;
	v15 =	vor.u32 v1, v15;
	[tilespmem:v17+s13+$0x0] =	vst.idx.add.s32.msk $0xffff, v3;
	v17 =	vxor.u32 v20, v5  }
0x7f: {  	v10 =	vshra.s32 v19, $0x1F;
	v16 =	vshrl.u32 v16, $0x14;
	v5 =	vor.u32 v2, v8;
	[tilespmem:v6+s3+$0x0] =	vst.idx.msk $0xffff, v17  }
0x80: {  	v20 =	vor.u32 $0x80000000, v10;
	v8 =	vor.u32 v2, v18;
	v6 =	vand.u32 $0xFF0, v16  }
.Ltmp3:
0x81: {  	v10 =	vor.u32 v2, v13;
	v16 =	vor.u32 v22, v21;
	v13 =	vor.u32 v1, v6;
	(pc) =	sbr.rel @p0 .LBB2_5-.Ltmp3, $4  }
0x82: {  	v17 =	vshrl.u32 v17, $0x14;
	v6 =	vor.u32 v2, v16;
	v16 =	vand.u32 $0xFF0, v11  }
0x83: {  	v11 =	vshra.s32 v12, $0x1F;
	v18 =	vshra.s32 v23, $0x1F;
	[tilespmem:v15+s13+$0x0] =	vst.idx.add.s32.msk $0xffff, v3;
	v15 =	vand.u32 $0xFF0, v17  }
0x84: {  	v17 =	vxor.u32 v19, v20;
	v19 =	vor.u32 $0x80000000, v18;
	v15 =	vor.u32 v1, v15  }
0x85: {  	v18 =	vor.u32 $0x80000000, v11;
	[tilespmem:v14+s3+$0x0] =	vst.idx.msk $0xffff, v17;
	v17 =	vshrl.u32 v17, $0x14;
	v14 =	vxor.u32 v23, v19;
	v11 =	vld.idx.msk [tilespmem:v8+s3+$0x0], $0xffff  }
0x86: {  	_ =	sdelay $0x3  }
0x87: {  	v19 =	vld.idx.msk [tilespmem:v10+s3+$0x0], $0xffff  }
0x88: {  	v20 =	vld.idx.msk [tilespmem:v6+s3+$0x0], $0xffff  }
0x89: {  	v17 =	vand.u32 $0xFF0, v17;
	v12 =	vxor.u32 v12, v18;
	v21 =	vld.idx.msk [tilespmem:v5+s3+$0x0], $0xffff  }
0x8a: {  	[tilespmem:v9+s3+$0x0] =	vst.idx.msk $0xffff, v12;
	v9 =	vor.u32 v1, v17;
	v12 =	vshrl.u32 v12, $0x14  }
0x8b: {  	v16 =	vor.u32 v1, v16;
	v48 =	vshrl.u32 v14, $0x14;
	v12 =	vand.u32 $0xFF0, v12  }
0x8c: {  	[tilespmem:v15+s13+$0x0] =	vst.idx.add.s32.msk $0xffff, v3;
	v49 =	vand.u32 $0xFF0, v48;
	v12 =	vor.u32 v1, v12;
	v52 =	vshra.s32 v11, $0x1F  }
0x8d: {  	[tilespmem:v13+s13+$0x0] =	vst.idx.add.s32.msk $0xffff, v3;
	v50 =	vor.u32 v1, v49;
	v51 =	vshra.s32 v19, $0x1F;
	v13 =	vor.u32 $0x80000000, v52  }
0x8e: {  	[tilespmem:v7+s3+$0x0] =	vst.idx.msk $0xffff, v14;
	v54 =	vshra.s32 v20, $0x1F;
	v55 =	vshra.s32 v21, $0x1F;
	v17 =	vor.u32 $0x80000000, v51  }
0x8f: {  	[tilespmem:v9+s13+$0x0] =	vst.idx.add.s32.msk $0xffff, v3;
	v9 =	vor.u32 $0x80000000, v55;
	v11 =	vxor.u32 v11, v13;
	v53 =	vxor.u32 v19, v17  }
0x90: {  	[tilespmem:v16+s13+$0x0] =	vst.idx.add.s32.msk $0xffff, v3;
	v17 =	vor.u32 $0x80000000, v54;
	v9 =	vxor.u32 v21, v9;
	v7 =	vshrl.u32 v53, $0x14  }
0x91: {  	v56 =	vxor.u32 v20, v17;
	[tilespmem:v12+s13+$0x0] =	vst.idx.add.s32.msk $0xffff, v3;
	v58 =	vshrl.u32 v9, $0x14;
	v7 =	vand.u32 $0xFF0, v7  }
0x92: {  	[tilespmem:v10+s3+$0x0] =	vst.idx.msk $0xffff, v53;
	v10 =	vshrl.u32 v11, $0x14;
	v12 =	vand.u32 $0xFF0, v58;
	v7 =	vor.u32 v1, v7  }
0x93: {  	[tilespmem:v8+s3+$0x0] =	vst.idx.msk $0xffff, v11;
	v57 =	vshrl.u32 v56, $0x14;
	v10 =	vand.u32 $0xFF0, v10;
	v8 =	vor.u32 v1, v12  }
0x94: {  	[tilespmem:v5+s3+$0x0] =	vst.idx.msk $0xffff, v9;
	v59 =	vand.u32 $0xFF0, v57;
	v5 =	vor.u32 v1, v10  }
0x95: {  	[tilespmem:v50+s13+$0x0] =	vst.idx.add.s32.msk $0xffff, v3;
	v13 =	vor.u32 v1, v59  }
0x96: {  	[tilespmem:v6+s3+$0x0] =	vst.idx.msk $0xffff, v56  }
0x97: {  	[tilespmem:v7+s13+$0x0] =	vst.idx.add.s32.msk $0xffff, v3  }
0x98: {  	[tilespmem:v8+s13+$0x0] =	vst.idx.add.s32.msk $0xffff, v3  }
0x99: {  	p0 =	seq.s32 s19, $0x0;
	[tilespmem:v5+s13+$0x0] =	vst.idx.add.s32.msk $0xffff, v3  }
0x9a: {  	s20 =	simm.s32 @!p0 $0x4;
	[tilespmem:v13+s13+$0x0] =	vst.idx.add.s32.msk $0xffff, v3  }
0x9b: {  	_ =	swait.ge @!p0 [sflag:s20], $0x8000  }
0x9c: {  	[sflag:s20] =	ssyncset.done @!p0 $0x0  }
0x9d: {  	[sflag:s20] =	ssyncadd.s32 @!p0 $0xFFFF8000;
	s20 =	sshll.u32 @!p0 s19, $0xD  }
0x9e: {  	s21 =	simm.s32 @!p0 $0x0;
	s22 =	simm.s32 @!p0 $0x8000;
	s20 =	sadd.s32 @!p0 s6, s20  }
0x9f: {  	[tilespmem:s22], [sflag:$0x2] =	stream.linear.gather @!p0 [hbm4b:s20+s21], $0x8000, $0x38;
	[tilespmem:$0x11000] =	vst v63  }
0xa0: {  	s20 =	simm.s32 $0x10FF0  }
0xa1: {  	v5 =	vld [tilespmem:s20+$0x0]  }
0xa2: {  	v6 =	vld [tilespmem:s20+$0xFFFFFFF0]  }
0xa3: {  	v7 =	vld [tilespmem:s20+$0xFFFFFFE0];
	_ =	sdelay $0x1  }
0xa4: {  	v8 =	vimm.s32 $0x0;
	v9 =	vld [tilespmem:s20+$0xFFFFFFD0]  }
0xa5: {  	vm0 =	vlt.s32 v8, $0xCC;
	v5 =	vadd.s32 v8, v5  }
0xa6: {  	vm1 =	vgt.s32 v5, $0xCB;
	v6 =	vadd.s32 v5, v6;
	vm2 =	vlt.s32 v5, $0xCC  }
0xa7: {  	s21 =	simm.s32 $0xFF;
	v10 =	vld [tilespmem:s20+$0xFFFFFFC0];
	vm0 =	vmand vm0, vm1;
	vm1 =	vgt.s32 v6, $0xCB;
	v7 =	vadd.s32 v6, v7  }
0xa8: {  	v11 =	vld [tilespmem:s20+$0xFFFFFFB0];
	v60 =	vsel vm0, s21, v8;
	v61 =	vsel vm0, v8, v8;
	vm0 =	vmand vm2, vm1  }
0xa9: {  	s31 =	simm.s32 $0xFE;
	[tilespmem:s20+$0x0] =	vst v0;
	vm1 =	vgt.s32 v7, $0xCB;
	v62 =	vadd.s32 v7, v9;
	vm4 =	vlt.s32 v7, $0xCC  }
0xaa: {  	[tilespmem:s20+$0xFFFFFFE0] =	vst v0;
	v63 =	vld [tilespmem:s20+$0xFFFFFFA0];
	v8 =	vsel vm0, s31, v60;
	v9 =	vsel vm0, v5, v61;
	vm0 =	vlt.s32 v6, $0xCC  }
0xab: {  	[tilespmem:s20+$0xFFFFFFD0] =	vst v0;
	vm3 =	vlt.s32 v62, $0xCC;
	vm5 =	vgt.s32 v62, $0xCB;
	vm2 =	vmand vm0, vm1  }
0xac: {  	[tilespmem:s20+$0xFFFFFFC0] =	vst v0;
	v5 =	vadd.s32 v62, v10;
	vm0 =	vmand vm4, vm5;
	v10 =	vsel vm2, v6, v9;
	v9 =	vld [tilespmem:s20+$0xFFFFFF90]  }
0xad: {  	[tilespmem:s20+$0xFFFFFFB0] =	vst v0;
	vm4 =	vlt.s32 v5, $0xCC;
	vm1 =	vgt.s32 v5, $0xCB;
	v6 =	vadd.s32 v5, v11  }
0xae: {  	s23 =	simm.s32 $0x0;
	s26 =	simm.s32 $0xFD;
	[tilespmem:s20+$0xFFFFFFA0] =	vst v0;
	vm3 =	vmand vm3, vm1;
	v7 =	vsel vm0, v7, v10;
	vm1 =	vlt.s32 v6, $0xCC  }
0xaf: {  	s24 =	simm.s32 $0xF7;
	s25 =	simm.s32 $0x10F70;
	s22 =	simm.s32 $0xFC;
	[tilespmem:s20+$0xFFFFFF90] =	vst v0;
	vm5 =	vgt.s32 v6, $0xCB;
	v10 =	vsel vm3, v62, v7;
	v7 =	vadd.s32 v6, v63  }
.LBB2_7:
0xb0: {  	v11 =	vld [tilespmem:s25+$0x0];
	s28 =	sadd.s32 $0xFFFFFFFD, s24;
	s23 =	sadd.s32 $0x8, s23;
	[tilespmem:s20+$0xFFFFFFF0] =	vst v0;
	v8 =	vsel vm2, s26, v8;
	vm2 =	vmand vm4, vm5;
	vm4 =	vlt.s32 v7, $0xCC  }
0xb1: {  	s20 =	sadd.s32 $0xFFFFFFFC, s21;
	v9 =	vadd.s32 v7, v9;
	[tilespmem:s25+$0x0] =	vst v0;
	v12 =	vld [tilespmem:s25+$0xFFFFFFF0];
	p0 =	slt.u32 s23, $0xF8;
	v8 =	vsel vm0, s22, v8;
	vm0 =	vgt.s32 v7, $0xCB;
	s22 =	smov.u32 s28  }
0xb2: {  	s26 =	sadd.s32 $0xFFFFFFFB, s21;
	v13 =	vld [tilespmem:s25+$0xFFFFFFE0];
	v8 =	vsel vm3, s20, v8;
	vm0 =	vmand vm1, vm0;
	vm1 =	vgt.s32 v9, $0xCB;
	s20 =	smov.u32 s25  }
0xb3: {  	v5 =	vsel vm2, v5, v10;
	[tilespmem:s25+$0xFFFFFFE0] =	vst v0;
	v8 =	vsel vm2, s26, v8;
	s26 =	sadd.s32 $0xFFFFFFFA, s21;
	vm1 =	vmand vm4, vm1  }
0xb4: {  	vm2 =	vlt.s32 v9, $0xCC;
	v5 =	vsel vm0, v6, v5;
	v10 =	vld [tilespmem:s25+$0xFFFFFFD0];
	v8 =	vsel vm0, s26, v8;
	s26 =	sadd.s32 $0xFFFFFFF9, s21;
	s21 =	smov.u32 s24  }
0xb5: {  	v5 =	vsel vm1, v7, v5;
	v6 =	vadd.s32 v9, v11;
	[tilespmem:s25+$0xFFFFFFD0] =	vst v0;
	v11 =	vld [tilespmem:s25+$0xFFFFFFC0];
	v8 =	vsel vm1, s26, v8  }
0xb6: {  	vm0 =	vgt.s32 v6, $0xCB;
	v7 =	vadd.s32 v6, v12;
	vm1 =	vlt.s32 v6, $0xCC;
	[tilespmem:s25+$0xFFFFFFC0] =	vst v0  }
0xb7: {  	vm0 =	vmand vm2, vm0;
	vm2 =	vgt.s32 v7, $0xCB;
	v12 =	vadd.s32 v7, v13;
	v13 =	vld [tilespmem:s25+$0xFFFFFFB0]  }
0xb8: {  	s26 =	sadd.s32 $0xFFFFFFFF, s24;
	v8 =	vsel vm0, s24, v8;
	v5 =	vsel vm0, v9, v5;
	vm0 =	vmand vm1, vm2;
	[tilespmem:s25+$0xFFFFFFB0] =	vst v0  }
0xb9: {  	vm1 =	vgt.s32 v12, $0xCB;
	v8 =	vsel vm0, s26, v8;
	v10 =	vadd.s32 v12, v10;
	v14 =	vld [tilespmem:s25+$0xFFFFFFA0]  }
0xba: {  	v6 =	vsel vm0, v6, v5;
	vm0 =	vlt.s32 v7, $0xCC;
	vm3 =	vlt.s32 v10, $0xCC;
	[tilespmem:s25+$0xFFFFFFA0] =	vst v0  }
.Ltmp4:
0xbb: {  	vm4 =	vlt.s32 v12, $0xCC;
	vm5 =	vgt.s32 v10, $0xCB;
	v5 =	vadd.s32 v10, v11;
	v9 =	vld [tilespmem:s25+$0xFFFFFF90];
	(pc) =	sbr.rel @p0 .LBB2_7-.Ltmp4, $4  }
0xbc: {  	vm2 =	vmand vm0, vm1;
	vm0 =	vmand vm4, vm5;
	vm4 =	vlt.s32 v5, $0xCC;
	[tilespmem:s25+$0xFFFFFF90] =	vst v0  }
0xbd: {  	v7 =	vsel vm2, v7, v6;
	vm1 =	vgt.s32 v5, $0xCB;
	v6 =	vadd.s32 v5, v13  }
0xbe: {  	v7 =	vsel vm0, v12, v7;
	vm3 =	vmand vm3, vm1;
	vm1 =	vlt.s32 v6, $0xCC  }
0xbf: {  	s24 =	sadd.s32 $0xFFFFFFF8, s24;
	s26 =	sadd.s32 $0xFFFFFFFE, s21;
	s25 =	sadd.s32 $0xFFFFFF80, s25;
	v10 =	vsel vm3, v10, v7;
	vm5 =	vgt.s32 v6, $0xCB;
	v7 =	vadd.s32 v6, v14  }
0xc0: {  	v8 =	vsel vm2, s26, v8;
	vm12 =	vmand vm4, vm5  }
0xc1: {  	vm13 =	vlt.s32 v7, $0xCC;
	s29 =	sadd.s32 $0xFFFFFFFC, s21;
	vm14 =	vgt.s32 v7, $0xCB;
	v8 =	vsel vm0, s22, v8  }
0xc2: {  	v9 =	vadd.s32 v7, v9;
	s30 =	sadd.s32 $0xFFFFFFFB, s21;
	vm0 =	vmand vm1, vm14;
	v8 =	vsel vm3, s29, v8  }
0xc3: {  	s23 =	simm.s32 $0x0;
	s31 =	sadd.s32 $0xFFFFFFFA, s21;
	vm15 =	vgt.s32 v9, $0xCB;
	v5 =	vsel vm12, v5, v10;
	v8 =	vsel vm12, s30, v8  }
0xc4: {  	s24 =	sadd.s32 $0xFFFFFFF9, s21;
	v9 =	vadd.s32 s23, v1;
	vm1 =	vmand vm13, vm15;
	v8 =	vsel vm0, s31, v8  }
0xc5: {  	s25 =	simm.s32 $0x7;
	v5 =	vsel vm0, v6, v5;
	v6 =	vsel vm1, s24, v8;
	v8 =	vshll.u32 v9, $0x3  }
0xc6: {  	v10 =	vadd.s32 s25, v1;
	v9 =	vand.u32 $0x7F, v9;
	v8 =	vand.u32 $0x3C00, v8  }
0xc7: {  	s26 =	simm.s32 $0x6;
	v5 =	vsel vm1, v7, v5;
	v7 =	vor.u32 v8, v9;
	v8 =	vshll.u32 v10, $0x3  }
0xc8: {  	v9 =	vadd.s32 s26, v1;
	v10 =	vand.u32 $0x7F, v10;
	v8 =	vand.u32 $0x3C00, v8  }
0xc9: {  	s28 =	simm.s32 $0x5;
	v7 =	vor.u32 v2, v7;
	v11 =	vshll.u32 v9, $0x3;
	v9 =	vand.u32 $0x7F, v9  }
0xca: {  	v8 =	vor.u32 v8, v10;
	v10 =	vadd.s32 s28, v1;
	v11 =	vand.u32 $0x3C00, v11  }
0xcb: {  	s29 =	simm.s32 $0x4;
	v12 =	vshll.u32 v10, $0x3;
	v9 =	vor.u32 v11, v9;
	v15 =	vor.u32 v2, v8  }
0xcc: {  	v11 =	vadd.s32 s29, v1;
	v8 =	vand.u32 $0x7F, v10;
	v10 =	vand.u32 $0x3C00, v12  }
0xcd: {  	s30 =	simm.s32 $0x3;
	v12 =	vshll.u32 v11, $0x3;
	v11 =	vand.u32 $0x7F, v11;
	v10 =	vor.u32 v10, v8  }
0xce: {  	v8 =	vor.u32 v2, v9;
	v9 =	vadd.s32 s30, v1;
	v12 =	vand.u32 $0x3C00, v12  }
0xcf: {  	[tilespmem:s20+$0xFFFFFFF0] =	vst v0;
	s31 =	simm.s32 $0x2;
	v13 =	vshll.u32 v9, $0x3;
	v11 =	vor.u32 v12, v11;
	v10 =	vor.u32 v2, v10  }
0xd0: {  	v7 =	vld.idx.msk [tilespmem:v7+s3+$0x0], $0xffff;
	v12 =	vadd.s32 s31, v1;
	v9 =	vand.u32 $0x7F, v9;
	v13 =	vand.u32 $0x3C00, v13  }
0xd1: {  	s21 =	simm.s32 $0x1;
	s20 =	simm.s32 $0x8;
	v14 =	vshll.u32 v12, $0x3;
	v11 =	vor.u32 v2, v11;
	v13 =	vor.u32 v13, v9;
	v9 =	vld.idx.msk [tilespmem:v15+s3+$0x0], $0xffff  }
.LBB2_9:
0xd2: {  	p0 =	slt.u32 s20, $0x7F8;
	v15 =	vadd.s32 s21, v1;
	v12 =	vand.u32 $0x7F, v12;
	v14 =	vand.u32 $0x3C00, v14  }
0xd3: {  	v13 =	vor.u32 v2, v13;
	v16 =	vshll.u32 v15, $0x3;
	v12 =	vor.u32 v14, v12;
	v8 =	vld.idx.msk [tilespmem:v8+s3+$0x0], $0xffff  }
0xd4: {  	v14 =	vand.u32 $0x7F, v15;
	v15 =	vand.u32 $0x3C00, v16;
	v12 =	vor.u32 v2, v12;
	v10 =	vld.idx.msk [tilespmem:v10+s3+$0x0], $0xffff  }
0xd5: {  	v16 =	vadd.s32 s20, v1;
	v17 =	vshrl.u32 v7, $0x18;
	v14 =	vor.u32 v15, v14  }
0xd6: {  	v7 =	vshrl.u32 v7, $0xC;
	vm0 =	veq.s32 v17, v6;
	v14 =	vor.u32 v2, v14;
	v11 =	vld.idx.msk [tilespmem:v11+s3+$0x0], $0xffff  }
0xd7: {  	v7 =	vand.u32 $0xFF0, v7;
	v15 =	vshrl.u32 v9, $0x18;
	v9 =	vshrl.u32 v9, $0xC  }
0xd8: {  	v7 =	vor.u32 v1, v7;
	vm1 =	veq.s32 v15, v6;
	v9 =	vand.u32 $0xFF0, v9;
	v13 =	vld.idx.msk [tilespmem:v13+s3+$0x0], $0xffff  }
0xd9: {  	v15 =	vshrl.u32 v8, $0x18;
	v8 =	vshrl.u32 v8, $0xC;
	v9 =	vor.u32 v1, v9;
	v12 =	vld.idx.msk [tilespmem:v12+s3+$0x0], $0xffff  }
0xda: {  	v17 =	vshrl.u32 v10, $0x18;
	vm3 =	veq.s32 v15, v6;
	v8 =	vand.u32 $0xFF0, v8  }
0xdb: {  	v10 =	vshrl.u32 v10, $0xC;
	vm2 =	veq.s32 v17, v6;
	v8 =	vor.u32 v1, v8;
	v14 =	vld.idx.msk [tilespmem:v14+s3+$0x0], $0xffff  }
0xdc: {  	v10 =	vand.u32 $0xFF0, v10;
	v15 =	vshrl.u32 v11, $0x18;
	v11 =	vshrl.u32 v11, $0xC  }
0xdd: {  	v10 =	vor.u32 v1, v10;
	vm4 =	veq.s32 v15, v6;
	v11 =	vand.u32 $0xFF0, v11  }
0xde: {  	v15 =	vshrl.u32 v13, $0x18;
	v13 =	vshrl.u32 v13, $0xC;
	v11 =	vor.u32 v1, v11  }
0xdf: {  	v17 =	vshrl.u32 v12, $0x18;
	vm6 =	veq.s32 v15, v6;
	v13 =	vand.u32 $0xFF0, v13  }
0xe0: {  	v12 =	vshrl.u32 v12, $0xC;
	vm5 =	veq.s32 v17, v6;
	v13 =	vor.u32 v1, v13  }
0xe1: {  	v12 =	vand.u32 $0xFF0, v12;
	[tilespmem:v7+s13+$0x0] =	vst.idx.add.s32.msk vm0, v3;
	v7 =	vshrl.u32 v14, $0x18;
	v14 =	vshrl.u32 v14, $0xC  }
0xe2: {  	v12 =	vor.u32 v1, v12;
	vm0 =	veq.s32 v7, v6;
	v7 =	vand.u32 $0xFF0, v14;
	[tilespmem:v9+s13+$0x0] =	vst.idx.add.s32.msk vm1, v3  }
0xe3: {  	s21 =	sadd.s32 $0x7, s20;
	v9 =	vshll.u32 v16, $0x3;
	v7 =	vor.u32 v1, v7;
	[tilespmem:v8+s13+$0x0] =	vst.idx.add.s32.msk vm3, v3  }
0xe4: {  	v14 =	vadd.s32 s21, v1;
	v8 =	vand.u32 $0x7F, v16;
	v9 =	vand.u32 $0x3C00, v9;
	[tilespmem:v10+s13+$0x0] =	vst.idx.add.s32.msk vm2, v3  }
0xe5: {  	s21 =	sadd.s32 $0x6, s20;
	v8 =	vor.u32 v9, v8;
	v9 =	vshll.u32 v14, $0x3;
	[tilespmem:v11+s13+$0x0] =	vst.idx.add.s32.msk vm4, v3  }
0xe6: {  	v10 =	vadd.s32 s21, v1;
	v11 =	vand.u32 $0x7F, v14;
	v9 =	vand.u32 $0x3C00, v9;
	[tilespmem:v13+s13+$0x0] =	vst.idx.add.s32.msk vm6, v3  }
0xe7: {  	s21 =	sadd.s32 $0x5, s20;
	v13 =	vor.u32 v2, v8;
	v8 =	vshll.u32 v10, $0x3;
	v9 =	vor.u32 v9, v11;
	[tilespmem:v12+s13+$0x0] =	vst.idx.add.s32.msk vm5, v3  }
0xe8: {  	v11 =	vadd.s32 s21, v1;
	v10 =	vand.u32 $0x7F, v10;
	v8 =	vand.u32 $0x3C00, v8;
	[tilespmem:v7+s13+$0x0] =	vst.idx.add.s32.msk vm0, v3  }
0xe9: {  	s21 =	sadd.s32 $0x4, s20;
	v9 =	vor.u32 v2, v9;
	v7 =	vshll.u32 v11, $0x3;
	v8 =	vor.u32 v8, v10  }
0xea: {  	v10 =	vadd.s32 s21, v1;
	v11 =	vand.u32 $0x7F, v11;
	v7 =	vand.u32 $0x3C00, v7  }
.Ltmp5:
0xeb: {  	s21 =	sadd.s32 $0x3, s20;
	v12 =	vshll.u32 v10, $0x3;
	v8 =	vor.u32 v2, v8;
	v11 =	vor.u32 v7, v11;
	(pc) =	sbr.rel @p0 .LBB2_9-.Ltmp5, $4  }
0xec: {  	v14 =	vadd.s32 s21, v1;
	v10 =	vand.u32 $0x7F, v10;
	v12 =	vand.u32 $0x3C00, v12  }
0xed: {  	s21 =	sadd.s32 $0x2, s20;
	v15 =	vor.u32 v12, v10;
	v10 =	vor.u32 v2, v11;
	v7 =	vld.idx.msk [tilespmem:v13+s3+$0x0], $0xffff;
	v13 =	vshll.u32 v14, $0x3  }
0xee: {  	v12 =	vadd.s32 s21, v1;
	v11 =	vand.u32 $0x7F, v14;
	v13 =	vand.u32 $0x3C00, v13  }
0xef: {  	s21 =	sadd.s32 $0x1, s20;
	s20 =	sadd.s32 $0x8, s20;
	v14 =	vshll.u32 v12, $0x3;
	v13 =	vor.u32 v13, v11;
	v11 =	vor.u32 v2, v15;
	v9 =	vld.idx.msk [tilespmem:v9+s3+$0x0], $0xffff  }
0xf0: {  	_ =	sdelay $0x2  }
0xf1: {  	v15 =	vadd.s32 s21, v1;
	v12 =	vand.u32 $0x7F, v12  }
0xf2: {  	v14 =	vand.u32 $0x3C00, v14;
	v13 =	vor.u32 v2, v13;
	v8 =	vld.idx.msk [tilespmem:v8+s3+$0x0], $0xffff;
	v16 =	vshll.u32 v15, $0x3  }
0xf3: {  	v10 =	vld.idx.msk [tilespmem:v10+s3+$0x0], $0xffff;
	v12 =	vor.u32 v14, v12;
	v14 =	vand.u32 $0x7F, v15;
	v15 =	vand.u32 $0x3C00, v16  }
0xf4: {  	v12 =	vor.u32 v2, v12;
	v61 =	vshrl.u32 v7, $0x18;
	v7 =	vshrl.u32 v7, $0xC  }
0xf5: {  	v11 =	vld.idx.msk [tilespmem:v11+s3+$0x0], $0xffff;
	v14 =	vor.u32 v15, v14;
	vm0 =	veq.s32 v61, v6;
	v7 =	vand.u32 $0xFF0, v7  }
0xf6: {  	v14 =	vor.u32 v2, v14;
	v15 =	vshrl.u32 v9, $0x18;
	v9 =	vshrl.u32 v9, $0xC  }
0xf7: {  	v7 =	vor.u32 v1, v7;
	vm1 =	veq.s32 v15, v6;
	v9 =	vand.u32 $0xFF0, v9  }
0xf8: {  	v13 =	vld.idx.msk [tilespmem:v13+s3+$0x0], $0xffff;
	v15 =	vshrl.u32 v8, $0x18;
	v8 =	vshrl.u32 v8, $0xC;
	v62 =	vshrl.u32 v10, $0x18  }
0xf9: {  	v10 =	vshrl.u32 v10, $0xC;
	v9 =	vor.u32 v1, v9;
	vm2 =	veq.s32 v15, v6;
	v12 =	vld.idx.msk [tilespmem:v12+s3+$0x0], $0xffff  }
0xfa: {  	v8 =	vand.u32 $0xFF0, v8;
	vm3 =	veq.s32 v62, v6;
	v15 =	vshrl.u32 v11, $0x18  }
0xfb: {  	v11 =	vshrl.u32 v11, $0xC;
	v10 =	vand.u32 $0xFF0, v10;
	v8 =	vor.u32 v1, v8;
	v14 =	vld.idx.msk [tilespmem:v14+s3+$0x0], $0xffff  }
0xfc: {  	vm4 =	veq.s32 v15, v6;
	v11 =	vand.u32 $0xFF0, v11;
	v10 =	vor.u32 v1, v10  }
0xfd: {  	v11 =	vor.u32 v1, v11;
	v15 =	vshrl.u32 v13, $0x18;
	v13 =	vshrl.u32 v13, $0xC  }
0xfe: {  	vm5 =	veq.s32 v15, v6;
	v13 =	vand.u32 $0xFF0, v13;
	v63 =	vshrl.u32 v12, $0x18  }
0xff: {  	v12 =	vshrl.u32 v12, $0xC;
	v13 =	vor.u32 v1, v13;
	vm6 =	veq.s32 v63, v6  }
0x100: {  	[tilespmem:v7+s13+$0x0] =	vst.idx.add.s32.msk vm0, v3;
	v12 =	vand.u32 $0xFF0, v12;
	v7 =	vshrl.u32 v14, $0x18;
	v14 =	vshrl.u32 v14, $0xC  }
0x101: {  	[tilespmem:v9+s13+$0x0] =	vst.idx.add.s32.msk vm1, v3;
	v12 =	vor.u32 v1, v12;
	vm0 =	veq.s32 v7, v6;
	v7 =	vand.u32 $0xFF0, v14  }
0x102: {  	[tilespmem:v8+s13+$0x0] =	vst.idx.add.s32.msk vm2, v3;
	v7 =	vor.u32 v1, v7  }
0x103: {  	[tilespmem:v10+s13+$0x0] =	vst.idx.add.s32.msk vm3, v3  }
0x104: {  	[tilespmem:v11+s13+$0x0] =	vst.idx.add.s32.msk vm4, v3  }
0x105: {  	[tilespmem:v13+s13+$0x0] =	vst.idx.add.s32.msk vm5, v3  }
0x106: {  	[tilespmem:v12+s13+$0x0] =	vst.idx.add.s32.msk vm6, v3  }
0x107: {  	s20 =	simm.s32 $0x10FF0;
	[tilespmem:v7+s13+$0x0] =	vst.idx.add.s32.msk vm0, v3  }
0x108: {  	v7 =	vld [tilespmem:s20+$0x0]  }
0x109: {  	v8 =	vld [tilespmem:s20+$0xFFFFFFF0]  }
0x10a: {  	v9 =	vld [tilespmem:s20+$0xFFFFFFE0];
	_ =	sdelay $0x1  }
0x10b: {  	v11 =	vimm.s32 $0x0;
	v10 =	vld [tilespmem:s20+$0xFFFFFFD0]  }
0x10c: {  	v12 =	vld [tilespmem:s20+$0xFFFFFFC0];
	v13 =	vadd.s32 v11, v7;
	v7 =	vsub.s32 $0xCC, v5  }
0x10d: {  	v5 =	vadd.s32 v13, v8;
	vm0 =	vlt.s32 v11, v7  }
0x10e: {  	v14 =	vld [tilespmem:s20+$0xFFFFFFB0];
	vm1 =	vge.s32 v13, v7;
	vm7 =	vlt.s32 v13, v7;
	v9 =	vadd.s32 v5, v9  }
0x10f: {  	v8 =	vld [tilespmem:s20+$0xFFFFFFA0];
	vm1 =	vmand vm0, vm1;
	vm3 =	vge.s32 v5, v7;
	vm0 =	vlt.s32 v5, v7  }
0x110: {  	v10 =	vadd.s32 v9, v10;
	vm2 =	vge.s32 v9, v7;
	vm5 =	vlt.s32 v9, v7  }
0x111: {  	s25 =	simm.s32 $0xFF;
	v15 =	vld [tilespmem:s20+$0xFFFFFF90];
	vm3 =	vmand vm7, vm3;
	v5 =	vadd.s32 v10, v12;
	vm0 =	vmand vm0, vm2  }
0x112: {  	vm2 =	vge.s32 v10, v7;
	vm4 =	vlt.s32 v10, v7;
	v10 =	vsel vm1, s25, v11  }
0x113: {  	s21 =	simm.s32 $0x10F70;
	s22 =	simm.s32 $0xFE;
	v12 =	vadd.s32 v5, v14;
	vm12 =	vge.s32 v5, v7;
	vm5 =	vmand vm5, vm2  }
0x114: {  	[tilespmem:s20+$0x0] =	vst v0;
	v11 =	vld [tilespmem:s21+$0x0];
	vm2 =	vlt.s32 v5, v7;
	v5 =	vsel vm3, s22, v10;
	v8 =	vadd.s32 v12, v8  }
0x115: {  	s26 =	simm.s32 $0xFD;
	[tilespmem:s20+$0xFFFFFFE0] =	vst v0;
	vm1 =	vmand vm4, vm12;
	vm4 =	vge.s32 v12, v7;
	vm13 =	vlt.s32 v12, v7;
	v12 =	vld [tilespmem:s21+$0xFFFFFFF0]  }
0x116: {  	[tilespmem:s20+$0xFFFFFFD0] =	vst v0;
	v13 =	vld [tilespmem:s21+$0xFFFFFFE0];
	v14 =	vsel vm0, s26, v5;
	v9 =	vadd.s32 v8, v15  }
0x117: {  	[tilespmem:s20+$0xFFFFFFC0] =	vst v0;
	vm2 =	vmand vm2, vm4;
	vm4 =	vge.s32 v8, v7;
	vm14 =	vlt.s32 v8, v7  }
0x118: {  	s28 =	simm.s32 $0xFC;
	[tilespmem:s20+$0xFFFFFFB0] =	vst v0;
	v8 =	vld [tilespmem:s21+$0xFFFFFFD0];
	vm3 =	vge.s32 v9, v7;
	vm4 =	vmand vm13, vm4;
	vm0 =	vlt.s32 v9, v7  }
0x119: {  	s29 =	simm.s32 $0xFB;
	[tilespmem:s20+$0xFFFFFF90] =	vst v0;
	v10 =	vld [tilespmem:s21+$0xFFFFFFC0];
	vm3 =	vmand vm14, vm3;
	v5 =	vadd.s32 v9, v11;
	v11 =	vsel vm5, s28, v14  }
0x11a: {  	s30 =	simm.s32 $0xFA;
	[tilespmem:s20+$0xFFFFFFA0] =	vst v0;
	v9 =	vld [tilespmem:s21+$0xFFFFFFB0];
	vm5 =	vge.s32 v5, v7;
	v11 =	vsel vm1, s29, v11;
	v12 =	vadd.s32 v5, v12  }
0x11b: {  	s31 =	simm.s32 $0xF9;
	[tilespmem:s21+$0xFFFFFFE0] =	vst v0;
	v14 =	vld [tilespmem:s21+$0xFFFFFFA0];
	vm1 =	vmand vm0, vm5;
	v11 =	vsel vm2, s30, v11;
	v13 =	vadd.s32 v12, v13  }
0x11c: {  	s23 =	simm.s32 $0xF8;
	[tilespmem:s21+$0x0] =	vst v0;
	v15 =	vld [tilespmem:s21+$0xFFFFFF90];
	vm2 =	vge.s32 v12, v7;
	vm0 =	vlt.s32 v12, v7;
	v11 =	vsel vm4, s31, v11  }
0x11d: {  	[tilespmem:s21+$0xFFFFFFC0] =	vst v0;
	v8 =	vadd.s32 v13, v8;
	vm5 =	vge.s32 v13, v7;
	v11 =	vsel vm3, s23, v11  }
0x11e: {  	[tilespmem:s21+$0xFFFFFFD0] =	vst v0;
	v12 =	vadd.s32 v8, v10;
	vm0 =	vmand vm0, vm5;
	vm3 =	vge.s32 v8, v7  }
0x11f: {  	s22 =	simm.s32 $0xF7;
	[tilespmem:s21+$0xFFFFFF90] =	vst v0;
	vm4 =	vlt.s32 v8, v7;
	vm5 =	vlt.s32 v13, v7;
	v10 =	vadd.s32 v12, v9  }
0x120: {  	[tilespmem:s21+$0xFFFFFFB0] =	vst v0;
	v11 =	vsel vm1, s22, v11;
	vm15 =	vge.s32 v12, v7;
	v9 =	vadd.s32 v10, v14  }
0x121: {  	s24 =	simm.s32 $0x8;
	s25 =	simm.s32 $0x10EF0;
	[tilespmem:s21+$0xFFFFFFA0] =	vst v0;
	s23 =	simm.s32 $0xF7;
	vm3 =	vmand vm5, vm3;
	vm1 =	vmand vm4, vm15;
	v8 =	vadd.s32 v9, v15  }
.LBB2_11:
0x122: {  	v13 =	vld [tilespmem:s25+$0x0];
	s24 =	sadd.s32 $0x8, s24;
	vm4 =	vlt.s32 v12, v7;
	vm5 =	vge.s32 v10, v7;
	vm6 =	vlt.s32 v10, v7;
	[tilespmem:s20+$0xFFFFFFF0] =	vst v0;
	s20 =	smov.u32 s21;
	s21 =	smov.u32 s25  }
0x123: {  	vm7 =	vlt.s32 v5, v7;
	[tilespmem:s25+$0x0] =	vst v0;
	v10 =	vld [tilespmem:s25+$0xFFFFFFF0];
	p0 =	slt.u32 s24, $0xF8;
	vm5 =	vmand vm4, vm5;
	vm4 =	vge.s32 v9, v7  }
0x124: {  	s26 =	sadd.s32 $0xFFFFFFFF, s22;
	vm2 =	vmand vm7, vm2;
	v12 =	vld [tilespmem:s25+$0xFFFFFFE0];
	vm4 =	vmand vm6, vm4;
	vm6 =	vlt.s32 v9, v7  }
0x125: {  	v5 =	vsel vm2, s26, v11;
	s26 =	sadd.s32 $0xFFFFFFFE, s22;
	vm2 =	vge.s32 v8, v7;
	[tilespmem:s25+$0xFFFFFFE0] =	vst v0;
	v9 =	vld [tilespmem:s25+$0xFFFFFFD0]  }
0x126: {  	v14 =	vsel vm0, s26, v5;
	s26 =	sadd.s32 $0xFFFFFFFD, s22;
	vm6 =	vmand vm6, vm2;
	[tilespmem:s25+$0xFFFFFFD0] =	vst v0;
	v11 =	vld [tilespmem:s25+$0xFFFFFFC0]  }
0x127: {  	vm0 =	vlt.s32 v8, v7;
	v5 =	vadd.s32 v8, v13;
	[tilespmem:s25+$0xFFFFFFC0] =	vst v0;
	v8 =	vld [tilespmem:s25+$0xFFFFFFB0];
	v13 =	vsel vm3, s26, v14;
	s26 =	sadd.s32 $0xFFFFFFFC, s22  }
0x128: {  	vm2 =	vge.s32 v5, v7;
	v10 =	vadd.s32 v5, v10;
	[tilespmem:s25+$0xFFFFFFB0] =	vst v0;
	v14 =	vld [tilespmem:s25+$0xFFFFFFA0];
	v13 =	vsel vm1, s26, v13;
	s26 =	sadd.s32 $0xFFFFFFFB, s22  }
0x129: {  	s22 =	sadd.s32 $0xFFFFFFF8, s22;
	vm1 =	vmand vm0, vm2;
	v15 =	vadd.s32 v10, v12;
	[tilespmem:s25+$0xFFFFFFA0] =	vst v0;
	v16 =	vld [tilespmem:s25+$0xFFFFFF90];
	v13 =	vsel vm5, s26, v13;
	s26 =	sadd.s32 $0xFFFFFFFA, s23  }
0x12a: {  	s28 =	sadd.s32 $0xFFFFFFF9, s23;
	vm2 =	vge.s32 v10, v7;
	vm0 =	vlt.s32 v10, v7;
	s23 =	smov.u32 s22;
	v9 =	vadd.s32 v15, v9;
	[tilespmem:s25+$0xFFFFFF90] =	vst v0  }
.Ltmp6:
0x12b: {  	vm3 =	vge.s32 v15, v7;
	v12 =	vadd.s32 v9, v11;
	v11 =	vsel vm4, s26, v13;
	(pc) =	sbr.rel @p0 .LBB2_11-.Ltmp6, $4  }
0x12c: {  	vm0 =	vmand vm0, vm3;
	v10 =	vadd.s32 v12, v8;
	v11 =	vsel vm6, s28, v11  }
0x12d: {  	vm3 =	vge.s32 v9, v7;
	vm4 =	vlt.s32 v9, v7;
	v9 =	vadd.s32 v10, v14  }
0x12e: {  	vm5 =	vlt.s32 v15, v7;
	vm6 =	vge.s32 v12, v7;
	v8 =	vadd.s32 v9, v16  }
0x12f: {  	s25 =	sadd.s32 $0xFFFFFF80, s25;
	vm3 =	vmand vm5, vm3;
	v11 =	vsel vm1, s22, v11;
	vm1 =	vmand vm4, vm6  }
0x130: {  	vm4 =	vlt.s32 v12, v7;
	vm5 =	vlt.s32 v5, v7;
	vm10 =	vge.s32 v10, v7  }
0x131: {  	s24 =	simm.s32 $0x7;
	s26 =	simm.s32 $0x5;
	vm11 =	vlt.s32 v10, v7;
	vm12 =	vge.s32 v9, v7;
	vm13 =	vlt.s32 v9, v7  }
0x132: {  	v5 =	vadd.s32 s24, v1;
	vm2 =	vmand vm5, vm2;
	v12 =	vadd.s32 s26, v1  }
0x133: {  	s28 =	sadd.s32 $0xFFFFFFFF, s22;
	v13 =	vshll.u32 v5, $0x3;
	v5 =	vand.u32 $0x7F, v5;
	v14 =	vshll.u32 v12, $0x3  }
0x134: {  	s29 =	sadd.s32 $0xFFFFFFFE, s22;
	v12 =	vand.u32 $0x7F, v12;
	v11 =	vsel vm2, s28, v11;
	v13 =	vand.u32 $0x3C00, v13  }
0x135: {  	s30 =	sadd.s32 $0xFFFFFFFD, s22;
	v11 =	vsel vm0, s29, v11;
	v5 =	vor.u32 v13, v5;
	v13 =	vand.u32 $0x3C00, v14  }
0x136: {  	s31 =	sadd.s32 $0xFFFFFFFC, s22;
	v10 =	vsel vm3, s30, v11;
	v5 =	vor.u32 v2, v5;
	v12 =	vor.u32 v13, v12  }
0x137: {  	s22 =	sadd.s32 $0xFFFFFFFB, s22;
	vm2 =	vmand vm4, vm10;
	v10 =	vsel vm1, s31, v10;
	v31 =	vor.u32 v2, v12  }
0x138: {  	vm14 =	vge.s32 v8, v7;
	s24 =	sadd.s32 $0xFFFFFFFA, s23;
	vm0 =	vmand vm11, vm12;
	v7 =	vsel vm2, s22, v10  }
0x139: {  	[tilespmem:s20+$0xFFFFFFF0] =	vst v0;
	s25 =	sadd.s32 $0xFFFFFFF9, s23;
	s26 =	simm.s32 $0x1;
	vm1 =	vmand vm13, vm14;
	v7 =	vsel vm0, s24, v7  }
0x13a: {  	[tilespmem:s21+$0xFFFFFFF0] =	vst v0;
	v9 =	vadd.s32 s26, v1;
	v7 =	vsel vm1, s25, v7  }
0x13b: {  	v6 =	vshll.u32 v6, $0x18;
	v11 =	vshll.u32 v9, $0x3;
	v7 =	vshll.u32 v7, $0x10;
	v8 =	vld.idx.msk [tilespmem:v5+s3+$0x0], $0xffff  }
0x13c: {  	v7 =	vor.u32 v6, v7;
	v6 =	vand.u32 $0x7F, v9;
	v9 =	vand.u32 $0x3C00, v11;
	v10 =	vld.idx.msk [tilespmem:v31+s3+$0x0], $0xffff  }
0x13d: {  	v6 =	vor.u32 v9, v6  }
0x13e: {  	s26 =	simm.s32 $0xA;
	v6 =	vor.u32 v2, v6  }
0x13f: {  	s28 =	simm.s32 $0x4;
	v23 =	vadd.s32 s26, v1;
	vm15 =	vgt.s32 v7, $0xFFFFFFFF  }
0x140: {  	v11 =	vadd.s32 s28, v1;
	v9 =	vsel vm15, $0xFFFFFFFF, v4;
	vm4 =	vgt.s32 v8, $0xFFFFFFFF  }
0x141: {  	v9 =	vxor.u32 v7, v9;
	v7 =	vsel vm4, $0xFFFFFFFF, v4;
	vm5 =	vgt.s32 v10, $0xFFFFFFFF  }
0x142: {  	v12 =	vshll.u32 v11, $0x3;
	v7 =	vxor.u32 v8, v7;
	v8 =	vsel vm5, $0xFFFFFFFF, v4  }
0x143: {  	v13 =	vsub.f32 v9, v7;
	v27 =	vxor.u32 v10, v8;
	v8 =	vand.u32 $0x3C00, v12;
	v12 =	vld.idx.msk [tilespmem:v6+s3+$0x0], $0xffff  }
0x144: {  	s30 =	simm.s32 $0x3;
	v35 =	vshll.u32 v23, $0x3;
	v10 =	vand.u32 $0x7F, v11;
	v11 =	vsub.f32 v9, v27  }
0x145: {  	s31 =	simm.s32 $0x6;
	v14 =	vadd.s32 s30, v1;
	v8 =	vor.u32 v8, v10;
	v10 =	vmul.f32 $1.442695020e+00, v13  }
0x146: {  	v15 =	vadd.s32 s31, v1;
	v8 =	vor.u32 v2, v8;
	v11 =	vmul.f32 $1.442695020e+00, v11  }
0x147: {  	(erf) = vpow2.f32 v10;
	v10 =	vshll.u32 v15, $0x3;
	v15 =	vand.u32 $0x7F, v15  }
0x148: {  	(erf) = vpow2.f32 v11;
	v10 =	vand.u32 $0x3C00, v10;
	vm6 =	vgt.s32 v12, $0xFFFFFFFF  }
0x149: {  	v16 =	vshll.u32 v14, $0x3;
	v15 =	vor.u32 v10, v15;
	v10 =	vsel vm6, $0xFFFFFFFF, v4  }
0x14a: {  	s29 =	simm.s32 $0x2;
	v14 =	vand.u32 $0x7F, v14;
	v16 =	vand.u32 $0x3C00, v16;
	v10 =	vxor.u32 v12, v10  }
0x14b: {  	v13 =	vadd.s32 s29, v1;
	v17 =	vld.idx.msk [tilespmem:v8+s3+$0x0], $0xffff;
	v12 =	vor.u32 v16, v14;
	v14 =	vsub.f32 v9, v10  }
0x14c: {  	v37 =	vand.u32 $0x7F, v23;
	v11 =	vand.u32 $0x7F, v13;
	v13 =	vshll.u32 v13, $0x3  }
0x14d: {  	v35 =	vand.u32 $0x3C00, v35;
	s22 =	simm.s32 $0x0;
	v13 =	vand.u32 $0x3C00, v13;
	v14 =	vmul.f32 $1.442695020e+00, v14  }
0x14e: {  	v18 =	vadd.s32 s22, v1;
	v16 =	vor.u32 v2, v15;
	v11 =	vor.u32 v13, v11  }
0x14f: {  	v13 =	vshll.u32 v18, $0x3;
	v18 =	vand.u32 $0x7F, v18;
	v12 =	vor.u32 v2, v12  }
0x150: {  	v13 =	vand.u32 $0x3C00, v13;
	v15 =	vor.u32 v2, v11;
	vm7 =	vgt.s32 v17, $0xFFFFFFFF;
	v19 =	vpop (erf)  }
0x151: {  	s23 =	simm.s32 $0xF;
	v11 =	vor.u32 v13, v18;
	(erf) = vpow2.f32 v14;
	v13 =	vsel vm7, $0xFFFFFFFF, v4;
	v14 =	vpop (erf)  }
0x152: {  	s24 =	simm.s32 $0xD;
	v18 =	vadd.f32 $1.000000000e+00, v14;
	v14 =	vxor.u32 v17, v13;
	v13 =	vadd.s32 s23, v1  }
0x153: {  	v29 =	vadd.f32 $1.000000000e+00, v19;
	v17 =	vadd.s32 s24, v1;
	v19 =	vshll.u32 v13, $0x3  }
0x154: {  	v13 =	vand.u32 $0x7F, v13;
	v20 =	vshll.u32 v17, $0x3;
	v19 =	vand.u32 $0x3C00, v19  }
0x155: {  	s30 =	simm.s32 $0xE;
	v17 =	vand.u32 $0x7F, v17;
	v13 =	vor.u32 v19, v13;
	v19 =	vand.u32 $0x3C00, v20  }
0x156: {  	v34 =	vadd.s32 s30, v1;
	s31 =	simm.s32 $0x8;
	s29 =	simm.s32 $0xB;
	v13 =	vor.u32 v2, v13;
	v17 =	vor.u32 v19, v17  }
0x157: {  	v55 =	vadd.s32 s31, v1;
	s25 =	simm.s32 $0x9;
	v25 =	vadd.s32 s29, v1;
	v21 =	vld.idx.msk [tilespmem:v16+s3+$0x0], $0xffff;
	v20 =	vor.u32 v2, v17  }
0x158: {  	v58 =	vand.u32 $0x7F, v55;
	v36 =	vshll.u32 v25, $0x3;
	v28 =	vld.idx.msk [tilespmem:v12+s3+$0x0], $0xffff;
	v19 =	vadd.s32 s25, v1  }
0x159: {  	v25 =	vand.u32 $0x7F, v25;
	v11 =	vor.u32 v2, v11;
	v24 =	vshll.u32 v19, $0x3  }
0x15a: {  	s28 =	simm.s32 $0xC;
	v36 =	vand.u32 $0x3C00, v36;
	v19 =	vand.u32 $0x7F, v19;
	v24 =	vand.u32 $0x3C00, v24  }
0x15b: {  	v22 =	vsub.f32 v9, v14;
	v17 =	vadd.s32 s28, v1;
	v19 =	vor.u32 v24, v19;
	v33 =	vld.idx.msk [tilespmem:v13+s3+$0x0], $0xffff  }
0x15c: {  	v26 =	vshll.u32 v17, $0x3;
	v24 =	vand.u32 $0x7F, v17;
	v17 =	vor.u32 v2, v19;
	v19 =	vld.idx.msk [tilespmem:v20+s3+$0x0], $0xffff  }
0x15d: {  	vm8 =	vgt.s32 v21, $0xFFFFFFFF;
	vm9 =	vgt.s32 v28, $0xFFFFFFFF;
	v22 =	vmul.f32 $1.442695020e+00, v22  }
0x15e: {  	v56 =	vor.u32 v36, v25;
	v30 =	vld.idx.msk [tilespmem:v11+s3+$0x0], $0xffff;
	v32 =	vsel vm8, $0xFFFFFFFF, v4;
	v42 =	vsel vm9, $0xFFFFFFFF, v4  }
0x15f: {  	(erf) = vpow2.f32 v22;
	v22 =	vshll.u32 v34, $0x3;
	v26 =	vand.u32 $0x3C00, v26  }
0x160: {  	(erf) = vrcp.f32 v18;
	v23 =	vor.u32 v26, v24;
	vm11 =	vgt.s32 v33, $0xFFFFFFFF  }
0x161: {  	v18 =	vor.u32 v2, v23;
	v24 =	vsel vm11, $0xFFFFFFFF, v4;
	vm12 =	vgt.s32 v19, $0xFFFFFFFF  }
0x162: {  	v34 =	vand.u32 $0x7F, v34;
	v52 =	vld.idx.msk [tilespmem:v17+s3+$0x0], $0xffff;
	v26 =	vxor.u32 v33, v24;
	v24 =	vsel vm12, $0xFFFFFFFF, v4  }
0x163: {  	vm10 =	vgt.s32 v30, $0xFFFFFFFF;
	v38 =	vsub.f32 v9, v26;
	v19 =	vxor.u32 v19, v24  }
0x164: {  	v28 =	vxor.u32 v28, v42;
	v22 =	vand.u32 $0x3C00, v22;
	v24 =	vsub.f32 v9, v19  }
0x165: {  	v54 =	vsel vm10, $0xFFFFFFFF, v4;
	v23 =	vxor.u32 v21, v32;
	v21 =	vmul.f32 $1.442695020e+00, v38  }
0x166: {  	v22 =	vor.u32 v22, v34;
	v32 =	vor.u32 v2, v56;
	v41 =	vld.idx.msk [tilespmem:v18+s3+$0x0], $0xffff;
	v39 =	vmul.f32 $1.442695020e+00, v24  }
0x167: {  	v53 =	vpop (erf);
	v57 =	vsub.f32 v9, v23;
	vm13 =	vgt.s32 v52, $0xFFFFFFFF;
	(erf) = vpow2.f32 v21  }
0x168: {  	v59 =	vpop (erf);
	v24 =	vxor.u32 v30, v54;
	v30 =	vsel vm13, $0xFFFFFFFF, v4;
	(erf) = vpow2.f32 v39  }
0x169: {  	v36 =	vadd.f32 $1.000000000e+00, v59;
	v25 =	vxor.u32 v52, v30;
	v21 =	vor.u32 v2, v22;
	v30 =	vld.idx.msk [tilespmem:v15+s3+$0x0], $0xffff  }
0x16a: {  	v40 =	vpop (erf);
	v33 =	vadd.f32 $1.000000000e+00, v53;
	v38 =	vshll.u32 v55, $0x3;
	v34 =	vsub.f32 v9, v25  }
0x16b: {  	v61 =	vmul.f32 v27, v40;
	vm14 =	vgt.s32 v41, $0xFFFFFFFF;
	v38 =	vand.u32 $0x3C00, v38  }
0x16c: {  	v60 =	vsub.f32 v9, v24;
	(erf) = vrcp.f32 v33;
	v34 =	vmul.f32 $1.442695020e+00, v34  }
0x16d: {  	v22 =	vor.u32 v35, v37;
	v35 =	vmul.f32 $1.442695020e+00, v57;
	(erf) = vrcp.f32 v29  }
0x16e: {  	v27 =	vmul.f32 $1.442695020e+00, v60;
	vm15 =	vgt.s32 v30, $0xFFFFFFFF;
	(erf) = vpow2.f32 v34;
	v34 =	vld.idx.msk [tilespmem:v21+s3+$0x0], $0xffff  }
0x16f: {  	v37 =	vor.u32 v38, v58;
	v22 =	vor.u32 v2, v22;
	v62 =	vsel vm15, $0xFFFFFFFF, v4  }
0x170: {  	v40 =	vld.idx.msk [tilespmem:v32+s3+$0x0], $0xffff;
	v37 =	vor.u32 v2, v37;
	v43 =	vpop (erf);
	(erf) = vpow2.f32 v27;
	v27 =	vxor.u32 v30, v62  }
0x171: {  	v29 =	vsel vm14, $0xFFFFFFFF, v4;
	v63 =	vpop (erf);
	(erf) = vpow2.f32 v35;
	v38 =	vsub.f32 v9, v27  }
0x172: {  	s20 =	simm.s32 $0x10;
	[tilespmem:v31+s3+$0x0] =	vst.idx.msk $0xffff, v61;
	v29 =	vxor.u32 v41, v29;
	v30 =	vadd.f32 $1.000000000e+00, v43;
	v39 =	vadd.f32 $1.000000000e+00, v63  }
.LBB2_13:
0x173: {  	s22 =	sadd.s32 $0x1, s20;
	v41 =	vsub.f32 v9, v29;
	vm1 =	vgt.s32 v34, $0xFFFFFFFF  }
0x174: {  	s23 =	sadd.s32 $0x2, s20;
	s24 =	sadd.s32 $0x3, s20;
	v45 =	vmul.f32 $1.442695020e+00, v38;
	v31 =	vmovc v20;
	v33 =	vmovc v32;
	v38 =	vmov v11;
	v11 =	vmov v37;
	s21 =	smov.u32 s20  }
0x175: {  	s25 =	sadd.s32 $0x6, s20;
	vm0 =	vgt.s32 v40, $0xFFFFFFFF;
	v32 =	vadd.s32 s22, v1;
	v42 =	vadd.s32 s23, v1;
	s22 =	sadd.s32 $0x4, s20;
	s23 =	sadd.s32 $0x5, s20;
	v43 =	vpop (erf)  }
0x176: {  	p0 =	slt.u32 s20, $0x7F8;
	s20 =	sadd.s32 $0x8, s20;
	v20 =	vadd.s32 s22, v1;
	v44 =	vadd.s32 s23, v1;
	s22 =	sadd.s32 $0x7, s21;
	(erf) = vpow2.f32 v45;
	v35 =	vpop (erf)  }
0x177: {  	v45 =	vshll.u32 v32, $0x3;
	v46 =	vadd.s32 s22, v1;
	v37 =	vld.idx.msk [tilespmem:v37+s3+$0x0], $0xffff;
	v50 =	vmul.f32 v7, v35;
	v7 =	vmovc v26;
	v35 =	vmovc v40  }
0x178: {  	v49 =	vsub.f32 v9, v28;
	v26 =	vadd.s32 s24, v1;
	v40 =	vshll.u32 v46, $0x3;
	v48 =	vpop (erf)  }
0x179: {  	v41 =	vmul.f32 $1.442695020e+00, v41;
	v46 =	vand.u32 $0x7F, v46;
	v40 =	vand.u32 $0x3C00, v40;
	[tilespmem:v5+s3+$0x0] =	vst.idx.msk $0xffff, v50;
	v47 =	vpop (erf)  }
0x17a: {  	v50 =	vshll.u32 v44, $0x3;
	v40 =	vor.u32 v40, v46;
	v46 =	vsel vm1, $0xFFFFFFFF, v4;
	v51 =	vpop (erf)  }
0x17b: {  	v49 =	vmul.f32 $1.442695020e+00, v49;
	v44 =	vand.u32 $0x7F, v44;
	v5 =	vmovc v13;
	v13 =	vor.u32 v2, v40  }
0x17c: {  	v50 =	vand.u32 $0x3C00, v50;
	v40 =	vshll.u32 v20, $0x3;
	v51 =	vadd.f32 $1.000000000e+00, v51  }
0x17d: {  	v47 =	vadd.f32 $1.000000000e+00, v47;
	v44 =	vor.u32 v50, v44;
	v40 =	vand.u32 $0x3C00, v40  }
0x17e: {  	v50 =	vand.u32 $0x7F, v20;
	v20 =	vor.u32 v2, v44;
	(erf) = vpow2.f32 v49  }
0x17f: {  	v32 =	vand.u32 $0x7F, v32;
	v44 =	vadd.s32 s25, v1;
	(erf) = vpow2.f32 v41;
	v41 =	vpop (erf)  }
0x180: {  	v45 =	vand.u32 $0x3C00, v45;
	v49 =	vshll.u32 v44, $0x3;
	v52 =	vld.idx.msk [tilespmem:v13+s3+$0x0], $0xffff;
	v41 =	vadd.f32 $1.000000000e+00, v41  }
0x181: {  	v32 =	vor.u32 v45, v32;
	v44 =	vand.u32 $0x7F, v44;
	(erf) = vrcp.f32 v47  }
0x182: {  	v32 =	vor.u32 v2, v32;
	v45 =	vand.u32 $0x3C00, v49;
	(erf) = vrcp.f32 v36  }
0x183: {  	v36 =	vand.u32 $0x7F, v42;
	v42 =	vshll.u32 v42, $0x3;
	v47 =	vld.idx.msk [tilespmem:v20+s3+$0x0], $0xffff;
	(erf) = vrcp.f32 v51  }
0x184: {  	v43 =	vmul.f32 v10, v43;
	v10 =	vmovc v25;
	v49 =	vshll.u32 v26, $0x3;
	v42 =	vand.u32 $0x3C00, v42  }
0x185: {  	vm1 =	vgt.s32 v37, $0xFFFFFFFF;
	v25 =	vand.u32 $0x3C00, v49;
	v44 =	vor.u32 v45, v44  }
0x186: {  	v45 =	vand.u32 $0x7F, v26;
	vm2 =	vgt.s32 v52, $0xFFFFFFFF;
	[tilespmem:v6+s3+$0x0] =	vst.idx.msk $0xffff, v43;
	(erf) = vrcp.f32 v41;
	v6 =	vmovc v17;
	v17 =	vmovc v32  }
0x187: {  	v40 =	vor.u32 v40, v50;
	v26 =	vsel vm2, $0xFFFFFFFF, v4;
	v32 =	vld.idx.msk [tilespmem:v32+s3+$0x0], $0xffff;
	(erf) = vrcp.f32 v39;
	v39 =	vpop (erf)  }
0x188: {  	v41 =	vadd.f32 $1.000000000e+00, v48;
	v26 =	vxor.u32 v52, v26;
	v43 =	vpop (erf);
	v39 =	vadd.f32 $1.000000000e+00, v39  }
0x189: {  	v34 =	vxor.u32 v34, v46;
	vm2 =	vgt.s32 v47, $0xFFFFFFFF;
	v50 =	vsub.f32 v9, v26  }
0x18a: {  	v40 =	vor.u32 v2, v40;
	v46 =	vsel vm2, $0xFFFFFFFF, v4;
	v49 =	vpop (erf);
	(erf) = vrcp.f32 v39  }
0x18b: {  	v52 =	vsel vm1, $0xFFFFFFFF, v4;
	v39 =	vxor.u32 v47, v46;
	v46 =	vmul.f32 $1.442695020e+00, v50;
	v48 =	vpop (erf)  }
0x18c: {  	v37 =	vxor.u32 v37, v52;
	v50 =	vadd.s32 s21, v1;
	v51 =	vsub.f32 v9, v39;
	v47 =	vpop (erf)  }
0x18d: {  	v45 =	vor.u32 v25, v45;
	v44 =	vor.u32 v2, v44;
	v25 =	vmul.f32 v23, v47;
	v23 =	vmovc v34  }
0x18e: {  	vm1 =	vgt.s32 v32, $0xFFFFFFFF;
	v48 =	vmul.f32 v14, v48;
	v14 =	vmovc v29;
	v34 =	vmul.f32 $1.442695020e+00, v51;
	v47 =	vld.idx.msk [tilespmem:v22+s3+$0x0], $0xffff  }
0x18f: {  	v36 =	vor.u32 v42, v36;
	v51 =	vsel vm1, $0xFFFFFFFF, v4;
	v42 =	vld.idx.msk [tilespmem:v40+s3+$0x0], $0xffff;
	(erf) = vpow2.f32 v46;
	[tilespmem:v16+s3+$0x0] =	vst.idx.msk $0xffff, v25;
	v16 =	vpop (erf)  }
0x190: {  	v24 =	vmul.f32 v24, v49;
	v25 =	vxor.u32 v32, v51;
	(erf) = vpow2.f32 v34;
	v29 =	vpop (erf);
	[tilespmem:v8+s3+$0x0] =	vst.idx.msk $0xffff, v48  }
0x191: {  	v46 =	vor.u32 v2, v36;
	v34 =	vsub.f32 v9, v25;
	v48 =	vsub.f32 v9, v23;
	v8 =	vmovc v18  }
0x192: {  	v49 =	vand.u32 $0x7F, v50;
	v32 =	vor.u32 v2, v45;
	v16 =	vmul.f32 v27, v16;
	[tilespmem:v38+s3+$0x0] =	vst.idx.msk $0xffff, v24  }
0x193: {  	v36 =	vadd.f32 $1.000000000e+00, v43;
	v27 =	vmul.f32 $1.442695020e+00, v34;
	v38 =	vsub.f32 v9, v37;
	v18 =	vpop (erf)  }
0x194: {  	v43 =	vsel vm0, $0xFFFFFFFF, v4;
	(erf) = vrcp.f32 v41;
	[tilespmem:v15+s3+$0x0] =	vst.idx.msk $0xffff, v16;
	v45 =	vmul.f32 v28, v18;
	v18 =	vmovc v40  }
0x195: {  	v24 =	vmovc v37;
	vm0 =	vgt.s32 v42, $0xFFFFFFFF;
	v41 =	vmul.f32 v19, v29;
	v19 =	vmovc v39;
	(erf) = vrcp.f32 v30  }
0x196: {  	v37 =	vmul.f32 $1.442695020e+00, v38;
	v16 =	vmovc v21;
	v28 =	vsel vm0, $0xFFFFFFFF, v4;
	vm0 =	vgt.s32 v47, $0xFFFFFFFF;
	v34 =	vld.idx.msk [tilespmem:v44+s3+$0x0], $0xffff;
	[tilespmem:v12+s3+$0x0] =	vst.idx.msk $0xffff, v45  }
.Ltmp7:
0x197: {  	v21 =	vmovc v44;
	v15 =	vmovc v22;
	v30 =	vmul.f32 $1.442695020e+00, v48;
	v12 =	vshll.u32 v50, $0x3;
	v40 =	vld.idx.msk [tilespmem:v32+s3+$0x0], $0xffff;
	(erf) = vpow2.f32 v27;
	(pc) =	sbr.rel @p0 .LBB2_13-.Ltmp7, $4  }
0x198: {  	v45 =	vsel vm0, $0xFFFFFFFF, v4;
	v50 =	vand.u32 $0x3C00, v12;
	v44 =	vpop (erf);
	(erf) = vpow2.f32 v37  }
0x199: {  	v27 =	vxor.u32 v47, v45;
	v48 =	vor.u32 v50, v49;
	v29 =	vpop (erf);
	(erf) = vpow2.f32 v30  }
0x19a: {  	v22 =	vmovc v46;
	v38 =	vsub.f32 v9, v27;
	v37 =	vor.u32 v2, v48;
	v12 =	vmovc v33;
	v39 =	vadd.f32 $1.000000000e+00, v29  }
0x19b: {  	v30 =	vadd.f32 $1.000000000e+00, v44;
	v29 =	vxor.u32 v42, v28;
	v28 =	vxor.u32 v35, v43;
	[tilespmem:v31+s3+$0x0] =	vst.idx.msk $0xffff, v41  }
0x19c: {  	v31 =	vmul.f32 $1.442695020e+00, v38;
	v33 =	vsub.f32 v9, v28;
	_ =	sdelay $0x1  }
0x19d: {  	(erf) = vpow2.f32 v31;
	v52 =	vmul.f32 $1.442695020e+00, v33;
	_ =	sdelay $0x1  }
0x19e: {  	(erf) = vpow2.f32 v52  }
0x19f: {  	v33 =	vpop (erf)  }
0x1a0: {  	v53 =	vsub.f32 v9, v29;
	v35 =	vpop (erf)  }
0x1a1: {  	v41 =	vld.idx.msk [tilespmem:v37+s3+$0x0], $0xffff;
	v54 =	vpop (erf)  }
0x1a2: {  	v31 =	vmul.f32 $1.442695020e+00, v53;
	v42 =	vpop (erf)  }
0x1a3: {  	v42 =	vadd.f32 $1.000000000e+00, v42  }
0x1a4: {  	vm0 =	vgt.s32 v34, $0xFFFFFFFF;
	vm14 =	vgt.s32 v40, $0xFFFFFFFF;
	(erf) = vpow2.f32 v31;
	v43 =	vpop (erf)  }
0x1a5: {  	v59 =	vsel vm0, $0xFFFFFFFF, v4;
	v55 =	vadd.f32 $1.000000000e+00, v43;
	(erf) = vrcp.f32 v42;
	v56 =	vpop (erf)  }
0x1a6: {  	v58 =	vld.idx.msk [tilespmem:v22+s3+$0x0], $0xffff;
	vm1 =	vgt.s32 v41, $0xFFFFFFFF;
	(erf) = vrcp.f32 v36;
	v57 =	vadd.f32 $1.000000000e+00, v56  }
0x1a7: {  	v63 =	vxor.u32 v34, v59;
	v61 =	vsel vm1, $0xFFFFFFFF, v4;
	(erf) = vrcp.f32 v55;
	v60 =	vpop (erf)  }
0x1a8: {  	v41 =	vxor.u32 v41, v61;
	(erf) = vrcp.f32 v57;
	v62 =	vadd.f32 $1.000000000e+00, v60  }
0x1a9: {  	v38 =	vadd.f32 $1.000000000e+00, v54;
	v48 =	vsub.f32 v9, v41;
	(erf) = vrcp.f32 v39  }
0x1aa: {  	v50 =	vsel vm14, $0xFFFFFFFF, v4;
	v49 =	vsub.f32 v9, v63;
	(erf) = vrcp.f32 v62  }
0x1ab: {  	vm15 =	vgt.s32 v58, $0xFFFFFFFF;
	v36 =	vmul.f32 $1.442695020e+00, v48;
	(erf) = vrcp.f32 v38  }
0x1ac: {  	v51 =	vsel vm15, $0xFFFFFFFF, v4;
	v39 =	vmul.f32 $1.442695020e+00, v49;
	(erf) = vrcp.f32 v30  }
0x1ad: {  	v52 =	vpop (erf);
	v38 =	vxor.u32 v40, v50;
	v30 =	vxor.u32 v58, v51;
	(erf) = vpow2.f32 v36  }
0x1ae: {  	v53 =	vpop (erf);
	v54 =	vsub.f32 v9, v30;
	v9 =	vsub.f32 v9, v38  }
0x1af: {  	v55 =	vpop (erf);
	(erf) = vpow2.f32 v39  }
0x1b0: {  	v56 =	vpop (erf);
	v9 =	vmul.f32 $1.442695020e+00, v9  }
0x1b1: {  	v36 =	vmul.f32 $1.442695020e+00, v54;
	v57 =	vpop (erf)  }
0x1b2: {  	v44 =	vpop (erf)  }
0x1b3: {  	(erf) = vpow2.f32 v36;
	v58 =	vpop (erf)  }
0x1b4: {  	(erf) = vpow2.f32 v9;
	v9 =	vpop (erf)  }
0x1b5: {  	v45 =	vpop (erf)  }
0x1b6: {  	v46 =	vpop (erf)  }
0x1b7: {  	v46 =	vadd.f32 $1.000000000e+00, v46  }
0x1b8: {  	v42 =	vadd.f32 $1.000000000e+00, v52;
	v47 =	vpop (erf)  }
0x1b9: {  	v59 =	vadd.f32 $1.000000000e+00, v47;
	(erf) = vrcp.f32 v46  }
0x1ba: {  	(erf) = vrcp.f32 v42  }
0x1bb: {  	v7 =	vmul.f32 v7, v35;
	(erf) = vrcp.f32 v59  }
0x1bc: {  	v10 =	vmul.f32 v10, v33;
	v60 =	vpop (erf)  }
0x1bd: {  	[tilespmem:v5+s3+$0x0] =	vst.idx.msk $0xffff, v7;
	v5 =	vmul.f32 v23, v56;
	v62 =	vpop (erf)  }
0x1be: {  	[tilespmem:v6+s3+$0x0] =	vst.idx.msk $0xffff, v10;
	v6 =	vmul.f32 v14, v55;
	v61 =	vadd.f32 $1.000000000e+00, v60;
	v7 =	vadd.f32 $1.000000000e+00, v62  }
0x1bf: {  	[tilespmem:v16+s3+$0x0] =	vst.idx.msk $0xffff, v5;
	v5 =	vmul.f32 v24, v53  }
0x1c0: {  	[tilespmem:v8+s3+$0x0] =	vst.idx.msk $0xffff, v6;
	v6 =	vmul.f32 v27, v57;
	(erf) = vrcp.f32 v61  }
0x1c1: {  	[tilespmem:v11+s3+$0x0] =	vst.idx.msk $0xffff, v5;
	v5 =	vmul.f32 v28, v58;
	(erf) = vrcp.f32 v7  }
0x1c2: {  	[tilespmem:v15+s3+$0x0] =	vst.idx.msk $0xffff, v6;
	v6 =	vmul.f32 v19, v44;
	v7 =	vpop (erf)  }
0x1c3: {  	[tilespmem:v12+s3+$0x0] =	vst.idx.msk $0xffff, v5;
	v5 =	vmul.f32 v26, v45;
	v8 =	vpop (erf)  }
0x1c4: {  	s26 =	simm.s32 $0xD;
	[tilespmem:v20+s3+$0x0] =	vst.idx.msk $0xffff, v6;
	v6 =	vmul.f32 v25, v9;
	v9 =	vpop (erf)  }
0x1c5: {  	s31 =	simm.s32 $0x5;
	v39 =	vadd.s32 s26, v1;
	[tilespmem:v13+s3+$0x0] =	vst.idx.msk $0xffff, v5;
	v5 =	vmul.f32 v63, v9  }
0x1c6: {  	v11 =	vadd.s32 s31, v1;
	[tilespmem:v17+s3+$0x0] =	vst.idx.msk $0xffff, v6;
	v7 =	vmul.f32 v41, v7;
	v6 =	vmul.f32 v29, v8  }
0x1c7: {  	v12 =	vshll.u32 v11, $0x3;
	v42 =	vshll.u32 v39, $0x3  }
0x1c8: {  	s21 =	simm.s32 $0x7;
	s22 =	simm.s32 $0x2;
	s30 =	simm.s32 $0x4;
	v11 =	vand.u32 $0x7F, v11;
	v12 =	vand.u32 $0x3C00, v12;
	v25 =	vand.u32 $0x3C00, v42;
	[tilespmem:v37+s3+$0x0] =	vst.idx.msk $0xffff, v7  }
0x1c9: {  	s25 =	simm.s32 $0xC;
	v8 =	vadd.s32 s22, v1;
	s22 =	simm.s32 $0x3;
	v7 =	vadd.s32 s21, v1;
	v9 =	vadd.s32 s30, v1;
	[tilespmem:v21+s3+$0x0] =	vst.idx.msk $0xffff, v5;
	v5 =	vpop (erf)  }
0x1ca: {  	s20 =	sshll.u32 s19, $0x10;
	v17 =	vadd.s32 s22, v1;
	v63 =	vadd.s32 s25, v1;
	s30 =	simm.s32 $0xE;
	[tilespmem:v18+s3+$0x0] =	vst.idx.msk $0xffff, v6;
	v5 =	vmul.f32 v30, v5;
	v6 =	vpop (erf)  }
0x1cb: {  	s20 =	sadd.s32 s7, s20;
	v53 =	vshll.u32 v63, $0x3;
	v55 =	vadd.s32 s30, v1;
	v6 =	vmul.f32 v38, v6  }
0x1cc: {  	s28 =	simm.s32 $0x0;
	s20 =	sshrl.u32 s20, $0x3;
	v58 =	vshll.u32 v55, $0x3;
	[tilespmem:v22+s3+$0x0] =	vst.idx.msk $0xffff, v5;
	v5 =	vshll.u32 v7, $0x3;
	v22 =	vand.u32 $0x7F, v39  }
0x1cd: {  	s29 =	simm.s32 $0x1;
	s20 =	sadd.s32 s4, s20;
	[tilespmem:v32+s3+$0x0] =	vst.idx.msk $0xffff, v6;
	v6 =	vand.u32 $0x7F, v7;
	v5 =	vand.u32 $0x3C00, v5;
	v7 =	vadd.s32 s28, v1  }
0x1ce: {  	[hbm4b:s20+s28] =	stream.linear.scatter [tilespmem:s28], [sflag:$0x3], $0x8000, $0x38;
	v5 =	vor.u32 v5, v6;
	v6 =	vadd.s32 s29, v1;
	v10 =	vshll.u32 v7, $0x3;
	[tilespmem:$0x11000] =	vst v63  }
0x1cf: {  	v7 =	vand.u32 $0x7F, v7;
	s28 =	simm.s32 $0xF;
	s29 =	simm.s32 $0x8;
	v5 =	vor.u32 v2, v5;
	v10 =	vand.u32 $0x3C00, v10  }
0x1d0: {  	v43 =	vadd.s32 s28, v1;
	v48 =	vadd.s32 s29, v1;
	v7 =	vor.u32 v10, v7  }
0x1d1: {  	v10 =	vshll.u32 v9, $0x3;
	v9 =	vand.u32 $0x7F, v9;
	v45 =	vand.u32 $0x7F, v43  }
0x1d2: {  	v26 =	vshll.u32 v43, $0x3;
	v50 =	vshll.u32 v48, $0x3;
	v28 =	vand.u32 $0x7F, v48  }
0x1d3: {  	_ =	swait.ge [sflag:s14], $0x8000;
	v7 =	vor.u32 v2, v7;
	v10 =	vand.u32 $0x3C00, v10;
	v26 =	vand.u32 $0x3C00, v26  }
0x1d4: {  	[sflag:s14] =	ssyncset.done $0x0;
	v9 =	vor.u32 v10, v9;
	v10 =	vshll.u32 v6, $0x3;
	v6 =	vand.u32 $0x7F, v6  }
0x1d5: {  	[sflag:s14] =	ssyncadd.s32 $0xFFFF8000;
	v14 =	vor.u32 v2, v9;
	v9 =	vor.u32 v12, v11;
	v10 =	vand.u32 $0x3C00, v10  }
0x1d6: {  	s21 =	simm.s32 $0x6;
	v32 =	vand.u32 $0x3C00, v50;
	v13 =	vld.idx.msk [tilespmem:v5+s11+$0x0], $0xffff;
	v12 =	vor.u32 v2, v9;
	v6 =	vor.u32 v10, v6  }
0x1d7: {  	v26 =	vor.u32 v26, v45;
	v11 =	vadd.s32 s21, v1;
	v6 =	vor.u32 v2, v6  }
0x1d8: {  	v28 =	vor.u32 v32, v28;
	v32 =	vand.u32 $0x3C00, v53;
	v15 =	vshll.u32 v11, $0x3  }
0x1d9: {  	v9 =	vshll.u32 v8, $0x3;
	v11 =	vand.u32 $0x7F, v11;
	v15 =	vand.u32 $0x3C00, v15  }
0x1da: {  	v8 =	vand.u32 $0x7F, v8;
	v9 =	vand.u32 $0x3C00, v9;
	v10 =	vld.idx.msk [tilespmem:v7+s11+$0x0], $0xffff;
	v11 =	vor.u32 v15, v11  }
0x1db: {  	v8 =	vor.u32 v9, v8;
	v11 =	vor.u32 v2, v11;
	v16 =	vshra.s32 v13, $0x1F;
	v19 =	vld.idx.msk [tilespmem:v12+s11+$0x0], $0xffff  }
0x1dc: {  	v26 =	vor.u32 v2, v26;
	v8 =	vor.u32 v2, v8;
	v16 =	vor.u32 $0x80000000, v16;
	v46 =	vld.idx.msk [tilespmem:v6+s11+$0x0], $0xffff  }
0x1dd: {  	v28 =	vor.u32 v2, v28;
	v15 =	vshll.u32 v17, $0x3;
	v13 =	vxor.u32 v13, v16;
	v16 =	vld.idx.msk [tilespmem:v14+s11+$0x0], $0xffff  }
0x1de: {  	v17 =	vand.u32 $0x7F, v17;
	v9 =	vand.u32 $0x3C00, v15;
	v18 =	vshrl.u32 v13, $0x14  }
0x1df: {  	v9 =	vor.u32 v9, v17;
	v15 =	vand.u32 $0xFF0, v18;
	v18 =	vshra.s32 v10, $0x1F  }
0x1e0: {  	v17 =	vor.u32 v2, v9;
	v41 =	vld.idx.msk [tilespmem:v11+s11+$0x0], $0xffff;
	[tilespmem:v5+s11+$0x0] =	vst.idx.msk $0xffff, v13;
	v13 =	vand.u32 $0x7F, v63;
	v18 =	vor.u32 $0x80000000, v18  }
0x1e1: {  	v54 =	vld.idx.msk [tilespmem:v8+s11+$0x0], $0xffff;
	v15 =	vor.u32 v1, v15;
	v20 =	vshra.s32 v19, $0x1F;
	v10 =	vxor.u32 v10, v18  }
0x1e2: {  	v18 =	vor.u32 $0x80000000, v20;
	v52 =	vshra.s32 v46, $0x1F;
	v9 =	vshra.s32 v16, $0x1F  }
0x1e3: {  	v20 =	vshrl.u32 v10, $0x14;
	v18 =	vxor.u32 v19, v18;
	v34 =	vor.u32 $0x80000000, v52  }
0x1e4: {  	s24 =	simm.s32 $0xA;
	[tilespmem:v7+s11+$0x0] =	vst.idx.msk $0xffff, v10;
	v7 =	vor.u32 v25, v22;
	v9 =	vor.u32 $0x80000000, v9;
	v19 =	vand.u32 $0xFF0, v20  }
0x1e5: {  	v20 =	vadd.s32 s24, v1;
	v44 =	vshrl.u32 v18, $0x14;
	v51 =	vshra.s32 v41, $0x1F  }
0x1e6: {  	s23 =	simm.s32 $0x9;
	v49 =	vld.idx.msk [tilespmem:v17+s11+$0x0], $0xffff;
	v29 =	vxor.u32 v46, v34;
	v59 =	vshra.s32 v54, $0x1F;
	v7 =	vor.u32 v2, v7  }
0x1e7: {  	v5 =	vld.idx.msk [tilespmem:v26+s11+$0x0], $0xffff;
	[tilespmem:v12+s11+$0x0] =	vst.idx.msk $0xffff, v18;
	v12 =	vand.u32 $0x7F, v55;
	v16 =	vxor.u32 v16, v9;
	v9 =	vadd.s32 s23, v1  }
0x1e8: {  	v19 =	vor.u32 v1, v19;
	v27 =	vand.u32 $0xFF0, v44;
	v33 =	vor.u32 $0x80000000, v51  }
0x1e9: {  	v56 =	vshll.u32 v20, $0x3;
	v10 =	vand.u32 $0x7F, v20;
	v20 =	vand.u32 $0x3C00, v58  }
0x1ea: {  	v40 =	vshrl.u32 v16, $0x14;
	v47 =	vshll.u32 v9, $0x3;
	v27 =	vor.u32 v1, v27  }
0x1eb: {  	s31 =	simm.s32 $0xB;
	v9 =	vand.u32 $0x7F, v9;
	v57 =	vshra.s32 v49, $0x1F;
	v24 =	vxor.u32 v41, v33  }
0x1ec: {  	v18 =	vor.u32 v20, v12;
	v12 =	vshra.s32 v5, $0x1F;
	[tilespmem:v14+s11+$0x0] =	vst.idx.msk $0xffff, v16;
	v16 =	vadd.s32 s31, v1  }
0x1ed: {  	[tilespmem:v6+s11+$0x0] =	vst.idx.msk $0xffff, v29;
	v23 =	vand.u32 $0xFF0, v40;
	v30 =	vand.u32 $0x3C00, v47;
	v12 =	vor.u32 $0x80000000, v12  }
0x1ee: {  	[tilespmem:v15+s13+$0x0] =	vst.idx.add.s32.msk $0xffff, v3;
	v6 =	vshll.u32 v16, $0x3;
	v61 =	vor.u32 $0x80000000, v57;
	v16 =	vand.u32 $0x7F, v16  }
0x1ef: {  	v23 =	vor.u32 v1, v23;
	v15 =	vor.u32 v30, v9;
	v9 =	vor.u32 v32, v13  }
0x1f0: {  	v14 =	vld.idx.msk [tilespmem:v28+s11+$0x0], $0xffff;
	v13 =	vshrl.u32 v29, $0x14;
	v5 =	vxor.u32 v5, v12;
	v9 =	vor.u32 v2, v9  }
0x1f1: {  	[tilespmem:v11+s11+$0x0] =	vst.idx.msk $0xffff, v24;
	v6 =	vand.u32 $0x3C00, v6;
	v21 =	vxor.u32 v49, v61;
	v13 =	vand.u32 $0xFF0, v13  }
0x1f2: {  	v60 =	vshrl.u32 v5, $0x14;
	v6 =	vor.u32 v6, v16;
	[tilespmem:v19+s13+$0x0] =	vst.idx.add.s32.msk $0xffff, v3;
	v19 =	vand.u32 $0x3C00, v56  }
0x1f3: {  	v62 =	vld.idx.msk [tilespmem:v7+s11+$0x0], $0xffff;
	[tilespmem:v26+s11+$0x0] =	vst.idx.msk $0xffff, v5;
	v20 =	vor.u32 v1, v13;
	v13 =	vor.u32 $0x80000000, v59;
	v11 =	vand.u32 $0xFF0, v60  }
0x1f4: {  	[tilespmem:v17+s11+$0x0] =	vst.idx.msk $0xffff, v21;
	v6 =	vor.u32 v2, v6;
	v10 =	vor.u32 v19, v10;
	v19 =	vshrl.u32 v24, $0x14  }
0x1f5: {  	v13 =	vxor.u32 v54, v13;
	v11 =	vor.u32 v1, v11;
	v63 =	vshra.s32 v14, $0x1F;
	v12 =	vld.idx.msk [tilespmem:v9+s11+$0x0], $0xffff  }
0x1f6: {  	v5 =	vor.u32 v2, v10;
	v10 =	vshrl.u32 v13, $0x14;
	[tilespmem:v8+s11+$0x0] =	vst.idx.msk $0xffff, v13;
	v8 =	vor.u32 v2, v18  }
0x1f7: {  	[tilespmem:v27+s13+$0x0] =	vst.idx.add.s32.msk $0xffff, v3;
	v13 =	vand.u32 $0xFF0, v10;
	v10 =	vor.u32 v2, v15;
	v15 =	vshrl.u32 v21, $0x14  }
0x1f8: {  	v16 =	vand.u32 $0xFF0, v19;
	[tilespmem:v23+s13+$0x0] =	vst.idx.add.s32.msk $0xffff, v3;
	v23 =	vor.u32 $0x80000000, v63;
	v15 =	vand.u32 $0xFF0, v15  }
0x1f9: {  	v13 =	vor.u32 v1, v13;
	v17 =	vshra.s32 v62, $0x1F;
	[tilespmem:v20+s13+$0x0] =	vst.idx.add.s32.msk $0xffff, v3;
	v15 =	vor.u32 v1, v15  }
0x1fa: {  	[tilespmem:v11+s13+$0x0] =	vst.idx.add.s32.msk $0xffff, v3;
	v11 =	vxor.u32 v14, v23;
	v14 =	vor.u32 $0x80000000, v17;
	v18 =	vshra.s32 v12, $0x1F  }
0x1fb: {  	s20 =	simm.s32 $0x10;
	[tilespmem:v28+s11+$0x0] =	vst.idx.msk $0xffff, v11;
	v17 =	vshrl.u32 v11, $0x14;
	v14 =	vxor.u32 v62, v14;
	v11 =	vld.idx.msk [tilespmem:v8+s11+$0x0], $0xffff;
	v18 =	vor.u32 $0x80000000, v18  }
.LBB2_15:
0x1fc: {  	s22 =	sadd.s32 $0x1, s20  }
0x1fd: {  	s23 =	sadd.s32 $0x2, s20;
	s21 =	sadd.s32 $0x3, s20;
	v17 =	vand.u32 $0xFF0, v17;
	v12 =	vxor.u32 v12, v18;
	v16 =	vor.u32 v1, v16;
	s24 =	smov.u32 s20  }
0x1fe: {  	s25 =	sadd.s32 $0x6, s20;
	v18 =	vadd.s32 s22, v1;
	v19 =	vadd.s32 s23, v1;
	s22 =	sadd.s32 $0x4, s20;
	s23 =	sadd.s32 $0x5, s20;
	v17 =	vor.u32 v1, v17;
	[tilespmem:v9+s11+$0x0] =	vst.idx.msk $0xffff, v12  }
0x1ff: {  	p0 =	slt.u32 s20, $0x7F8;
	s20 =	sadd.s32 $0x8, s20;
	v12 =	vshrl.u32 v12, $0x14;
	v9 =	vadd.s32 s22, v1;
	v20 =	vadd.s32 s23, v1;
	s22 =	sadd.s32 $0x7, s24;
	v21 =	vld.idx.msk [tilespmem:v10+s11+$0x0], $0xffff  }
0x200: {  	v24 =	vshrl.u32 v14, $0x14;
	v22 =	vshll.u32 v20, $0x3;
	v23 =	vadd.s32 s22, v1;
	[tilespmem:v15+s13+$0x0] =	vst.idx.add.s32.msk $0xffff, v3  }
0x201: {  	v24 =	vand.u32 $0xFF0, v24;
	v15 =	vand.u32 $0x7F, v23;
	v23 =	vshll.u32 v23, $0x3;
	[tilespmem:v13+s13+$0x0] =	vst.idx.add.s32.msk $0xffff, v3  }
0x202: {  	v24 =	vor.u32 v1, v24;
	v13 =	vshll.u32 v18, $0x3;
	v23 =	vand.u32 $0x3C00, v23;
	[tilespmem:v16+s13+$0x0] =	vst.idx.add.s32.msk $0xffff, v3  }
0x203: {  	v12 =	vand.u32 $0xFF0, v12;
	v16 =	vand.u32 $0x7F, v20;
	v15 =	vor.u32 v23, v15;
	[tilespmem:v17+s13+$0x0] =	vst.idx.add.s32.msk $0xffff, v3  }
0x204: {  	v12 =	vor.u32 v1, v12;
	v17 =	vadd.s32 s24, v1;
	v15 =	vor.u32 v2, v15;
	v20 =	vld.idx.msk [tilespmem:v6+s11+$0x0], $0xffff  }
0x205: {  	v22 =	vand.u32 $0x3C00, v22;
	v26 =	vshra.s32 v11, $0x1F;
	v23 =	vshll.u32 v17, $0x3;
	v25 =	vld.idx.msk [tilespmem:v5+s11+$0x0], $0xffff  }
0x206: {  	v13 =	vand.u32 $0x3C00, v13;
	v23 =	vand.u32 $0x3C00, v23;
	[tilespmem:v7+s11+$0x0] =	vst.idx.msk $0xffff, v14;
	v7 =	vor.u32 $0x80000000, v26  }
0x207: {  	v14 =	vand.u32 $0x7F, v17;
	v17 =	vand.u32 $0x7F, v18;
	v18 =	vshra.s32 v21, $0x1F;
	[tilespmem:v24+s13+$0x0] =	vst.idx.add.s32.msk $0xffff, v3  }
0x208: {  	v14 =	vor.u32 v23, v14;
	v23 =	vshll.u32 v9, $0x3;
	v18 =	vor.u32 $0x80000000, v18  }
0x209: {  	v24 =	vadd.s32 s25, v1;
	v14 =	vor.u32 v2, v14;
	v18 =	vxor.u32 v21, v18;
	[tilespmem:v12+s13+$0x0] =	vst.idx.add.s32.msk $0xffff, v3  }
0x20a: {  	v21 =	vand.u32 $0x3C00, v23;
	v12 =	vshll.u32 v19, $0x3;
	v23 =	vld.idx.msk [tilespmem:v15+s11+$0x0], $0xffff;
	[tilespmem:v10+s11+$0x0] =	vst.idx.msk $0xffff, v18;
	v10 =	vshra.s32 v20, $0x1F  }
0x20b: {  	v9 =	vand.u32 $0x7F, v9;
	v11 =	vxor.u32 v11, v7;
	v26 =	vshll.u32 v24, $0x3  }
0x20c: {  	v13 =	vor.u32 v13, v17;
	v7 =	vor.u32 v21, v9;
	v17 =	vshrl.u32 v18, $0x14;
	[tilespmem:v8+s11+$0x0] =	vst.idx.msk $0xffff, v11  }
0x20d: {  	v9 =	vor.u32 v2, v7;
	v18 =	vand.u32 $0x3C00, v26;
	v8 =	vand.u32 $0x7F, v19  }
0x20e: {  	v12 =	vand.u32 $0x3C00, v12;
	v7 =	vor.u32 v22, v16;
	v16 =	vshra.s32 v25, $0x1F;
	v19 =	vld.idx.msk [tilespmem:v14+s11+$0x0], $0xffff  }
0x20f: {  	v21 =	vand.u32 $0x7F, v24;
	v17 =	vand.u32 $0xFF0, v17;
	v7 =	vor.u32 v2, v7  }
0x210: {  	v18 =	vor.u32 v18, v21;
	v17 =	vor.u32 v1, v17;
	v21 =	vshra.s32 v23, $0x1F  }
0x211: {  	v16 =	vor.u32 $0x80000000, v16;
	v8 =	vor.u32 v12, v8;
	v12 =	vor.u32 $0x80000000, v21  }
0x212: {  	v11 =	vshrl.u32 v11, $0x14;
	v21 =	vadd.s32 s21, v1;
	v22 =	vxor.u32 v23, v12  }
0x213: {  	v16 =	vxor.u32 v25, v16;
	v23 =	vshll.u32 v21, $0x3;
	v12 =	vld.idx.msk [tilespmem:v9+s11+$0x0], $0xffff;
	[tilespmem:v15+s11+$0x0] =	vst.idx.msk $0xffff, v22;
	v15 =	vshrl.u32 v22, $0x14  }
0x214: {  	v22 =	vand.u32 $0x3C00, v23;
	v23 =	vld.idx.msk [tilespmem:v7+s11+$0x0], $0xffff;
	v15 =	vand.u32 $0xFF0, v15;
	[tilespmem:v5+s11+$0x0] =	vst.idx.msk $0xffff, v16;
	v5 =	vor.u32 $0x80000000, v10  }
0x215: {  	v21 =	vand.u32 $0x7F, v21;
	v15 =	vor.u32 v1, v15;
	[tilespmem:v17+s13+$0x0] =	vst.idx.add.s32.msk $0xffff, v3;
	v17 =	vxor.u32 v20, v5  }
0x216: {  	v10 =	vshra.s32 v19, $0x1F;
	v16 =	vshrl.u32 v16, $0x14;
	v5 =	vor.u32 v2, v8;
	[tilespmem:v6+s11+$0x0] =	vst.idx.msk $0xffff, v17  }
0x217: {  	v20 =	vor.u32 $0x80000000, v10;
	v8 =	vor.u32 v2, v18;
	v6 =	vand.u32 $0xFF0, v16  }
.Ltmp8:
0x218: {  	v10 =	vor.u32 v2, v13;
	v16 =	vor.u32 v22, v21;
	v13 =	vor.u32 v1, v6;
	(pc) =	sbr.rel @p0 .LBB2_15-.Ltmp8, $4  }
0x219: {  	v17 =	vshrl.u32 v17, $0x14;
	v6 =	vor.u32 v2, v16;
	v16 =	vand.u32 $0xFF0, v11  }
0x21a: {  	v11 =	vshra.s32 v12, $0x1F;
	v18 =	vshra.s32 v23, $0x1F;
	[tilespmem:v15+s13+$0x0] =	vst.idx.add.s32.msk $0xffff, v3;
	v15 =	vand.u32 $0xFF0, v17  }
0x21b: {  	v17 =	vxor.u32 v19, v20;
	v19 =	vor.u32 $0x80000000, v18;
	v15 =	vor.u32 v1, v15  }
0x21c: {  	v18 =	vor.u32 $0x80000000, v11;
	[tilespmem:v14+s11+$0x0] =	vst.idx.msk $0xffff, v17;
	v17 =	vshrl.u32 v17, $0x14;
	v14 =	vxor.u32 v23, v19;
	v11 =	vld.idx.msk [tilespmem:v8+s11+$0x0], $0xffff  }
0x21d: {  	_ =	sdelay $0x3  }
0x21e: {  	v19 =	vld.idx.msk [tilespmem:v10+s11+$0x0], $0xffff  }
0x21f: {  	v20 =	vld.idx.msk [tilespmem:v6+s11+$0x0], $0xffff  }
0x220: {  	v17 =	vand.u32 $0xFF0, v17;
	v12 =	vxor.u32 v12, v18;
	v21 =	vld.idx.msk [tilespmem:v5+s11+$0x0], $0xffff  }
0x221: {  	[tilespmem:v9+s11+$0x0] =	vst.idx.msk $0xffff, v12;
	v9 =	vor.u32 v1, v17;
	v12 =	vshrl.u32 v12, $0x14  }
0x222: {  	v16 =	vor.u32 v1, v16;
	v49 =	vshrl.u32 v14, $0x14;
	v12 =	vand.u32 $0xFF0, v12  }
0x223: {  	[tilespmem:v15+s13+$0x0] =	vst.idx.add.s32.msk $0xffff, v3;
	v50 =	vand.u32 $0xFF0, v49;
	v12 =	vor.u32 v1, v12;
	v53 =	vshra.s32 v11, $0x1F  }
0x224: {  	[tilespmem:v13+s13+$0x0] =	vst.idx.add.s32.msk $0xffff, v3;
	v51 =	vor.u32 v1, v50;
	v52 =	vshra.s32 v19, $0x1F;
	v13 =	vor.u32 $0x80000000, v53  }
0x225: {  	[tilespmem:v7+s11+$0x0] =	vst.idx.msk $0xffff, v14;
	v55 =	vshra.s32 v20, $0x1F;
	v56 =	vshra.s32 v21, $0x1F;
	v17 =	vor.u32 $0x80000000, v52  }
0x226: {  	[tilespmem:v9+s13+$0x0] =	vst.idx.add.s32.msk $0xffff, v3;
	v9 =	vor.u32 $0x80000000, v56;
	v11 =	vxor.u32 v11, v13;
	v54 =	vxor.u32 v19, v17  }
0x227: {  	[tilespmem:v16+s13+$0x0] =	vst.idx.add.s32.msk $0xffff, v3;
	v17 =	vor.u32 $0x80000000, v55;
	v9 =	vxor.u32 v21, v9;
	v7 =	vshrl.u32 v54, $0x14  }
0x228: {  	v57 =	vxor.u32 v20, v17;
	[tilespmem:v12+s13+$0x0] =	vst.idx.add.s32.msk $0xffff, v3;
	v59 =	vshrl.u32 v9, $0x14;
	v7 =	vand.u32 $0xFF0, v7  }
0x229: {  	[tilespmem:v10+s11+$0x0] =	vst.idx.msk $0xffff, v54;
	v10 =	vshrl.u32 v11, $0x14;
	v12 =	vand.u32 $0xFF0, v59;
	v7 =	vor.u32 v1, v7  }
0x22a: {  	[tilespmem:v8+s11+$0x0] =	vst.idx.msk $0xffff, v11;
	v58 =	vshrl.u32 v57, $0x14;
	v10 =	vand.u32 $0xFF0, v10;
	v8 =	vor.u32 v1, v12  }
0x22b: {  	[tilespmem:v5+s11+$0x0] =	vst.idx.msk $0xffff, v9;
	v60 =	vand.u32 $0xFF0, v58;
	v5 =	vor.u32 v1, v10  }
0x22c: {  	[tilespmem:v51+s13+$0x0] =	vst.idx.add.s32.msk $0xffff, v3;
	v13 =	vor.u32 v1, v60  }
0x22d: {  	[tilespmem:v6+s11+$0x0] =	vst.idx.msk $0xffff, v57  }
0x22e: {  	[tilespmem:v7+s13+$0x0] =	vst.idx.add.s32.msk $0xffff, v3  }
0x22f: {  	[tilespmem:v8+s13+$0x0] =	vst.idx.add.s32.msk $0xffff, v3  }
0x230: {  	p0 =	seq.s32 s19, $0x5;
	[tilespmem:v5+s13+$0x0] =	vst.idx.add.s32.msk $0xffff, v3  }
0x231: {  	s20 =	sshll.u32 s19, $0x5;
	s21 =	simm.s32 @!p0 $0x3;
	[tilespmem:v13+s13+$0x0] =	vst.idx.add.s32.msk $0xffff, v3  }
0x232: {  	s22 =	sadd.s32 @!p0 s20, s9;
	_ =	swait.ge @!p0 [sflag:s21], $0x8000  }
0x233: {  	s22 =	sshll.u32 @!p0 s22, $0x8;
	[sflag:s21] =	ssyncset.done @!p0 $0x0  }
0x234: {  	[sflag:s21] =	ssyncadd.s32 @!p0 $0xFFFF8000;
	s21 =	sadd.s32 @!p0 s1, s22;
	s22 =	simm.s32 @!p0 $0x0  }
0x235: {  	[tilespmem:s22], [sflag:$0x1] =	stream.linear.gather @!p0 [hbm4b:s21+s22], $0x8000, $0x38;
	[tilespmem:$0x11000] =	vst v63  }
0x236: {  	s22 =	simm.s32 $0x10FF0  }
0x237: {  	v5 =	vld [tilespmem:s22+$0x0]  }
0x238: {  	v6 =	vld [tilespmem:s22+$0xFFFFFFF0]  }
0x239: {  	v7 =	vld [tilespmem:s22+$0xFFFFFFE0];
	_ =	sdelay $0x1  }
0x23a: {  	v8 =	vimm.s32 $0x0;
	v9 =	vld [tilespmem:s22+$0xFFFFFFD0]  }
0x23b: {  	vm0 =	vlt.s32 v8, $0xCC;
	v5 =	vadd.s32 v8, v5  }
0x23c: {  	v10 =	vld [tilespmem:s22+$0xFFFFFFC0];
	vm1 =	vgt.s32 v5, $0xCB;
	v6 =	vadd.s32 v5, v6;
	vm2 =	vlt.s32 v5, $0xCC  }
0x23d: {  	s23 =	simm.s32 $0xFF;
	vm0 =	vmand vm0, vm1;
	vm1 =	vgt.s32 v6, $0xCB;
	v11 =	vadd.s32 v6, v7  }
0x23e: {  	v61 =	vld [tilespmem:s22+$0xFFFFFFB0];
	v7 =	vsel vm0, s23, v8;
	v8 =	vsel vm0, v8, v8;
	vm0 =	vmand vm2, vm1  }
0x23f: {  	s31 =	simm.s32 $0xFE;
	[tilespmem:s22+$0x0] =	vst v0;
	vm1 =	vgt.s32 v11, $0xCB;
	v62 =	vadd.s32 v11, v9;
	vm3 =	vlt.s32 v11, $0xCC  }
0x240: {  	[tilespmem:s22+$0xFFFFFFE0] =	vst v0;
	v63 =	vld [tilespmem:s22+$0xFFFFFFA0];
	v7 =	vsel vm0, s31, v7;
	v8 =	vsel vm0, v5, v8;
	vm0 =	vlt.s32 v6, $0xCC  }
0x241: {  	[tilespmem:s22+$0xFFFFFFD0] =	vst v0;
	vm2 =	vlt.s32 v62, $0xCC;
	vm4 =	vgt.s32 v62, $0xCB;
	v5 =	vadd.s32 v62, v10  }
0x242: {  	[tilespmem:s22+$0xFFFFFFC0] =	vst v0;
	v9 =	vld [tilespmem:s22+$0xFFFFFF90];
	vm1 =	vmand vm0, vm1;
	vm0 =	vmand vm3, vm4;
	vm3 =	vlt.s32 v5, $0xCC  }
0x243: {  	s24 =	simm.s32 $0xFC;
	[tilespmem:s22+$0xFFFFFFB0] =	vst v0;
	vm4 =	vgt.s32 v5, $0xCB;
	v8 =	vsel vm1, v6, v8;
	v6 =	vadd.s32 v5, v61  }
0x244: {  	s25 =	simm.s32 $0x0;
	s29 =	simm.s32 $0xFD;
	s26 =	simm.s32 $0xF7;
	[tilespmem:s22+$0xFFFFFFA0] =	vst v0;
	vm4 =	vmand vm2, vm4;
	v8 =	vsel vm0, v11, v8;
	vm2 =	vlt.s32 v6, $0xCC  }
0x245: {  	s28 =	simm.s32 $0x10F70;
	s21 =	sadd.s32 s20, s8;
	s20 =	sadd.s32 $0x1, s19;
	[tilespmem:s22+$0xFFFFFF90] =	vst v0;
	vm5 =	vgt.s32 v6, $0xCB;
	v10 =	vsel vm4, v62, v8;
	v8 =	vadd.s32 v6, v63  }
.LBB2_17:
0x246: {  	v11 =	vld [tilespmem:s28+$0x0];
	s30 =	sadd.s32 $0xFFFFFFFD, s26;
	s25 =	sadd.s32 $0x8, s25;
	[tilespmem:s22+$0xFFFFFFF0] =	vst v0;
	v7 =	vsel vm1, s29, v7;
	vm1 =	vmand vm3, vm5;
	vm3 =	vlt.s32 v8, $0xCC  }
0x247: {  	s22 =	sadd.s32 $0xFFFFFFFC, s23;
	v9 =	vadd.s32 v8, v9;
	[tilespmem:s28+$0x0] =	vst v0;
	v12 =	vld [tilespmem:s28+$0xFFFFFFF0];
	p0 =	slt.u32 s25, $0xF8;
	v7 =	vsel vm0, s24, v7;
	vm0 =	vgt.s32 v8, $0xCB;
	s24 =	smov.u32 s30  }
0x248: {  	s29 =	sadd.s32 $0xFFFFFFFB, s23;
	v13 =	vld [tilespmem:s28+$0xFFFFFFE0];
	v7 =	vsel vm4, s22, v7;
	vm0 =	vmand vm2, vm0;
	vm2 =	vgt.s32 v9, $0xCB;
	s22 =	smov.u32 s28  }
0x249: {  	v5 =	vsel vm1, v5, v10;
	[tilespmem:s28+$0xFFFFFFE0] =	vst v0;
	v7 =	vsel vm1, s29, v7;
	s29 =	sadd.s32 $0xFFFFFFFA, s23;
	vm1 =	vmand vm3, vm2  }
0x24a: {  	vm2 =	vlt.s32 v9, $0xCC;
	v5 =	vsel vm0, v6, v5;
	v10 =	vld [tilespmem:s28+$0xFFFFFFD0];
	v7 =	vsel vm0, s29, v7;
	s29 =	sadd.s32 $0xFFFFFFF9, s23;
	s23 =	smov.u32 s26  }
0x24b: {  	v5 =	vsel vm1, v8, v5;
	v6 =	vadd.s32 v9, v11;
	[tilespmem:s28+$0xFFFFFFD0] =	vst v0;
	v11 =	vld [tilespmem:s28+$0xFFFFFFC0];
	v7 =	vsel vm1, s29, v7  }
0x24c: {  	vm0 =	vgt.s32 v6, $0xCB;
	v8 =	vadd.s32 v6, v12;
	vm1 =	vlt.s32 v6, $0xCC;
	[tilespmem:s28+$0xFFFFFFC0] =	vst v0  }
0x24d: {  	vm0 =	vmand vm2, vm0;
	vm2 =	vgt.s32 v8, $0xCB;
	v12 =	vadd.s32 v8, v13;
	v13 =	vld [tilespmem:s28+$0xFFFFFFB0]  }
0x24e: {  	s29 =	sadd.s32 $0xFFFFFFFF, s26;
	v7 =	vsel vm0, s26, v7;
	v5 =	vsel vm0, v9, v5;
	vm0 =	vmand vm1, vm2;
	[tilespmem:s28+$0xFFFFFFB0] =	vst v0  }
0x24f: {  	vm1 =	vgt.s32 v12, $0xCB;
	v7 =	vsel vm0, s29, v7;
	v10 =	vadd.s32 v12, v10;
	v14 =	vld [tilespmem:s28+$0xFFFFFFA0]  }
0x250: {  	v6 =	vsel vm0, v6, v5;
	vm0 =	vlt.s32 v8, $0xCC;
	vm2 =	vlt.s32 v10, $0xCC;
	[tilespmem:s28+$0xFFFFFFA0] =	vst v0  }
.Ltmp9:
0x251: {  	vm3 =	vlt.s32 v12, $0xCC;
	vm4 =	vgt.s32 v10, $0xCB;
	v5 =	vadd.s32 v10, v11;
	v9 =	vld [tilespmem:s28+$0xFFFFFF90];
	(pc) =	sbr.rel @p0 .LBB2_17-.Ltmp9, $4  }
0x252: {  	vm1 =	vmand vm0, vm1;
	vm0 =	vmand vm3, vm4;
	vm3 =	vlt.s32 v5, $0xCC;
	[tilespmem:s28+$0xFFFFFF90] =	vst v0  }
0x253: {  	v8 =	vsel vm1, v8, v6;
	vm4 =	vgt.s32 v5, $0xCB;
	v6 =	vadd.s32 v5, v13  }
0x254: {  	v8 =	vsel vm0, v12, v8;
	vm4 =	vmand vm2, vm4;
	vm2 =	vlt.s32 v6, $0xCC  }
0x255: {  	s26 =	sadd.s32 $0xFFFFFFF8, s26;
	s29 =	sadd.s32 $0xFFFFFFFE, s23;
	s28 =	sadd.s32 $0xFFFFFF80, s28;
	v10 =	vsel vm4, v10, v8;
	vm5 =	vgt.s32 v6, $0xCB;
	v8 =	vadd.s32 v6, v14  }
0x256: {  	v7 =	vsel vm1, s29, v7;
	vm11 =	vmand vm3, vm5;
	vm12 =	vlt.s32 v8, $0xCC  }
0x257: {  	vm13 =	vgt.s32 v8, $0xCB;
	v9 =	vadd.s32 v8, v9;
	v7 =	vsel vm0, s24, v7  }
0x258: {  	s29 =	sadd.s32 $0xFFFFFFFC, s23;
	s25 =	simm.s32 $0x0;
	vm0 =	vmand vm2, vm13;
	vm14 =	vgt.s32 v9, $0xCB;
	v5 =	vsel vm11, v5, v10  }
0x259: {  	s30 =	sadd.s32 $0xFFFFFFFB, s23;
	v9 =	vadd.s32 s25, v1;
	s25 =	simm.s32 $0x7;
	v7 =	vsel vm4, s29, v7;
	vm15 =	vmand vm12, vm14  }
0x25a: {  	s31 =	sadd.s32 $0xFFFFFFFA, s23;
	v5 =	vsel vm0, v6, v5;
	v10 =	vadd.s32 s25, v1;
	v7 =	vsel vm11, s30, v7  }
0x25b: {  	s24 =	sadd.s32 $0xFFFFFFF9, s23;
	v5 =	vsel vm15, v8, v5;
	v8 =	vshll.u32 v10, $0x3;
	v7 =	vsel vm0, s31, v7  }
0x25c: {  	s28 =	simm.s32 $0x5;
	v10 =	vand.u32 $0x7F, v10;
	v8 =	vand.u32 $0x3C00, v8;
	v6 =	vsel vm15, s24, v7  }
0x25d: {  	v7 =	vshll.u32 v9, $0x3;
	v8 =	vor.u32 v8, v10;
	v10 =	vadd.s32 s28, v1  }
0x25e: {  	s26 =	simm.s32 $0x6;
	v9 =	vand.u32 $0x7F, v9;
	v7 =	vand.u32 $0x3C00, v7;
	v12 =	vshll.u32 v10, $0x3  }
0x25f: {  	v15 =	vor.u32 v2, v8;
	v7 =	vor.u32 v7, v9;
	v9 =	vadd.s32 s26, v1  }
0x260: {  	v8 =	vand.u32 $0x7F, v10;
	v10 =	vand.u32 $0x3C00, v12;
	v11 =	vshll.u32 v9, $0x3  }
0x261: {  	s29 =	simm.s32 $0x4;
	v7 =	vor.u32 v2, v7;
	v9 =	vand.u32 $0x7F, v9;
	v11 =	vand.u32 $0x3C00, v11  }
0x262: {  	v10 =	vor.u32 v10, v8;
	v9 =	vor.u32 v11, v9;
	v11 =	vadd.s32 s29, v1  }
0x263: {  	s30 =	simm.s32 $0x3;
	v10 =	vor.u32 v2, v10;
	v12 =	vshll.u32 v11, $0x3  }
0x264: {  	v8 =	vor.u32 v2, v9;
	v9 =	vadd.s32 s30, v1;
	v11 =	vand.u32 $0x7F, v11  }
0x265: {  	[tilespmem:s22+$0xFFFFFFF0] =	vst v0;
	s31 =	simm.s32 $0x2;
	v12 =	vand.u32 $0x3C00, v12;
	v13 =	vshll.u32 v9, $0x3;
	v9 =	vand.u32 $0x7F, v9  }
0x266: {  	v11 =	vor.u32 v12, v11;
	v7 =	vld.idx.msk [tilespmem:v7+s11+$0x0], $0xffff;
	v12 =	vadd.s32 s31, v1;
	v13 =	vand.u32 $0x3C00, v13  }
0x267: {  	s22 =	simm.s32 $0x8;
	s23 =	simm.s32 $0x1;
	v14 =	vshll.u32 v12, $0x3;
	v13 =	vor.u32 v13, v9;
	v11 =	vor.u32 v2, v11;
	v9 =	vld.idx.msk [tilespmem:v15+s11+$0x0], $0xffff  }
.LBB2_19:
0x268: {  	p0 =	slt.u32 s22, $0x7F8;
	v15 =	vadd.s32 s23, v1;
	v12 =	vand.u32 $0x7F, v12;
	v14 =	vand.u32 $0x3C00, v14  }
0x269: {  	v13 =	vor.u32 v2, v13;
	v16 =	vshll.u32 v15, $0x3;
	v12 =	vor.u32 v14, v12;
	v8 =	vld.idx.msk [tilespmem:v8+s11+$0x0], $0xffff  }
0x26a: {  	v14 =	vand.u32 $0x7F, v15;
	v15 =	vand.u32 $0x3C00, v16;
	v12 =	vor.u32 v2, v12;
	v10 =	vld.idx.msk [tilespmem:v10+s11+$0x0], $0xffff  }
0x26b: {  	v16 =	vadd.s32 s22, v1;
	v17 =	vshrl.u32 v7, $0x18;
	v14 =	vor.u32 v15, v14  }
0x26c: {  	v7 =	vshrl.u32 v7, $0xC;
	vm0 =	veq.s32 v17, v6;
	v14 =	vor.u32 v2, v14;
	v11 =	vld.idx.msk [tilespmem:v11+s11+$0x0], $0xffff  }
0x26d: {  	v7 =	vand.u32 $0xFF0, v7;
	v15 =	vshrl.u32 v9, $0x18;
	v9 =	vshrl.u32 v9, $0xC  }
0x26e: {  	v7 =	vor.u32 v1, v7;
	vm1 =	veq.s32 v15, v6;
	v9 =	vand.u32 $0xFF0, v9;
	v13 =	vld.idx.msk [tilespmem:v13+s11+$0x0], $0xffff  }
0x26f: {  	v15 =	vshrl.u32 v8, $0x18;
	v8 =	vshrl.u32 v8, $0xC;
	v9 =	vor.u32 v1, v9;
	v12 =	vld.idx.msk [tilespmem:v12+s11+$0x0], $0xffff  }
0x270: {  	v17 =	vshrl.u32 v10, $0x18;
	vm3 =	veq.s32 v15, v6;
	v8 =	vand.u32 $0xFF0, v8  }
0x271: {  	v10 =	vshrl.u32 v10, $0xC;
	vm2 =	veq.s32 v17, v6;
	v8 =	vor.u32 v1, v8;
	v14 =	vld.idx.msk [tilespmem:v14+s11+$0x0], $0xffff  }
0x272: {  	v10 =	vand.u32 $0xFF0, v10;
	v15 =	vshrl.u32 v11, $0x18;
	v11 =	vshrl.u32 v11, $0xC  }
0x273: {  	v10 =	vor.u32 v1, v10;
	vm4 =	veq.s32 v15, v6;
	v11 =	vand.u32 $0xFF0, v11  }
0x274: {  	v15 =	vshrl.u32 v13, $0x18;
	v13 =	vshrl.u32 v13, $0xC;
	v11 =	vor.u32 v1, v11  }
0x275: {  	v17 =	vshrl.u32 v12, $0x18;
	vm6 =	veq.s32 v15, v6;
	v13 =	vand.u32 $0xFF0, v13  }
0x276: {  	v12 =	vshrl.u32 v12, $0xC;
	vm5 =	veq.s32 v17, v6;
	v13 =	vor.u32 v1, v13  }
0x277: {  	v12 =	vand.u32 $0xFF0, v12;
	[tilespmem:v7+s13+$0x0] =	vst.idx.add.s32.msk vm0, v3;
	v7 =	vshrl.u32 v14, $0x18;
	v14 =	vshrl.u32 v14, $0xC  }
0x278: {  	v12 =	vor.u32 v1, v12;
	vm0 =	veq.s32 v7, v6;
	v7 =	vand.u32 $0xFF0, v14;
	[tilespmem:v9+s13+$0x0] =	vst.idx.add.s32.msk vm1, v3  }
0x279: {  	s23 =	sadd.s32 $0x7, s22;
	v9 =	vshll.u32 v16, $0x3;
	v7 =	vor.u32 v1, v7;
	[tilespmem:v8+s13+$0x0] =	vst.idx.add.s32.msk vm3, v3  }
0x27a: {  	v14 =	vadd.s32 s23, v1;
	v8 =	vand.u32 $0x7F, v16;
	v9 =	vand.u32 $0x3C00, v9;
	[tilespmem:v10+s13+$0x0] =	vst.idx.add.s32.msk vm2, v3  }
0x27b: {  	s23 =	sadd.s32 $0x6, s22;
	v8 =	vor.u32 v9, v8;
	v9 =	vshll.u32 v14, $0x3;
	[tilespmem:v11+s13+$0x0] =	vst.idx.add.s32.msk vm4, v3  }
0x27c: {  	v10 =	vadd.s32 s23, v1;
	v11 =	vand.u32 $0x7F, v14;
	v9 =	vand.u32 $0x3C00, v9;
	[tilespmem:v13+s13+$0x0] =	vst.idx.add.s32.msk vm6, v3  }
0x27d: {  	s23 =	sadd.s32 $0x5, s22;
	v13 =	vor.u32 v2, v8;
	v8 =	vshll.u32 v10, $0x3;
	v9 =	vor.u32 v9, v11;
	[tilespmem:v12+s13+$0x0] =	vst.idx.add.s32.msk vm5, v3  }
0x27e: {  	v11 =	vadd.s32 s23, v1;
	v10 =	vand.u32 $0x7F, v10;
	v8 =	vand.u32 $0x3C00, v8;
	[tilespmem:v7+s13+$0x0] =	vst.idx.add.s32.msk vm0, v3  }
0x27f: {  	s23 =	sadd.s32 $0x4, s22;
	v9 =	vor.u32 v2, v9;
	v7 =	vshll.u32 v11, $0x3;
	v8 =	vor.u32 v8, v10  }
0x280: {  	v10 =	vadd.s32 s23, v1;
	v11 =	vand.u32 $0x7F, v11;
	v7 =	vand.u32 $0x3C00, v7  }
.Ltmp10:
0x281: {  	s23 =	sadd.s32 $0x3, s22;
	v12 =	vshll.u32 v10, $0x3;
	v8 =	vor.u32 v2, v8;
	v11 =	vor.u32 v7, v11;
	(pc) =	sbr.rel @p0 .LBB2_19-.Ltmp10, $4  }
0x282: {  	v14 =	vadd.s32 s23, v1;
	v10 =	vand.u32 $0x7F, v10;
	v12 =	vand.u32 $0x3C00, v12  }
0x283: {  	s23 =	sadd.s32 $0x2, s22;
	v15 =	vor.u32 v12, v10;
	v10 =	vor.u32 v2, v11;
	v7 =	vld.idx.msk [tilespmem:v13+s11+$0x0], $0xffff;
	v13 =	vshll.u32 v14, $0x3  }
0x284: {  	v12 =	vadd.s32 s23, v1;
	v11 =	vand.u32 $0x7F, v14;
	v13 =	vand.u32 $0x3C00, v13  }
0x285: {  	s23 =	sadd.s32 $0x1, s22;
	s22 =	sadd.s32 $0x8, s22;
	v14 =	vshll.u32 v12, $0x3;
	v13 =	vor.u32 v13, v11;
	v11 =	vor.u32 v2, v15;
	v9 =	vld.idx.msk [tilespmem:v9+s11+$0x0], $0xffff  }
0x286: {  	_ =	sdelay $0x2  }
0x287: {  	v15 =	vadd.s32 s23, v1;
	v12 =	vand.u32 $0x7F, v12  }
0x288: {  	v14 =	vand.u32 $0x3C00, v14;
	v13 =	vor.u32 v2, v13;
	v8 =	vld.idx.msk [tilespmem:v8+s11+$0x0], $0xffff;
	v16 =	vshll.u32 v15, $0x3  }
0x289: {  	v10 =	vld.idx.msk [tilespmem:v10+s11+$0x0], $0xffff;
	v12 =	vor.u32 v14, v12;
	v14 =	vand.u32 $0x7F, v15;
	v15 =	vand.u32 $0x3C00, v16  }
0x28a: {  	v12 =	vor.u32 v2, v12;
	v61 =	vshrl.u32 v7, $0x18;
	v7 =	vshrl.u32 v7, $0xC  }
0x28b: {  	v11 =	vld.idx.msk [tilespmem:v11+s11+$0x0], $0xffff;
	v14 =	vor.u32 v15, v14;
	vm0 =	veq.s32 v61, v6;
	v7 =	vand.u32 $0xFF0, v7  }
0x28c: {  	v14 =	vor.u32 v2, v14;
	v15 =	vshrl.u32 v9, $0x18;
	v9 =	vshrl.u32 v9, $0xC  }
0x28d: {  	v7 =	vor.u32 v1, v7;
	vm1 =	veq.s32 v15, v6;
	v9 =	vand.u32 $0xFF0, v9  }
0x28e: {  	v13 =	vld.idx.msk [tilespmem:v13+s11+$0x0], $0xffff;
	v15 =	vshrl.u32 v8, $0x18;
	v8 =	vshrl.u32 v8, $0xC;
	v62 =	vshrl.u32 v10, $0x18  }
0x28f: {  	v10 =	vshrl.u32 v10, $0xC;
	v9 =	vor.u32 v1, v9;
	vm2 =	veq.s32 v15, v6;
	v12 =	vld.idx.msk [tilespmem:v12+s11+$0x0], $0xffff  }
0x290: {  	v8 =	vand.u32 $0xFF0, v8;
	vm3 =	veq.s32 v62, v6;
	v15 =	vshrl.u32 v11, $0x18  }
0x291: {  	v11 =	vshrl.u32 v11, $0xC;
	v10 =	vand.u32 $0xFF0, v10;
	v8 =	vor.u32 v1, v8;
	v14 =	vld.idx.msk [tilespmem:v14+s11+$0x0], $0xffff  }
0x292: {  	vm4 =	veq.s32 v15, v6;
	v11 =	vand.u32 $0xFF0, v11;
	v10 =	vor.u32 v1, v10  }
0x293: {  	v11 =	vor.u32 v1, v11;
	v15 =	vshrl.u32 v13, $0x18;
	v13 =	vshrl.u32 v13, $0xC  }
0x294: {  	vm5 =	veq.s32 v15, v6;
	v13 =	vand.u32 $0xFF0, v13;
	v63 =	vshrl.u32 v12, $0x18  }
0x295: {  	v12 =	vshrl.u32 v12, $0xC;
	v13 =	vor.u32 v1, v13;
	vm6 =	veq.s32 v63, v6  }
0x296: {  	[tilespmem:v7+s13+$0x0] =	vst.idx.add.s32.msk vm0, v3;
	v12 =	vand.u32 $0xFF0, v12;
	v7 =	vshrl.u32 v14, $0x18;
	v14 =	vshrl.u32 v14, $0xC  }
0x297: {  	[tilespmem:v9+s13+$0x0] =	vst.idx.add.s32.msk vm1, v3;
	v12 =	vor.u32 v1, v12;
	vm0 =	veq.s32 v7, v6;
	v7 =	vand.u32 $0xFF0, v14  }
0x298: {  	[tilespmem:v8+s13+$0x0] =	vst.idx.add.s32.msk vm2, v3;
	v7 =	vor.u32 v1, v7  }
0x299: {  	[tilespmem:v10+s13+$0x0] =	vst.idx.add.s32.msk vm3, v3  }
0x29a: {  	[tilespmem:v11+s13+$0x0] =	vst.idx.add.s32.msk vm4, v3  }
0x29b: {  	[tilespmem:v13+s13+$0x0] =	vst.idx.add.s32.msk vm5, v3  }
0x29c: {  	[tilespmem:v12+s13+$0x0] =	vst.idx.add.s32.msk vm6, v3  }
0x29d: {  	s22 =	simm.s32 $0x10FF0;
	[tilespmem:v7+s13+$0x0] =	vst.idx.add.s32.msk vm0, v3  }
0x29e: {  	v7 =	vld [tilespmem:s22+$0x0]  }
0x29f: {  	v8 =	vld [tilespmem:s22+$0xFFFFFFF0]  }
0x2a0: {  	v9 =	vld [tilespmem:s22+$0xFFFFFFE0];
	_ =	sdelay $0x1  }
0x2a1: {  	v11 =	vimm.s32 $0x0;
	v10 =	vld [tilespmem:s22+$0xFFFFFFD0]  }
0x2a2: {  	v12 =	vld [tilespmem:s22+$0xFFFFFFC0];
	v13 =	vadd.s32 v11, v7;
	v7 =	vsub.s32 $0xCC, v5  }
0x2a3: {  	v5 =	vadd.s32 v13, v8;
	vm0 =	vlt.s32 v11, v7  }
0x2a4: {  	v14 =	vld [tilespmem:s22+$0xFFFFFFB0];
	vm1 =	vge.s32 v13, v7;
	vm7 =	vlt.s32 v13, v7;
	v9 =	vadd.s32 v5, v9  }
0x2a5: {  	v8 =	vld [tilespmem:s22+$0xFFFFFFA0];
	vm1 =	vmand vm0, vm1;
	vm3 =	vge.s32 v5, v7;
	vm0 =	vlt.s32 v5, v7  }
0x2a6: {  	v10 =	vadd.s32 v9, v10;
	vm2 =	vge.s32 v9, v7;
	vm5 =	vlt.s32 v9, v7  }
0x2a7: {  	s24 =	simm.s32 $0xFF;
	v15 =	vld [tilespmem:s22+$0xFFFFFF90];
	vm3 =	vmand vm7, vm3;
	v5 =	vadd.s32 v10, v12;
	vm0 =	vmand vm0, vm2  }
0x2a8: {  	vm2 =	vge.s32 v10, v7;
	vm4 =	vlt.s32 v10, v7;
	v10 =	vsel vm1, s24, v11  }
0x2a9: {  	s23 =	simm.s32 $0x10F70;
	s24 =	simm.s32 $0xFE;
	v12 =	vadd.s32 v5, v14;
	vm12 =	vge.s32 v5, v7;
	vm5 =	vmand vm5, vm2  }
0x2aa: {  	[tilespmem:s22+$0x0] =	vst v0;
	v11 =	vld [tilespmem:s23+$0x0];
	vm2 =	vlt.s32 v5, v7;
	v5 =	vsel vm3, s24, v10;
	v8 =	vadd.s32 v12, v8  }
0x2ab: {  	s25 =	simm.s32 $0xFD;
	[tilespmem:s22+$0xFFFFFFE0] =	vst v0;
	vm1 =	vmand vm4, vm12;
	vm4 =	vge.s32 v12, v7;
	vm13 =	vlt.s32 v12, v7;
	v12 =	vld [tilespmem:s23+$0xFFFFFFF0]  }
0x2ac: {  	[tilespmem:s22+$0xFFFFFFD0] =	vst v0;
	v13 =	vld [tilespmem:s23+$0xFFFFFFE0];
	v14 =	vsel vm0, s25, v5;
	v9 =	vadd.s32 v8, v15  }
0x2ad: {  	[tilespmem:s22+$0xFFFFFFC0] =	vst v0;
	vm2 =	vmand vm2, vm4;
	vm4 =	vge.s32 v8, v7;
	vm14 =	vlt.s32 v8, v7  }
0x2ae: {  	s26 =	simm.s32 $0xFC;
	[tilespmem:s22+$0xFFFFFFB0] =	vst v0;
	v8 =	vld [tilespmem:s23+$0xFFFFFFD0];
	vm3 =	vge.s32 v9, v7;
	vm4 =	vmand vm13, vm4;
	vm0 =	vlt.s32 v9, v7  }
0x2af: {  	s29 =	simm.s32 $0xFB;
	[tilespmem:s22+$0xFFFFFF90] =	vst v0;
	v10 =	vld [tilespmem:s23+$0xFFFFFFC0];
	vm3 =	vmand vm14, vm3;
	v5 =	vadd.s32 v9, v11;
	v11 =	vsel vm5, s26, v14  }
0x2b0: {  	s30 =	simm.s32 $0xFA;
	[tilespmem:s22+$0xFFFFFFA0] =	vst v0;
	v9 =	vld [tilespmem:s23+$0xFFFFFFB0];
	vm5 =	vge.s32 v5, v7;
	v11 =	vsel vm1, s29, v11;
	v12 =	vadd.s32 v5, v12  }
0x2b1: {  	s31 =	simm.s32 $0xF9;
	[tilespmem:s23+$0xFFFFFFE0] =	vst v0;
	v14 =	vld [tilespmem:s23+$0xFFFFFFA0];
	vm1 =	vmand vm0, vm5;
	v11 =	vsel vm2, s30, v11;
	v13 =	vadd.s32 v12, v13  }
0x2b2: {  	[tilespmem:s23+$0x0] =	vst v0;
	s25 =	simm.s32 $0xF8;
	v15 =	vld [tilespmem:s23+$0xFFFFFF90];
	vm2 =	vge.s32 v12, v7;
	vm0 =	vlt.s32 v12, v7;
	v11 =	vsel vm4, s31, v11  }
0x2b3: {  	[tilespmem:s23+$0xFFFFFFC0] =	vst v0;
	v8 =	vadd.s32 v13, v8;
	vm5 =	vge.s32 v13, v7;
	v11 =	vsel vm3, s25, v11  }
0x2b4: {  	[tilespmem:s23+$0xFFFFFFD0] =	vst v0;
	v12 =	vadd.s32 v8, v10;
	vm0 =	vmand vm0, vm5;
	vm3 =	vge.s32 v8, v7  }
0x2b5: {  	s24 =	simm.s32 $0xF7;
	[tilespmem:s23+$0xFFFFFF90] =	vst v0;
	vm4 =	vlt.s32 v8, v7;
	vm5 =	vlt.s32 v13, v7;
	v10 =	vadd.s32 v12, v9  }
0x2b6: {  	[tilespmem:s23+$0xFFFFFFB0] =	vst v0;
	v11 =	vsel vm1, s24, v11;
	vm15 =	vge.s32 v12, v7;
	v9 =	vadd.s32 v10, v14  }
0x2b7: {  	s28 =	simm.s32 $0x10EF0;
	[tilespmem:s23+$0xFFFFFFA0] =	vst v0;
	s26 =	simm.s32 $0x8;
	s25 =	simm.s32 $0xF7;
	vm3 =	vmand vm5, vm3;
	vm1 =	vmand vm4, vm15;
	v8 =	vadd.s32 v9, v15  }
.LBB2_21:
0x2b8: {  	v13 =	vld [tilespmem:s28+$0x0];
	s26 =	sadd.s32 $0x8, s26;
	vm4 =	vlt.s32 v12, v7;
	vm5 =	vge.s32 v10, v7;
	vm6 =	vlt.s32 v10, v7;
	[tilespmem:s22+$0xFFFFFFF0] =	vst v0;
	s22 =	smov.u32 s23;
	s23 =	smov.u32 s28  }
0x2b9: {  	vm7 =	vlt.s32 v5, v7;
	[tilespmem:s28+$0x0] =	vst v0;
	v10 =	vld [tilespmem:s28+$0xFFFFFFF0];
	p0 =	slt.u32 s26, $0xF8;
	vm5 =	vmand vm4, vm5;
	vm4 =	vge.s32 v9, v7  }
0x2ba: {  	s29 =	sadd.s32 $0xFFFFFFFF, s24;
	vm2 =	vmand vm7, vm2;
	v12 =	vld [tilespmem:s28+$0xFFFFFFE0];
	vm4 =	vmand vm6, vm4;
	vm6 =	vlt.s32 v9, v7  }
0x2bb: {  	v5 =	vsel vm2, s29, v11;
	s29 =	sadd.s32 $0xFFFFFFFE, s24;
	vm2 =	vge.s32 v8, v7;
	[tilespmem:s28+$0xFFFFFFE0] =	vst v0;
	v9 =	vld [tilespmem:s28+$0xFFFFFFD0]  }
0x2bc: {  	v14 =	vsel vm0, s29, v5;
	s29 =	sadd.s32 $0xFFFFFFFD, s24;
	vm6 =	vmand vm6, vm2;
	[tilespmem:s28+$0xFFFFFFD0] =	vst v0;
	v11 =	vld [tilespmem:s28+$0xFFFFFFC0]  }
0x2bd: {  	vm0 =	vlt.s32 v8, v7;
	v5 =	vadd.s32 v8, v13;
	[tilespmem:s28+$0xFFFFFFC0] =	vst v0;
	v8 =	vld [tilespmem:s28+$0xFFFFFFB0];
	v13 =	vsel vm3, s29, v14;
	s29 =	sadd.s32 $0xFFFFFFFC, s24  }
0x2be: {  	vm2 =	vge.s32 v5, v7;
	v10 =	vadd.s32 v5, v10;
	[tilespmem:s28+$0xFFFFFFB0] =	vst v0;
	v14 =	vld [tilespmem:s28+$0xFFFFFFA0];
	v13 =	vsel vm1, s29, v13;
	s29 =	sadd.s32 $0xFFFFFFFB, s24  }
0x2bf: {  	s24 =	sadd.s32 $0xFFFFFFF8, s24;
	vm1 =	vmand vm0, vm2;
	v15 =	vadd.s32 v10, v12;
	[tilespmem:s28+$0xFFFFFFA0] =	vst v0;
	v16 =	vld [tilespmem:s28+$0xFFFFFF90];
	v13 =	vsel vm5, s29, v13;
	s29 =	sadd.s32 $0xFFFFFFFA, s25  }
0x2c0: {  	s30 =	sadd.s32 $0xFFFFFFF9, s25;
	vm2 =	vge.s32 v10, v7;
	vm0 =	vlt.s32 v10, v7;
	s25 =	smov.u32 s24;
	v9 =	vadd.s32 v15, v9;
	[tilespmem:s28+$0xFFFFFF90] =	vst v0  }
.Ltmp11:
0x2c1: {  	vm3 =	vge.s32 v15, v7;
	v12 =	vadd.s32 v9, v11;
	v11 =	vsel vm4, s29, v13;
	(pc) =	sbr.rel @p0 .LBB2_21-.Ltmp11, $4  }
0x2c2: {  	vm0 =	vmand vm0, vm3;
	v10 =	vadd.s32 v12, v8;
	v11 =	vsel vm6, s30, v11  }
0x2c3: {  	vm3 =	vge.s32 v9, v7;
	vm4 =	vlt.s32 v9, v7;
	v9 =	vadd.s32 v10, v14  }
0x2c4: {  	vm5 =	vlt.s32 v15, v7;
	vm6 =	vge.s32 v12, v7;
	v8 =	vadd.s32 v9, v16  }
0x2c5: {  	s28 =	sadd.s32 $0xFFFFFF80, s28;
	vm3 =	vmand vm5, vm3;
	v11 =	vsel vm1, s24, v11;
	vm1 =	vmand vm4, vm6  }
0x2c6: {  	vm4 =	vlt.s32 v12, v7;
	vm5 =	vlt.s32 v5, v7;
	vm10 =	vge.s32 v10, v7  }
0x2c7: {  	s26 =	simm.s32 $0x7;
	s29 =	simm.s32 $0x5;
	vm11 =	vlt.s32 v10, v7;
	vm12 =	vge.s32 v9, v7;
	vm13 =	vlt.s32 v9, v7  }
0x2c8: {  	v5 =	vadd.s32 s26, v1;
	vm2 =	vmand vm5, vm2;
	v12 =	vadd.s32 s29, v1  }
0x2c9: {  	s30 =	sadd.s32 $0xFFFFFFFF, s24;
	v13 =	vshll.u32 v5, $0x3;
	v5 =	vand.u32 $0x7F, v5;
	v14 =	vshll.u32 v12, $0x3  }
0x2ca: {  	s31 =	sadd.s32 $0xFFFFFFFE, s24;
	v12 =	vand.u32 $0x7F, v12;
	v11 =	vsel vm2, s30, v11;
	v13 =	vand.u32 $0x3C00, v13  }
0x2cb: {  	s28 =	sadd.s32 $0xFFFFFFFD, s24;
	v11 =	vsel vm0, s31, v11;
	v5 =	vor.u32 v13, v5;
	v13 =	vand.u32 $0x3C00, v14  }
0x2cc: {  	s29 =	sadd.s32 $0xFFFFFFFC, s24;
	v10 =	vsel vm3, s28, v11;
	v5 =	vor.u32 v2, v5;
	v12 =	vor.u32 v13, v12  }
0x2cd: {  	vm2 =	vmand vm4, vm10;
	s30 =	sadd.s32 $0xFFFFFFFB, s24;
	v10 =	vsel vm1, s29, v10;
	v31 =	vor.u32 v2, v12  }
0x2ce: {  	vm14 =	vge.s32 v8, v7;
	vm0 =	vmand vm11, vm12;
	s31 =	sadd.s32 $0xFFFFFFFA, s25;
	v7 =	vsel vm2, s30, v10  }
0x2cf: {  	[tilespmem:s22+$0xFFFFFFF0] =	vst v0;
	s24 =	sadd.s32 $0xFFFFFFF9, s25;
	s25 =	simm.s32 $0x1;
	vm1 =	vmand vm13, vm14;
	v7 =	vsel vm0, s31, v7  }
0x2d0: {  	[tilespmem:s23+$0xFFFFFFF0] =	vst v0;
	v9 =	vadd.s32 s25, v1;
	v7 =	vsel vm1, s24, v7  }
0x2d1: {  	v6 =	vshll.u32 v6, $0x18;
	v11 =	vshll.u32 v9, $0x3;
	v7 =	vshll.u32 v7, $0x10;
	v8 =	vld.idx.msk [tilespmem:v5+s11+$0x0], $0xffff  }
0x2d2: {  	v7 =	vor.u32 v6, v7;
	v6 =	vand.u32 $0x7F, v9;
	v9 =	vand.u32 $0x3C00, v11;
	v10 =	vld.idx.msk [tilespmem:v31+s11+$0x0], $0xffff  }
0x2d3: {  	v6 =	vor.u32 v9, v6  }
0x2d4: {  	s29 =	simm.s32 $0x3;
	v6 =	vor.u32 v2, v6  }
0x2d5: {  	s26 =	simm.s32 $0x4;
	v14 =	vadd.s32 s29, v1;
	vm15 =	vgt.s32 v7, $0xFFFFFFFF  }
0x2d6: {  	v11 =	vadd.s32 s26, v1;
	v9 =	vsel vm15, $0xFFFFFFFF, v4;
	vm4 =	vgt.s32 v8, $0xFFFFFFFF  }
0x2d7: {  	v9 =	vxor.u32 v7, v9;
	v7 =	vsel vm4, $0xFFFFFFFF, v4;
	vm5 =	vgt.s32 v10, $0xFFFFFFFF  }
0x2d8: {  	v12 =	vshll.u32 v11, $0x3;
	v7 =	vxor.u32 v8, v7;
	v8 =	vsel vm5, $0xFFFFFFFF, v4  }
0x2d9: {  	s30 =	simm.s32 $0x6;
	v13 =	vsub.f32 v9, v7;
	v27 =	vxor.u32 v10, v8;
	v8 =	vand.u32 $0x3C00, v12;
	v12 =	vld.idx.msk [tilespmem:v6+s11+$0x0], $0xffff  }
0x2da: {  	v15 =	vadd.s32 s30, v1;
	v10 =	vand.u32 $0x7F, v11;
	v11 =	vsub.f32 v9, v27  }
0x2db: {  	v16 =	vshll.u32 v14, $0x3;
	v8 =	vor.u32 v8, v10;
	v10 =	vmul.f32 $1.442695020e+00, v13  }
0x2dc: {  	v14 =	vand.u32 $0x7F, v14;
	v8 =	vor.u32 v2, v8;
	v11 =	vmul.f32 $1.442695020e+00, v11  }
0x2dd: {  	(erf) = vpow2.f32 v10;
	v10 =	vshll.u32 v15, $0x3;
	v15 =	vand.u32 $0x7F, v15  }
0x2de: {  	s29 =	simm.s32 $0xB;
	(erf) = vpow2.f32 v11;
	v10 =	vand.u32 $0x3C00, v10;
	vm6 =	vgt.s32 v12, $0xFFFFFFFF  }
0x2df: {  	s31 =	simm.s32 $0x0;
	v25 =	vadd.s32 s29, v1;
	v15 =	vor.u32 v10, v15;
	v10 =	vsel vm6, $0xFFFFFFFF, v4  }
0x2e0: {  	s28 =	simm.s32 $0x2;
	v16 =	vand.u32 $0x3C00, v16;
	v18 =	vadd.s32 s31, v1;
	v10 =	vxor.u32 v12, v10  }
0x2e1: {  	s30 =	simm.s32 $0xE;
	v13 =	vadd.s32 s28, v1;
	v17 =	vld.idx.msk [tilespmem:v8+s11+$0x0], $0xffff;
	v12 =	vor.u32 v16, v14;
	v14 =	vsub.f32 v9, v10  }
0x2e2: {  	v34 =	vadd.s32 s30, v1;
	v11 =	vand.u32 $0x7F, v13;
	v13 =	vshll.u32 v13, $0x3  }
0x2e3: {  	v36 =	vshll.u32 v25, $0x3;
	v13 =	vand.u32 $0x3C00, v13;
	v14 =	vmul.f32 $1.442695020e+00, v14  }
0x2e4: {  	v25 =	vand.u32 $0x7F, v25;
	v16 =	vor.u32 v2, v15;
	v11 =	vor.u32 v13, v11  }
0x2e5: {  	v13 =	vshll.u32 v18, $0x3;
	v18 =	vand.u32 $0x7F, v18;
	v12 =	vor.u32 v2, v12  }
0x2e6: {  	v13 =	vand.u32 $0x3C00, v13;
	v15 =	vor.u32 v2, v11;
	vm7 =	vgt.s32 v17, $0xFFFFFFFF;
	v19 =	vpop (erf)  }
0x2e7: {  	s23 =	simm.s32 $0xF;
	v11 =	vor.u32 v13, v18;
	(erf) = vpow2.f32 v14;
	v13 =	vsel vm7, $0xFFFFFFFF, v4;
	v14 =	vpop (erf)  }
0x2e8: {  	s24 =	simm.s32 $0xD;
	v18 =	vadd.f32 $1.000000000e+00, v14;
	v14 =	vxor.u32 v17, v13;
	v13 =	vadd.s32 s23, v1  }
0x2e9: {  	v29 =	vadd.f32 $1.000000000e+00, v19;
	v17 =	vadd.s32 s24, v1;
	v19 =	vshll.u32 v13, $0x3  }
0x2ea: {  	v13 =	vand.u32 $0x7F, v13;
	v20 =	vshll.u32 v17, $0x3;
	v19 =	vand.u32 $0x3C00, v19  }
0x2eb: {  	v17 =	vand.u32 $0x7F, v17;
	v13 =	vor.u32 v19, v13;
	v19 =	vand.u32 $0x3C00, v20  }
0x2ec: {  	s31 =	simm.s32 $0x8;
	v36 =	vand.u32 $0x3C00, v36;
	v13 =	vor.u32 v2, v13;
	v17 =	vor.u32 v19, v17  }
0x2ed: {  	s25 =	simm.s32 $0x9;
	v55 =	vadd.s32 s31, v1;
	s26 =	simm.s32 $0xA;
	v56 =	vor.u32 v36, v25;
	v21 =	vld.idx.msk [tilespmem:v16+s11+$0x0], $0xffff;
	v20 =	vor.u32 v2, v17  }
0x2ee: {  	v58 =	vand.u32 $0x7F, v55;
	v23 =	vadd.s32 s26, v1;
	v28 =	vld.idx.msk [tilespmem:v12+s11+$0x0], $0xffff;
	v19 =	vadd.s32 s25, v1  }
0x2ef: {  	v35 =	vshll.u32 v23, $0x3;
	v11 =	vor.u32 v2, v11;
	v24 =	vshll.u32 v19, $0x3  }
0x2f0: {  	v37 =	vand.u32 $0x7F, v23;
	s28 =	simm.s32 $0xC;
	v19 =	vand.u32 $0x7F, v19;
	v24 =	vand.u32 $0x3C00, v24  }
0x2f1: {  	v22 =	vsub.f32 v9, v14;
	v17 =	vadd.s32 s28, v1;
	v19 =	vor.u32 v24, v19;
	v33 =	vld.idx.msk [tilespmem:v13+s11+$0x0], $0xffff  }
0x2f2: {  	v26 =	vshll.u32 v17, $0x3;
	v24 =	vand.u32 $0x7F, v17;
	v17 =	vor.u32 v2, v19;
	v19 =	vld.idx.msk [tilespmem:v20+s11+$0x0], $0xffff  }
0x2f3: {  	vm8 =	vgt.s32 v21, $0xFFFFFFFF;
	vm9 =	vgt.s32 v28, $0xFFFFFFFF;
	v22 =	vmul.f32 $1.442695020e+00, v22  }
0x2f4: {  	v35 =	vand.u32 $0x3C00, v35;
	v30 =	vld.idx.msk [tilespmem:v11+s11+$0x0], $0xffff;
	v32 =	vsel vm8, $0xFFFFFFFF, v4;
	v42 =	vsel vm9, $0xFFFFFFFF, v4  }
0x2f5: {  	(erf) = vpow2.f32 v22;
	v22 =	vshll.u32 v34, $0x3;
	v26 =	vand.u32 $0x3C00, v26  }
0x2f6: {  	(erf) = vrcp.f32 v18;
	v23 =	vor.u32 v26, v24;
	vm11 =	vgt.s32 v33, $0xFFFFFFFF  }
0x2f7: {  	v18 =	vor.u32 v2, v23;
	v24 =	vsel vm11, $0xFFFFFFFF, v4;
	vm12 =	vgt.s32 v19, $0xFFFFFFFF  }
0x2f8: {  	v34 =	vand.u32 $0x7F, v34;
	v52 =	vld.idx.msk [tilespmem:v17+s11+$0x0], $0xffff;
	v26 =	vxor.u32 v33, v24;
	v24 =	vsel vm12, $0xFFFFFFFF, v4  }
0x2f9: {  	vm10 =	vgt.s32 v30, $0xFFFFFFFF;
	v38 =	vsub.f32 v9, v26;
	v19 =	vxor.u32 v19, v24  }
0x2fa: {  	v28 =	vxor.u32 v28, v42;
	v22 =	vand.u32 $0x3C00, v22;
	v24 =	vsub.f32 v9, v19  }
0x2fb: {  	v54 =	vsel vm10, $0xFFFFFFFF, v4;
	v23 =	vxor.u32 v21, v32;
	v21 =	vmul.f32 $1.442695020e+00, v38  }
0x2fc: {  	v22 =	vor.u32 v22, v34;
	v32 =	vor.u32 v2, v56;
	v41 =	vld.idx.msk [tilespmem:v18+s11+$0x0], $0xffff;
	v39 =	vmul.f32 $1.442695020e+00, v24  }
0x2fd: {  	v53 =	vpop (erf);
	v57 =	vsub.f32 v9, v23;
	vm13 =	vgt.s32 v52, $0xFFFFFFFF;
	(erf) = vpow2.f32 v21  }
0x2fe: {  	v59 =	vpop (erf);
	v24 =	vxor.u32 v30, v54;
	v30 =	vsel vm13, $0xFFFFFFFF, v4;
	(erf) = vpow2.f32 v39  }
0x2ff: {  	v36 =	vadd.f32 $1.000000000e+00, v59;
	v25 =	vxor.u32 v52, v30;
	v21 =	vor.u32 v2, v22;
	v30 =	vld.idx.msk [tilespmem:v15+s11+$0x0], $0xffff  }
0x300: {  	v40 =	vpop (erf);
	v33 =	vadd.f32 $1.000000000e+00, v53;
	v38 =	vshll.u32 v55, $0x3;
	v34 =	vsub.f32 v9, v25  }
0x301: {  	v61 =	vmul.f32 v27, v40;
	vm14 =	vgt.s32 v41, $0xFFFFFFFF;
	v38 =	vand.u32 $0x3C00, v38  }
0x302: {  	v60 =	vsub.f32 v9, v24;
	(erf) = vrcp.f32 v33;
	v34 =	vmul.f32 $1.442695020e+00, v34  }
0x303: {  	v22 =	vor.u32 v35, v37;
	v35 =	vmul.f32 $1.442695020e+00, v57;
	(erf) = vrcp.f32 v29  }
0x304: {  	v27 =	vmul.f32 $1.442695020e+00, v60;
	vm15 =	vgt.s32 v30, $0xFFFFFFFF;
	(erf) = vpow2.f32 v34;
	v34 =	vld.idx.msk [tilespmem:v21+s11+$0x0], $0xffff  }
0x305: {  	v37 =	vor.u32 v38, v58;
	v22 =	vor.u32 v2, v22;
	v62 =	vsel vm15, $0xFFFFFFFF, v4  }
0x306: {  	v40 =	vld.idx.msk [tilespmem:v32+s11+$0x0], $0xffff;
	v37 =	vor.u32 v2, v37;
	v43 =	vpop (erf);
	(erf) = vpow2.f32 v27;
	v27 =	vxor.u32 v30, v62  }
0x307: {  	v29 =	vsel vm14, $0xFFFFFFFF, v4;
	v63 =	vpop (erf);
	(erf) = vpow2.f32 v35;
	v38 =	vsub.f32 v9, v27  }
0x308: {  	s22 =	simm.s32 $0x10;
	[tilespmem:v31+s11+$0x0] =	vst.idx.msk $0xffff, v61;
	v29 =	vxor.u32 v41, v29;
	v30 =	vadd.f32 $1.000000000e+00, v43;
	v39 =	vadd.f32 $1.000000000e+00, v63  }
.LBB2_23:
0x309: {  	s24 =	sadd.s32 $0x1, s22;
	v41 =	vsub.f32 v9, v29;
	vm1 =	vgt.s32 v34, $0xFFFFFFFF  }
0x30a: {  	s25 =	sadd.s32 $0x2, s22;
	s26 =	sadd.s32 $0x3, s22;
	v45 =	vmul.f32 $1.442695020e+00, v38;
	v31 =	vmovc v20;
	v33 =	vmovc v32;
	v38 =	vmov v11;
	v11 =	vmov v37;
	s23 =	smov.u32 s22  }
0x30b: {  	s28 =	sadd.s32 $0x6, s22;
	vm0 =	vgt.s32 v40, $0xFFFFFFFF;
	v32 =	vadd.s32 s24, v1;
	v42 =	vadd.s32 s25, v1;
	s24 =	sadd.s32 $0x4, s22;
	s25 =	sadd.s32 $0x5, s22;
	v43 =	vpop (erf)  }
0x30c: {  	p0 =	slt.u32 s22, $0x7F8;
	s22 =	sadd.s32 $0x8, s22;
	v20 =	vadd.s32 s24, v1;
	v44 =	vadd.s32 s25, v1;
	s24 =	sadd.s32 $0x7, s23;
	(erf) = vpow2.f32 v45;
	v35 =	vpop (erf)  }
0x30d: {  	v45 =	vshll.u32 v32, $0x3;
	v46 =	vadd.s32 s24, v1;
	v37 =	vld.idx.msk [tilespmem:v37+s11+$0x0], $0xffff;
	v50 =	vmul.f32 v7, v35;
	v7 =	vmovc v26;
	v35 =	vmovc v40  }
0x30e: {  	v49 =	vsub.f32 v9, v28;
	v26 =	vadd.s32 s26, v1;
	v40 =	vshll.u32 v46, $0x3;
	v48 =	vpop (erf)  }
0x30f: {  	v41 =	vmul.f32 $1.442695020e+00, v41;
	v46 =	vand.u32 $0x7F, v46;
	v40 =	vand.u32 $0x3C00, v40;
	[tilespmem:v5+s11+$0x0] =	vst.idx.msk $0xffff, v50;
	v47 =	vpop (erf)  }
0x310: {  	v50 =	vshll.u32 v44, $0x3;
	v40 =	vor.u32 v40, v46;
	v46 =	vsel vm1, $0xFFFFFFFF, v4;
	v51 =	vpop (erf)  }
0x311: {  	v49 =	vmul.f32 $1.442695020e+00, v49;
	v44 =	vand.u32 $0x7F, v44;
	v5 =	vmovc v13;
	v13 =	vor.u32 v2, v40  }
0x312: {  	v50 =	vand.u32 $0x3C00, v50;
	v40 =	vshll.u32 v20, $0x3;
	v51 =	vadd.f32 $1.000000000e+00, v51  }
0x313: {  	v47 =	vadd.f32 $1.000000000e+00, v47;
	v44 =	vor.u32 v50, v44;
	v40 =	vand.u32 $0x3C00, v40  }
0x314: {  	v50 =	vand.u32 $0x7F, v20;
	v20 =	vor.u32 v2, v44;
	(erf) = vpow2.f32 v49  }
0x315: {  	v32 =	vand.u32 $0x7F, v32;
	v44 =	vadd.s32 s28, v1;
	(erf) = vpow2.f32 v41;
	v41 =	vpop (erf)  }
0x316: {  	v45 =	vand.u32 $0x3C00, v45;
	v49 =	vshll.u32 v44, $0x3;
	v52 =	vld.idx.msk [tilespmem:v13+s11+$0x0], $0xffff;
	v41 =	vadd.f32 $1.000000000e+00, v41  }
0x317: {  	v32 =	vor.u32 v45, v32;
	v44 =	vand.u32 $0x7F, v44;
	(erf) = vrcp.f32 v47  }
0x318: {  	v32 =	vor.u32 v2, v32;
	v45 =	vand.u32 $0x3C00, v49;
	(erf) = vrcp.f32 v36  }
0x319: {  	v36 =	vand.u32 $0x7F, v42;
	v42 =	vshll.u32 v42, $0x3;
	v47 =	vld.idx.msk [tilespmem:v20+s11+$0x0], $0xffff;
	(erf) = vrcp.f32 v51  }
0x31a: {  	v43 =	vmul.f32 v10, v43;
	v10 =	vmovc v25;
	v49 =	vshll.u32 v26, $0x3;
	v42 =	vand.u32 $0x3C00, v42  }
0x31b: {  	vm1 =	vgt.s32 v37, $0xFFFFFFFF;
	v25 =	vand.u32 $0x3C00, v49;
	v44 =	vor.u32 v45, v44  }
0x31c: {  	v45 =	vand.u32 $0x7F, v26;
	vm2 =	vgt.s32 v52, $0xFFFFFFFF;
	[tilespmem:v6+s11+$0x0] =	vst.idx.msk $0xffff, v43;
	(erf) = vrcp.f32 v41;
	v6 =	vmovc v17;
	v17 =	vmovc v32  }
0x31d: {  	v40 =	vor.u32 v40, v50;
	v26 =	vsel vm2, $0xFFFFFFFF, v4;
	v32 =	vld.idx.msk [tilespmem:v32+s11+$0x0], $0xffff;
	(erf) = vrcp.f32 v39;
	v39 =	vpop (erf)  }
0x31e: {  	v41 =	vadd.f32 $1.000000000e+00, v48;
	v26 =	vxor.u32 v52, v26;
	v43 =	vpop (erf);
	v39 =	vadd.f32 $1.000000000e+00, v39  }
0x31f: {  	v34 =	vxor.u32 v34, v46;
	vm2 =	vgt.s32 v47, $0xFFFFFFFF;
	v50 =	vsub.f32 v9, v26  }
0x320: {  	v40 =	vor.u32 v2, v40;
	v46 =	vsel vm2, $0xFFFFFFFF, v4;
	v49 =	vpop (erf);
	(erf) = vrcp.f32 v39  }
0x321: {  	v52 =	vsel vm1, $0xFFFFFFFF, v4;
	v39 =	vxor.u32 v47, v46;
	v46 =	vmul.f32 $1.442695020e+00, v50;
	v48 =	vpop (erf)  }
0x322: {  	v37 =	vxor.u32 v37, v52;
	v50 =	vadd.s32 s23, v1;
	v51 =	vsub.f32 v9, v39;
	v47 =	vpop (erf)  }
0x323: {  	v45 =	vor.u32 v25, v45;
	v44 =	vor.u32 v2, v44;
	v25 =	vmul.f32 v23, v47;
	v23 =	vmovc v34  }
0x324: {  	vm1 =	vgt.s32 v32, $0xFFFFFFFF;
	v48 =	vmul.f32 v14, v48;
	v14 =	vmovc v29;
	v34 =	vmul.f32 $1.442695020e+00, v51;
	v47 =	vld.idx.msk [tilespmem:v22+s11+$0x0], $0xffff  }
0x325: {  	v36 =	vor.u32 v42, v36;
	v51 =	vsel vm1, $0xFFFFFFFF, v4;
	v42 =	vld.idx.msk [tilespmem:v40+s11+$0x0], $0xffff;
	(erf) = vpow2.f32 v46;
	[tilespmem:v16+s11+$0x0] =	vst.idx.msk $0xffff, v25;
	v16 =	vpop (erf)  }
0x326: {  	v24 =	vmul.f32 v24, v49;
	v25 =	vxor.u32 v32, v51;
	(erf) = vpow2.f32 v34;
	v29 =	vpop (erf);
	[tilespmem:v8+s11+$0x0] =	vst.idx.msk $0xffff, v48  }
0x327: {  	v46 =	vor.u32 v2, v36;
	v34 =	vsub.f32 v9, v25;
	v48 =	vsub.f32 v9, v23;
	v8 =	vmovc v18  }
0x328: {  	v49 =	vand.u32 $0x7F, v50;
	v32 =	vor.u32 v2, v45;
	v16 =	vmul.f32 v27, v16;
	[tilespmem:v38+s11+$0x0] =	vst.idx.msk $0xffff, v24  }
0x329: {  	v36 =	vadd.f32 $1.000000000e+00, v43;
	v27 =	vmul.f32 $1.442695020e+00, v34;
	v38 =	vsub.f32 v9, v37;
	v18 =	vpop (erf)  }
0x32a: {  	v43 =	vsel vm0, $0xFFFFFFFF, v4;
	(erf) = vrcp.f32 v41;
	[tilespmem:v15+s11+$0x0] =	vst.idx.msk $0xffff, v16;
	v45 =	vmul.f32 v28, v18;
	v18 =	vmovc v40  }
0x32b: {  	v24 =	vmovc v37;
	vm0 =	vgt.s32 v42, $0xFFFFFFFF;
	v41 =	vmul.f32 v19, v29;
	v19 =	vmovc v39;
	(erf) = vrcp.f32 v30  }
0x32c: {  	v37 =	vmul.f32 $1.442695020e+00, v38;
	v16 =	vmovc v21;
	v28 =	vsel vm0, $0xFFFFFFFF, v4;
	vm0 =	vgt.s32 v47, $0xFFFFFFFF;
	v34 =	vld.idx.msk [tilespmem:v44+s11+$0x0], $0xffff;
	[tilespmem:v12+s11+$0x0] =	vst.idx.msk $0xffff, v45  }
.Ltmp12:
0x32d: {  	v21 =	vmovc v44;
	v15 =	vmovc v22;
	v30 =	vmul.f32 $1.442695020e+00, v48;
	v12 =	vshll.u32 v50, $0x3;
	v40 =	vld.idx.msk [tilespmem:v32+s11+$0x0], $0xffff;
	(erf) = vpow2.f32 v27;
	(pc) =	sbr.rel @p0 .LBB2_23-.Ltmp12, $4  }
0x32e: {  	v45 =	vsel vm0, $0xFFFFFFFF, v4;
	v50 =	vand.u32 $0x3C00, v12;
	v44 =	vpop (erf);
	(erf) = vpow2.f32 v37  }
0x32f: {  	v27 =	vxor.u32 v47, v45;
	v48 =	vor.u32 v50, v49;
	v29 =	vpop (erf);
	(erf) = vpow2.f32 v30  }
0x330: {  	v22 =	vmovc v46;
	v38 =	vsub.f32 v9, v27;
	v37 =	vor.u32 v2, v48;
	v12 =	vmovc v33;
	v39 =	vadd.f32 $1.000000000e+00, v29  }
0x331: {  	v30 =	vadd.f32 $1.000000000e+00, v44;
	v29 =	vxor.u32 v42, v28;
	v28 =	vxor.u32 v35, v43;
	[tilespmem:v31+s11+$0x0] =	vst.idx.msk $0xffff, v41  }
0x332: {  	v31 =	vmul.f32 $1.442695020e+00, v38;
	v33 =	vsub.f32 v9, v28;
	_ =	sdelay $0x1  }
0x333: {  	(erf) = vpow2.f32 v31;
	v54 =	vmul.f32 $1.442695020e+00, v33;
	_ =	sdelay $0x1  }
0x334: {  	(erf) = vpow2.f32 v54  }
0x335: {  	v33 =	vpop (erf)  }
0x336: {  	v55 =	vsub.f32 v9, v29;
	v35 =	vpop (erf)  }
0x337: {  	v41 =	vld.idx.msk [tilespmem:v37+s11+$0x0], $0xffff;
	v56 =	vpop (erf)  }
0x338: {  	v31 =	vmul.f32 $1.442695020e+00, v55;
	v42 =	vpop (erf)  }
0x339: {  	v42 =	vadd.f32 $1.000000000e+00, v42  }
0x33a: {  	(erf) = vpow2.f32 v31;
	v43 =	vpop (erf)  }
0x33b: {  	vm0 =	vgt.s32 v34, $0xFFFFFFFF;
	v57 =	vadd.f32 $1.000000000e+00, v43;
	(erf) = vrcp.f32 v42;
	v58 =	vpop (erf)  }
0x33c: {  	vm1 =	vgt.s32 v41, $0xFFFFFFFF;
	(erf) = vrcp.f32 v36;
	v59 =	vadd.f32 $1.000000000e+00, v58  }
0x33d: {  	v60 =	vld.idx.msk [tilespmem:v22+s11+$0x0], $0xffff;
	v61 =	vsel vm0, $0xFFFFFFFF, v4;
	v63 =	vsel vm1, $0xFFFFFFFF, v4;
	(erf) = vrcp.f32 v57;
	v62 =	vpop (erf)  }
0x33e: {  	v41 =	vxor.u32 v41, v63;
	(erf) = vrcp.f32 v59;
	v44 =	vadd.f32 $1.000000000e+00, v62  }
0x33f: {  	v38 =	vadd.f32 $1.000000000e+00, v56;
	v45 =	vsub.f32 v9, v41;
	(erf) = vrcp.f32 v39  }
0x340: {  	v34 =	vxor.u32 v34, v61;
	(erf) = vrcp.f32 v44  }
0x341: {  	v46 =	vsub.f32 v9, v34;
	v36 =	vmul.f32 $1.442695020e+00, v45;
	(erf) = vrcp.f32 v38  }
0x342: {  	vm14 =	vgt.s32 v40, $0xFFFFFFFF;
	vm15 =	vgt.s32 v60, $0xFFFFFFFF;
	(erf) = vrcp.f32 v30  }
0x343: {  	v48 =	vsel vm15, $0xFFFFFFFF, v4;
	v49 =	vpop (erf);
	v39 =	vmul.f32 $1.442695020e+00, v46;
	(erf) = vpow2.f32 v36  }
0x344: {  	v47 =	vsel vm14, $0xFFFFFFFF, v4;
	v30 =	vxor.u32 v60, v48;
	v50 =	vpop (erf)  }
0x345: {  	v38 =	vxor.u32 v40, v47;
	v51 =	vsub.f32 v9, v30;
	v52 =	vpop (erf);
	(erf) = vpow2.f32 v39  }
0x346: {  	v53 =	vsub.f32 v9, v38;
	v54 =	vpop (erf)  }
0x347: {  	v36 =	vmul.f32 $1.442695020e+00, v51;
	v55 =	vpop (erf)  }
0x348: {  	v9 =	vmul.f32 $1.442695020e+00, v53;
	v44 =	vpop (erf)  }
0x349: {  	(erf) = vpow2.f32 v36;
	v56 =	vpop (erf)  }
0x34a: {  	(erf) = vpow2.f32 v9;
	v57 =	vpop (erf)  }
0x34b: {  	v45 =	vpop (erf)  }
0x34c: {  	v46 =	vpop (erf)  }
0x34d: {  	v46 =	vadd.f32 $1.000000000e+00, v46  }
0x34e: {  	v42 =	vadd.f32 $1.000000000e+00, v49;
	v47 =	vpop (erf)  }
0x34f: {  	v58 =	vadd.f32 $1.000000000e+00, v47;
	(erf) = vrcp.f32 v46  }
0x350: {  	(erf) = vrcp.f32 v42  }
0x351: {  	v7 =	vmul.f32 v7, v35;
	(erf) = vrcp.f32 v58  }
0x352: {  	v10 =	vmul.f32 v10, v33;
	v59 =	vpop (erf)  }
0x353: {  	[tilespmem:v5+s11+$0x0] =	vst.idx.msk $0xffff, v7;
	v5 =	vmul.f32 v23, v54;
	v61 =	vpop (erf)  }
0x354: {  	[tilespmem:v6+s11+$0x0] =	vst.idx.msk $0xffff, v10;
	v6 =	vmul.f32 v14, v52;
	v60 =	vadd.f32 $1.000000000e+00, v59;
	v7 =	vadd.f32 $1.000000000e+00, v61  }
0x355: {  	[tilespmem:v16+s11+$0x0] =	vst.idx.msk $0xffff, v5;
	v5 =	vmul.f32 v24, v50  }
0x356: {  	[tilespmem:v8+s11+$0x0] =	vst.idx.msk $0xffff, v6;
	v6 =	vmul.f32 v27, v55;
	(erf) = vrcp.f32 v60  }
0x357: {  	[tilespmem:v11+s11+$0x0] =	vst.idx.msk $0xffff, v5;
	v5 =	vmul.f32 v28, v56;
	(erf) = vrcp.f32 v7  }
0x358: {  	[tilespmem:v15+s11+$0x0] =	vst.idx.msk $0xffff, v6;
	v6 =	vmul.f32 v19, v44;
	v7 =	vpop (erf)  }
0x359: {  	[tilespmem:v12+s11+$0x0] =	vst.idx.msk $0xffff, v5;
	v5 =	vmul.f32 v26, v45;
	v62 =	vpop (erf)  }
0x35a: {  	[tilespmem:v20+s11+$0x0] =	vst.idx.msk $0xffff, v6;
	v6 =	vmul.f32 v25, v57;
	v63 =	vpop (erf)  }
0x35b: {  	[tilespmem:v13+s11+$0x0] =	vst.idx.msk $0xffff, v5;
	v5 =	vmul.f32 v34, v63  }
0x35c: {  	[tilespmem:v17+s11+$0x0] =	vst.idx.msk $0xffff, v6;
	v6 =	vmul.f32 v29, v62;
	_ =	sdelay $0x2  }
0x35d: {  	p0 =	sne.s32 s19, $0x5;
	v7 =	vmul.f32 v41, v7;
	[tilespmem:v21+s11+$0x0] =	vst.idx.msk $0xffff, v5;
	v5 =	vpop (erf)  }
.Ltmp13:
0x35e: {  	[tilespmem:v18+s11+$0x0] =	vst.idx.msk $0xffff, v6;
	v5 =	vmul.f32 v30, v5;
	v6 =	vpop (erf);
	(pc) =	sbr.rel @!p0 .LBB2_25-.Ltmp13, $4  }
0x35f: {  	[tilespmem:v37+s11+$0x0] =	vst.idx.msk $0xffff, v7;
	v6 =	vmul.f32 v38, v6  }
0x360: {  	s21 =	sshll.u32 s21, $0x8;
	[tilespmem:v22+s11+$0x0] =	vst.idx.msk $0xffff, v5  }
0x361: {  	s21 =	sadd.s32 s4, s21;
	[tilespmem:v32+s11+$0x0] =	vst.idx.msk $0xffff, v6  }
0x362: {  	[hbm4b:s21+s3] =	stream.linear.scatter [tilespmem:s11], [sflag:$0x4], $0x8000, $0x38;
	[tilespmem:$0x11000] =	vst v63  }
0x363: {  	p0 =	sne.s32 s20, $0x6  }
.Ltmp14:
0x364: {  	_ = 	snop;
	(pc) =	sbr.rel @p0 .LBB2_4-.Ltmp14, $4  }
.Ltmp15:
0x365: {  	_ = 	snop;
	(pc) =	sbr.rel @!p0 .LBB2_27-.Ltmp15, $4  }
0x366: {  	_ = 	snop  }
0x367: {  	_ = 	snop  }
0x368: {  	s19 =	smov.u32 s20  }
0x369: {  	_ = 	snop  }
.LBB2_28:
0x36a: {  	_ =	sfence.sel $0x180000  }
0x36b: {  	[bflag:$0x0] =	sbarrier.arrive $0xFFFF  }
0x36c: {  	p0 =	sne.s32 s0, $0x0;
	_ =	strace $0x90000047  }
0x36d: {  	s0 =	sadd.s32 @!p0 $0x100000, s2;
	[bflag:$0x2] =	sbarrier.arrive $0xFFFF  }
0x36e: {  	[sflag:s0] =	ssyncadd.tile.s32 @!p0 $0x1;
	_ =	shalt  }
.Lfunc_end2:
_tile_overlayer_lowered:
.L_overlay_start_2:
0x36f: {  	(tag) =	ssettag $0x2  }
0x370: {  	s0 =	rddreg [dreg:$0x0];
	s2 =	stileid.u32  }
0x371: {  	s1 =	rddreg [dreg:$0x1];
	p0 =	sne.s32 s2, $0x0  }
0x372: {  	s3 =	rddreg [dreg:$0x2];
	[bflag:$0x3] =	sbarrier.arrive $0xFFFF;
	s2 =	simm.s32 @!p0 $0x1C05  }
0x373: {  	[timem:s3], [sflag:s2] =	dma.local @!p0 [hbm:s0], s1  }
0x374: {  	s0 =	simm.s32 @!p0 $0x5  }
0x375: {  	_ =	swait.ge @!p0 [sflag:s0], s1  }
0x376: {  	s1 =	ssub.s32 @!p0 $0x0, s1;
	[sflag:s0] =	ssyncset.done @!p0 $0x0  }
0x377: {  	[sflag:s0] =	ssyncadd.s32 @!p0 s1  }
0x378: {  	[bflag:$0x3] =	sbarrier.arrive $0xFFFF  }
0x379: {  	_ =	shalt  }

</sc_bundles>
